<compile_context>
chip_gen: v7x
topology: tpu7x:2x2x1
jax: 0.10.2.dev20260603
libtpu: 0.0.44.dev20260713+nightly
codegen_flags: <defaults>
</compile_context>

<pallas_src>
import functools

import jax
import jax.numpy as jnp
from jax import lax
from jax.experimental import pallas as pl
from jax.experimental.pallas import tpu as pltpu
from jax.experimental.pallas import tpu_sc as plsc

N = 10000
D = 128
NC = 2
NS = 16
NW = NC * NS
NPAD = 10240
CH = 128


def _mesh():
    return plsc.VectorSubcoreMesh(core_axis_name="c", subcore_axis_name="s",
                                  num_cores=NC, num_subcores=NS)




def _make_deg_kernel(chunks):
    @functools.partial(
        pl.kernel,
        mesh=_mesh(),
        out_type=jax.ShapeDtypeStruct((NC, NPAD), jnp.float32),
        scratch_types=[
            pltpu.VMEM((chunks, CH), jnp.int32),
            pltpu.VMEM((CH,), jnp.float32),
            pltpu.VMEM_SHARED((NPAD,), jnp.float32),
        ],
    )
    def deg_kernel(dst_hbm, ones_hbm, zeros_hbm, out_hbm, dstv, onesv, cnt):
        c = lax.axis_index("c")
        s = lax.axis_index("s")
        w = s * NC + c
        pltpu.sync_copy(dst_hbm.at[w], dstv)
        pltpu.sync_copy(ones_hbm, onesv)

        @pl.when(s == 0)
        def _():
            pltpu.sync_copy(zeros_hbm, cnt)

        plsc.subcore_barrier()

        def body(j, carry):
            pltpu.sync_copy(onesv, cnt.at[dstv.at[j]], add=True)
            return carry

        lax.fori_loop(0, chunks, body, 0)
        plsc.subcore_barrier()

        @pl.when(s == 0)
        def _():
            pltpu.sync_copy(cnt, out_hbm.at[c])

    return deg_kernel


STRIPE = NPAD // NS
ZC = STRIPE // CH


def _make_agg_kernel(chunks):
    half = chunks // 2

    @functools.partial(
        pl.kernel,
        mesh=_mesh(),
        out_type=jax.ShapeDtypeStruct((NC, NPAD, D), jnp.float32),
        scratch_types=[
            pltpu.VMEM((half, CH), jnp.int32),
            pltpu.VMEM((half, CH), jnp.int32),
            pltpu.VMEM((ZC, CH), jnp.int32),
            pltpu.VMEM((CH, D), jnp.float32),
            pltpu.VMEM((CH, D), jnp.float32),
            pltpu.VMEM_SHARED((NPAD, D), jnp.float32),
            pltpu.SemaphoreType.DMA,
            pltpu.SemaphoreType.DMA,
        ],
    )
    def agg_kernel(src_hbm, dst_hbm, g_hbm, zeros_hbm, iota_hbm, out_hbm,
                   srcv, dstv, idxz, rows0, rows1, acc, sem0, sem1):
        c = lax.axis_index("c")
        s = lax.axis_index("s")
        w = s * NC + c

        pltpu.sync_copy(iota_hbm.at[s], idxz)
        pltpu.sync_copy(zeros_hbm, rows0)
        for i in range(ZC):
            pltpu.sync_copy(rows0, acc.at[idxz.at[i]])

        plsc.subcore_barrier()

        rows = (rows0, rows1)
        sems = (sem0, sem1)
        for h in range(2):
            pltpu.sync_copy(src_hbm.at[w, pl.ds(h * half, half)], srcv)
            pltpu.sync_copy(dst_hbm.at[w, pl.ds(h * half, half)], dstv)
            pltpu.async_copy(g_hbm.at[srcv.at[0]], rows0, sem0)

            def body(j, carry):
                for b in range(2):
                    k = j * 2 + b
                    nxt = k + 1

                    @pl.when(nxt < half)
                    def _():
                        pltpu.async_copy(
                            g_hbm.at[srcv.at[nxt]], rows[1 - b], sems[1 - b])

                    pltpu.make_async_copy(
                        g_hbm.at[srcv.at[k]], rows[b], sems[b]).wait()
                    pltpu.sync_copy(rows[b], acc.at[dstv.at[k]], add=True)
                return carry

            lax.fori_loop(0, half // 2, body, 0)
        plsc.subcore_barrier()

        for i in range(ZC):
            pltpu.async_copy(acc.at[idxz.at[i]], rows[i % 2], sems[i % 2])
            pltpu.make_async_copy(
                acc.at[idxz.at[i]], rows[i % 2], sems[i % 2]).wait()
            pltpu.sync_copy(
                rows[i % 2],
                out_hbm.at[c, pl.ds(s * STRIPE + i * CH, CH)])

    return agg_kernel



RB = 2000


def _mm_scale_body(cnt_ref, x_ref, w_ref, dinv_ref, g_ref):
    deg = 1.0 + cnt_ref[0] + cnt_ref[1]
    dinv = lax.rsqrt(deg)
    dinv_ref[...] = dinv
    h = jnp.dot(x_ref[...], w_ref[...], preferred_element_type=jnp.float32)
    g_ref[...] = h * dinv


def _mm_scale(cnt, x, w):
    return pl.pallas_call(
        _mm_scale_body,
        grid=(N // RB,),
        in_specs=[
            pl.BlockSpec((NC, RB, 1), lambda i: (0, i, 0)),
            pl.BlockSpec((RB, D), lambda i: (i, 0)),
            pl.BlockSpec((D, D), lambda i: (0, 0)),
        ],
        out_specs=[
            pl.BlockSpec((RB, 1), lambda i: (i, 0)),
            pl.BlockSpec((RB, D), lambda i: (i, 0)),
        ],
        out_shape=[
            jax.ShapeDtypeStruct((N, 1), jnp.float32),
            jax.ShapeDtypeStruct((N, D), jnp.float32),
        ],
    )(cnt, x, w)


def _mid_body(a_ref, g_ref, dinv_ref, b_ref, w_ref, o_ref):
    agg = a_ref[0] + a_ref[1] + g_ref[...]
    t = agg * dinv_ref[...] + b_ref[...]
    t = jnp.where(t >= 0, t, 0.01 * t)
    h = jnp.dot(t, w_ref[...], preferred_element_type=jnp.float32)
    o_ref[...] = h * dinv_ref[...]


def _mid(a, g, dinv, b, w):
    return pl.pallas_call(
        _mid_body,
        grid=(N // RB,),
        in_specs=[
            pl.BlockSpec((NC, RB, D), lambda i: (0, i, 0)),
            pl.BlockSpec((RB, D), lambda i: (i, 0)),
            pl.BlockSpec((RB, 1), lambda i: (i, 0)),
            pl.BlockSpec((1, D), lambda i: (0, 0)),
            pl.BlockSpec((D, D), lambda i: (0, 0)),
        ],
        out_specs=pl.BlockSpec((RB, D), lambda i: (i, 0)),
        out_shape=jax.ShapeDtypeStruct((N, D), jnp.float32),
    )(a, g, dinv, b, w)


def _final_body(a_ref, g_ref, dinv_ref, b_ref, x_ref, o_ref):
    t = (a_ref[0] + a_ref[1] + g_ref[...]) * dinv_ref[...] + b_ref[...]
    t = jnp.where(t >= 0, t, 0.01 * t)
    o_ref[...] = t + x_ref[...]


def _final(a, g, dinv, b, x):
    return pl.pallas_call(
        _final_body,
        grid=(N // RB,),
        in_specs=[
            pl.BlockSpec((NC, RB, D), lambda i: (0, i, 0)),
            pl.BlockSpec((RB, D), lambda i: (i, 0)),
            pl.BlockSpec((RB, 1), lambda i: (i, 0)),
            pl.BlockSpec((1, D), lambda i: (0, 0)),
            pl.BlockSpec((RB, D), lambda i: (i, 0)),
        ],
        out_specs=pl.BlockSpec((RB, D), lambda i: (i, 0)),
        out_shape=jax.ShapeDtypeStruct((N, D), jnp.float32),
    )(a, g, dinv, b, x)




def kernel(x, edge_index, W0, b0, W1, b1):
    src = edge_index[0]
    dst = edge_index[1]
    e = src.shape[0]
    chunks = -(-e // (NW * CH))
    chunks += (-chunks) % 4
    ep = NW * CH * chunks
    pad = ep - e
    if pad:
        pad_ids = jnp.arange(pad, dtype=jnp.int32)
        src = jnp.concatenate([src, pad_ids % N])
        dst = jnp.concatenate([dst, N + pad_ids % (NPAD - N)])
    src3 = src.reshape(NW, chunks, CH)
    dst3 = dst.reshape(NW, chunks, CH)

    ones1 = jnp.ones((CH,), jnp.float32)
    zeros1 = jnp.zeros((NPAD,), jnp.float32)
    zrows = jnp.zeros((CH, D), jnp.float32)
    iota3 = jnp.arange(NPAD, dtype=jnp.int32).reshape(NS, ZC, CH)

    cnt = _make_deg_kernel(chunks)(dst3, ones1, zeros1)
    cnt = cnt.reshape(NC, NPAD, 1)
    dinv, g0 = _mm_scale(cnt, x, W0)

    agg = _make_agg_kernel(chunks)
    a0 = agg(src3, dst3, g0, zrows, iota3)
    g1 = _mid(a0, g0, dinv, b0.reshape(1, D), W1)
    a1 = agg(src3, dst3, g1, zrows, iota3)
    return _final(a1, g1, dinv, b1.reshape(1, D), x)

# --- scband reference (transcript-rebuilt; emitter-appended) ---
"""Pipeline reference for scband-frame-graph-gcn-64003602645243 (READ-ONLY COPY).

The authoritative reference and input builder live on the scoring server;
editing this copy changes nothing except your own understanding.
"""

import jax, jax.numpy as jnp
import numpy as np

N = 10000
E = 320000
D = 128


def setup_inputs(seed: int = 0) -> dict:
    key = jax.random.key(seed)
    ks = jax.random.split(key, 6)
    x = jax.random.normal(ks[0], (N, D), dtype=jnp.float32)
    edge_index = jax.random.randint(ks[1], (2, E), 0, N, dtype=jnp.int32)
    scale = 1.0 / np.sqrt(D)
    W0 = jax.random.normal(ks[2], (D, D), dtype=jnp.float32) * scale
    b0 = jnp.zeros((D,), dtype=jnp.float32)
    W1 = jax.random.normal(ks[3], (D, D), dtype=jnp.float32) * scale
    b1 = jnp.zeros((D,), dtype=jnp.float32)
    return {"x": x, "edge_index": edge_index, "W0": W0, "b0": b0, "W1": W1, "b1": b1}


def leaky_relu(x, negative_slope=0.01):
    return jnp.where(x >= 0, x, negative_slope * x)


def gcn_conv(x, edge_index, W, b):
    # Faithful GCNConv: add self-loops, symmetric D^{-1/2}(A+I)D^{-1/2} normalization,
    # linear transform, scatter-add aggregation over destination nodes, bias.
    n = x.shape[0]
    src = edge_index[0]
    dst = edge_index[1]
    loop = jnp.arange(n, dtype=src.dtype)
    src = jnp.concatenate([src, loop])
    dst = jnp.concatenate([dst, loop])
    deg = jnp.zeros((n,), dtype=x.dtype).at[dst].add(1.0)
    dinv = jnp.where(deg > 0, 1.0 / jnp.sqrt(deg), 0.0)
    norm = dinv[src] * dinv[dst]
    h = x @ W
    msg = h[src] * norm[:, None]
    out = jnp.zeros_like(h).at[dst].add(msg)
    return out + b


def reference(x, edge_index, W0, b0, W1, b1):
    x_orig = x
    h = leaky_relu(gcn_conv(x, edge_index, W0, b0))
    h = leaky_relu(gcn_conv(h, edge_index, W1, b1))
    return h + x_orig

if __name__ == "__main__":
    import jax
    _d = setup_inputs()
    print(jax.jit(kernel)(*tuple(_d.values())))

</pallas_src>

<mosaic_0001>
#map = affine_map<(d0, d1) -> (0, 0, 0)>
#map1 = affine_map<(d0, d1) -> (0)>
#map2 = affine_map<(d0, d1) -> (0, 0)>
module attributes {stable_mosaic.version = 14 : i64} {
  func.func @deg_kernel(%arg0: i32, %arg1: i32, %arg2: memref<32x80x128xi32, #tpu.memory_space<hbm>>, %arg3: memref<128xf32, #tpu.memory_space<hbm>>, %arg4: memref<10240xf32, #tpu.memory_space<hbm>>, %arg5: memref<2x10240xf32, #tpu.memory_space<hbm>>, %arg6: memref<80x128xi32, #tpu.memory_space<vmem>>, %arg7: memref<128xf32, #tpu.memory_space<vmem>>, %arg8: memref<10240xf32, #tpu.memory_space<vmem_shared>>) attributes {dimension_semantics = [#tpu.dimension_semantics<core_parallel>, #tpu.dimension_semantics<subcore_parallel>], iteration_bounds = array<i64: 2, 16>, scalar_prefetch = 0 : i64, scratch_operands = 3 : i64, tpu.core_type = #tpu.core_type<sc_vector_subcore>, window_params = [{transform_indices = #map}, {transform_indices = #map1}, {transform_indices = #map1}, {transform_indices = #map2}]} {
    %mul3A = arith.constant 2 : i32
    %mul3A_0 = arith.muli %arg1, %mul3A : i32
    %add3A = arith.addi %mul3A_0, %arg0 : i32
    "tpu.region"() ({
      %run_scoped3A = tpu.sem_alloc : memref<!tpu.dma_semaphore, #tpu.memory_space<semaphore_mem>>
      %dma_start3A = arith.constant 0 : i32
      %dma_start3A_14 = arith.constant 0 : i32
      %dma_start3A_15 = tpu.memref_slice %arg2[%add3A, %dma_start3A, %dma_start3A_14] : memref<32x80x128xi32, #tpu.memory_space<hbm>> -> memref<1x80x128xi32, #tpu.memory_space<hbm>>
      %dma_start3A_16 = tpu.memref_squeeze %dma_start3A_15 : memref<1x80x128xi32, #tpu.memory_space<hbm>> -> memref<80x128xi32, #tpu.memory_space<hbm>>
      %dma_start3A_17 = arith.constant 0 : i32
      %dma_start3A_18 = arith.constant 0 : i32
      %dma_start3A_19 = tpu.memref_slice %arg2[%add3A, %dma_start3A_17, %dma_start3A_18] : memref<32x80x128xi32, #tpu.memory_space<hbm>> -> memref<1x80x128xi32, #tpu.memory_space<hbm>>
      %dma_start3A_20 = tpu.memref_squeeze %dma_start3A_19 : memref<1x80x128xi32, #tpu.memory_space<hbm>> -> memref<80x128xi32, #tpu.memory_space<hbm>>
      tpu.enqueue_dma source(%dma_start3A_20 : memref<80x128xi32, #tpu.memory_space<hbm>>) target(%arg6 : memref<80x128xi32, #tpu.memory_space<vmem>>) target_semaphore(%run_scoped3A : memref<!tpu.dma_semaphore, #tpu.memory_space<semaphore_mem>>)
      %dma_wait3A = arith.constant 0 : i32
      %dma_wait3A_21 = arith.constant 0 : i32
      %dma_wait3A_22 = tpu.memref_slice %arg2[%add3A, %dma_wait3A, %dma_wait3A_21] : memref<32x80x128xi32, #tpu.memory_space<hbm>> -> memref<1x80x128xi32, #tpu.memory_space<hbm>>
      %dma_wait3A_23 = tpu.memref_squeeze %dma_wait3A_22 : memref<1x80x128xi32, #tpu.memory_space<hbm>> -> memref<80x128xi32, #tpu.memory_space<hbm>>
      %dma_wait3A_24 = arith.constant 0 : i32
      %dma_wait3A_25 = arith.constant 0 : i32
      %dma_wait3A_26 = tpu.memref_slice %arg2[%add3A, %dma_wait3A_24, %dma_wait3A_25] : memref<32x80x128xi32, #tpu.memory_space<hbm>> -> memref<1x80x128xi32, #tpu.memory_space<hbm>>
      %dma_wait3A_27 = tpu.memref_squeeze %dma_wait3A_26 : memref<1x80x128xi32, #tpu.memory_space<hbm>> -> memref<80x128xi32, #tpu.memory_space<hbm>>
      tpu.wait_dma2 semaphore(%run_scoped3A : memref<!tpu.dma_semaphore, #tpu.memory_space<semaphore_mem>>) src(%dma_wait3A_27 : memref<80x128xi32, #tpu.memory_space<hbm>>) dst(%arg6 : memref<80x128xi32, #tpu.memory_space<vmem>>)
      tpu.yield
    }) : () -> ()
    "tpu.region"() ({
      %run_scoped3A = tpu.sem_alloc : memref<!tpu.dma_semaphore, #tpu.memory_space<semaphore_mem>>
      tpu.enqueue_dma source(%arg3 : memref<128xf32, #tpu.memory_space<hbm>>) target(%arg7 : memref<128xf32, #tpu.memory_space<vmem>>) target_semaphore(%run_scoped3A : memref<!tpu.dma_semaphore, #tpu.memory_space<semaphore_mem>>)
      tpu.wait_dma2 semaphore(%run_scoped3A : memref<!tpu.dma_semaphore, #tpu.memory_space<semaphore_mem>>) src(%arg3 : memref<128xf32, #tpu.memory_space<hbm>>) dst(%arg7 : memref<128xf32, #tpu.memory_space<vmem>>)
      tpu.yield
    }) : () -> ()
    %eq3A = arith.constant 0 : i32
    %eq3A_1 = arith.cmpi eq, %arg1, %eq3A : i32
    %convert_element_type3A = arith.extui %eq3A_1 : i1 to i32
    %cond3A = arith.constant 0 : i32
    %cond3A_2 = arith.cmpi ne, %convert_element_type3A, %cond3A : i32
    scf.if %cond3A_2 {
      "tpu.region"() ({
        %run_scoped3A = tpu.sem_alloc : memref<!tpu.dma_semaphore, #tpu.memory_space<semaphore_mem>>
        tpu.enqueue_dma source(%arg4 : memref<10240xf32, #tpu.memory_space<hbm>>) target(%arg8 : memref<10240xf32, #tpu.memory_space<vmem_shared>>) target_semaphore(%run_scoped3A : memref<!tpu.dma_semaphore, #tpu.memory_space<semaphore_mem>>)
        tpu.wait_dma2 semaphore(%run_scoped3A : memref<!tpu.dma_semaphore, #tpu.memory_space<semaphore_mem>>) src(%arg4 : memref<10240xf32, #tpu.memory_space<hbm>>) dst(%arg8 : memref<10240xf32, #tpu.memory_space<vmem_shared>>)
        tpu.yield
      }) : () -> ()
    } else {
    }
    %barrier3A = arith.constant 0 : index
    tpu.barrier barrier_id(%barrier3A)
    %scan3A = arith.constant 0 : i32
    %scan3A_3 = arith.constant 0 : i32
    %scan3A_4 = arith.constant 80 : i32
    %scan3A_5 = arith.addi %scan3A_3, %scan3A_4 : i32
    %scan3A_6 = arith.constant 1 : i32
    scf.for %scan3A_14 = %scan3A_3 to %scan3A_5 step %scan3A_6  : i32 {
      "tpu.region"() ({
        %run_scoped3A = tpu.sem_alloc : memref<!tpu.dma_semaphore, #tpu.memory_space<semaphore_mem>>
        %dma_start3A = arith.constant 0 : i32
        %dma_start3A_15 = tpu.memref_slice %arg6[%scan3A_14, %dma_start3A] : memref<80x128xi32, #tpu.memory_space<vmem>> -> memref<1x128xi32, #tpu.memory_space<vmem>>
        %dma_start3A_16 = tpu.memref_squeeze %dma_start3A_15 : memref<1x128xi32, #tpu.memory_space<vmem>> -> memref<128xi32, #tpu.memory_space<vmem>>
        %dma_start3A_17 = arith.constant 0 : i32
        %dma_start3A_18 = tpu.memref_slice %arg8[%dma_start3A_17] : memref<10240xf32, #tpu.memory_space<vmem_shared>> -> memref<10240xf32, #tpu.memory_space<vmem_shared>>
        tpu.enqueue_indirect_dma source(%arg7 : memref<128xf32, #tpu.memory_space<vmem>>) target(%dma_start3A_18 : memref<10240xf32, #tpu.memory_space<vmem_shared>>) offsets(%dma_start3A_16 : memref<128xi32, #tpu.memory_space<vmem>>) semaphore(%run_scoped3A : memref<!tpu.dma_semaphore, #tpu.memory_space<semaphore_mem>>) {add = true}
        %dma_wait3A = arith.constant 0 : i32
        %dma_wait3A_19 = tpu.memref_slice %arg6[%scan3A_14, %dma_wait3A] : memref<80x128xi32, #tpu.memory_space<vmem>> -> memref<1x128xi32, #tpu.memory_space<vmem>>
        %dma_wait3A_20 = tpu.memref_squeeze %dma_wait3A_19 : memref<1x128xi32, #tpu.memory_space<vmem>> -> memref<128xi32, #tpu.memory_space<vmem>>
        %dma_wait3A_21 = arith.constant 0 : i32
        %dma_wait3A_22 = tpu.memref_slice %arg8[%dma_wait3A_21] : memref<10240xf32, #tpu.memory_space<vmem_shared>> -> memref<10240xf32, #tpu.memory_space<vmem_shared>>
        tpu.wait_indirect_dma semaphore(%run_scoped3A : memref<!tpu.dma_semaphore, #tpu.memory_space<semaphore_mem>>) src(%arg7 : memref<128xf32, #tpu.memory_space<vmem>>) dst(%dma_wait3A_22 : memref<10240xf32, #tpu.memory_space<vmem_shared>>)
        tpu.yield
      }) : () -> ()
    }
    %scan3A_7 = arith.constant 80 : i32
    %barrier3A_8 = arith.constant 0 : index
    tpu.barrier barrier_id(%barrier3A_8)
    %eq3A_9 = arith.constant 0 : i32
    %eq3A_10 = arith.cmpi eq, %arg1, %eq3A_9 : i32
    %convert_element_type3A_11 = arith.extui %eq3A_10 : i1 to i32
    %cond3A_12 = arith.constant 0 : i32
    %cond3A_13 = arith.cmpi ne, %convert_element_type3A_11, %cond3A_12 : i32
    scf.if %cond3A_13 {
      "tpu.region"() ({
        %run_scoped3A = tpu.sem_alloc : memref<!tpu.dma_semaphore, #tpu.memory_space<semaphore_mem>>
        %dma_start3A = arith.constant 0 : i32
        %dma_start3A_14 = tpu.memref_slice %arg5[%arg0, %dma_start3A] : memref<2x10240xf32, #tpu.memory_space<hbm>> -> memref<1x10240xf32, #tpu.memory_space<hbm>>
        %dma_start3A_15 = tpu.memref_squeeze %dma_start3A_14 : memref<1x10240xf32, #tpu.memory_space<hbm>> -> memref<10240xf32, #tpu.memory_space<hbm>>
        tpu.enqueue_dma source(%arg8 : memref<10240xf32, #tpu.memory_space<vmem_shared>>) target(%dma_start3A_15 : memref<10240xf32, #tpu.memory_space<hbm>>) target_semaphore(%run_scoped3A : memref<!tpu.dma_semaphore, #tpu.memory_space<semaphore_mem>>)
        %dma_wait3A = arith.constant 0 : i32
        %dma_wait3A_16 = tpu.memref_slice %arg5[%arg0, %dma_wait3A] : memref<2x10240xf32, #tpu.memory_space<hbm>> -> memref<1x10240xf32, #tpu.memory_space<hbm>>
        %dma_wait3A_17 = tpu.memref_squeeze %dma_wait3A_16 : memref<1x10240xf32, #tpu.memory_space<hbm>> -> memref<10240xf32, #tpu.memory_space<hbm>>
        tpu.wait_dma2 semaphore(%run_scoped3A : memref<!tpu.dma_semaphore, #tpu.memory_space<semaphore_mem>>) src(%arg8 : memref<10240xf32, #tpu.memory_space<vmem_shared>>) dst(%dma_wait3A_17 : memref<10240xf32, #tpu.memory_space<hbm>>)
        tpu.yield
      }) : () -> ()
    } else {
    }
    return
  }
}

#map = affine_map<(d0, d1) -> (0, 0, 0)>
#map1 = affine_map<(d0, d1) -> (0, 0)>
module attributes {stable_mosaic.version = 14 : i64} {
  func.func @agg_kernel(%arg0: i32, %arg1: i32, %arg2: memref<32x80x128xi32, #tpu.memory_space<hbm>>, %arg3: memref<32x80x128xi32, #tpu.memory_space<hbm>>, %arg4: memref<10000x128xf32, #tpu.memory_space<hbm>>, %arg5: memref<128x128xf32, #tpu.memory_space<hbm>>, %arg6: memref<16x5x128xi32, #tpu.memory_space<hbm>>, %arg7: memref<2x10240x128xf32, #tpu.memory_space<hbm>>, %arg8: memref<40x128xi32, #tpu.memory_space<vmem>>, %arg9: memref<40x128xi32, #tpu.memory_space<vmem>>, %arg10: memref<5x128xi32, #tpu.memory_space<vmem>>, %arg11: memref<128x128xf32, #tpu.memory_space<vmem>>, %arg12: memref<128x128xf32, #tpu.memory_space<vmem>>, %arg13: memref<10240x128xf32, #tpu.memory_space<vmem_shared>>, %arg14: memref<!tpu.dma_semaphore, #tpu.memory_space<semaphore_mem>>, %arg15: memref<!tpu.dma_semaphore, #tpu.memory_space<semaphore_mem>>) attributes {dimension_semantics = [#tpu.dimension_semantics<core_parallel>, #tpu.dimension_semantics<subcore_parallel>], iteration_bounds = array<i64: 2, 16>, scalar_prefetch = 0 : i64, scratch_operands = 8 : i64, tpu.core_type = #tpu.core_type<sc_vector_subcore>, window_params = [{transform_indices = #map}, {transform_indices = #map}, {transform_indices = #map1}, {transform_indices = #map1}, {transform_indices = #map}, {transform_indices = #map}]} {
    %mul3A = arith.constant 2 : i32
    %mul3A_0 = arith.muli %arg1, %mul3A : i32
    %add3A = arith.addi %mul3A_0, %arg0 : i32
    "tpu.region"() ({
      %run_scoped3A_119 = tpu.sem_alloc : memref<!tpu.dma_semaphore, #tpu.memory_space<semaphore_mem>>
      %dma_start3A_120 = arith.constant 0 : i32
      %dma_start3A_121 = arith.constant 0 : i32
      %dma_start3A_122 = tpu.memref_slice %arg6[%arg1, %dma_start3A_120, %dma_start3A_121] : memref<16x5x128xi32, #tpu.memory_space<hbm>> -> memref<1x5x128xi32, #tpu.memory_space<hbm>>
      %dma_start3A_123 = tpu.memref_squeeze %dma_start3A_122 : memref<1x5x128xi32, #tpu.memory_space<hbm>> -> memref<5x128xi32, #tpu.memory_space<hbm>>
      %dma_start3A_124 = arith.constant 0 : i32
      %dma_start3A_125 = arith.constant 0 : i32
      %dma_start3A_126 = tpu.memref_slice %arg6[%arg1, %dma_start3A_124, %dma_start3A_125] : memref<16x5x128xi32, #tpu.memory_space<hbm>> -> memref<1x5x128xi32, #tpu.memory_space<hbm>>
      %dma_start3A_127 = tpu.memref_squeeze %dma_start3A_126 : memref<1x5x128xi32, #tpu.memory_space<hbm>> -> memref<5x128xi32, #tpu.memory_space<hbm>>
      tpu.enqueue_dma source(%dma_start3A_127 : memref<5x128xi32, #tpu.memory_space<hbm>>) target(%arg10 : memref<5x128xi32, #tpu.memory_space<vmem>>) target_semaphore(%run_scoped3A_119 : memref<!tpu.dma_semaphore, #tpu.memory_space<semaphore_mem>>)
      %dma_wait3A_128 = arith.constant 0 : i32
      %dma_wait3A_129 = arith.constant 0 : i32
      %dma_wait3A_130 = tpu.memref_slice %arg6[%arg1, %dma_wait3A_128, %dma_wait3A_129] : memref<16x5x128xi32, #tpu.memory_space<hbm>> -> memref<1x5x128xi32, #tpu.memory_space<hbm>>
      %dma_wait3A_131 = tpu.memref_squeeze %dma_wait3A_130 : memref<1x5x128xi32, #tpu.memory_space<hbm>> -> memref<5x128xi32, #tpu.memory_space<hbm>>
      %dma_wait3A_132 = arith.constant 0 : i32
      %dma_wait3A_133 = arith.constant 0 : i32
      %dma_wait3A_134 = tpu.memref_slice %arg6[%arg1, %dma_wait3A_132, %dma_wait3A_133] : memref<16x5x128xi32, #tpu.memory_space<hbm>> -> memref<1x5x128xi32, #tpu.memory_space<hbm>>
      %dma_wait3A_135 = tpu.memref_squeeze %dma_wait3A_134 : memref<1x5x128xi32, #tpu.memory_space<hbm>> -> memref<5x128xi32, #tpu.memory_space<hbm>>
      tpu.wait_dma2 semaphore(%run_scoped3A_119 : memref<!tpu.dma_semaphore, #tpu.memory_space<semaphore_mem>>) src(%dma_wait3A_135 : memref<5x128xi32, #tpu.memory_space<hbm>>) dst(%arg10 : memref<5x128xi32, #tpu.memory_space<vmem>>)
      tpu.yield
    }) : () -> ()
    "tpu.region"() ({
      %run_scoped3A_119 = tpu.sem_alloc : memref<!tpu.dma_semaphore, #tpu.memory_space<semaphore_mem>>
      tpu.enqueue_dma source(%arg5 : memref<128x128xf32, #tpu.memory_space<hbm>>) target(%arg11 : memref<128x128xf32, #tpu.memory_space<vmem>>) target_semaphore(%run_scoped3A_119 : memref<!tpu.dma_semaphore, #tpu.memory_space<semaphore_mem>>)
      tpu.wait_dma2 semaphore(%run_scoped3A_119 : memref<!tpu.dma_semaphore, #tpu.memory_space<semaphore_mem>>) src(%arg5 : memref<128x128xf32, #tpu.memory_space<hbm>>) dst(%arg11 : memref<128x128xf32, #tpu.memory_space<vmem>>)
      tpu.yield
    }) : () -> ()
    %run_scoped3A = arith.constant 0 : i32
    "tpu.region"() ({
      %run_scoped3A_119 = tpu.sem_alloc : memref<!tpu.dma_semaphore, #tpu.memory_space<semaphore_mem>>
      %dma_start3A_120 = arith.constant 0 : i32
      %dma_start3A_121 = tpu.memref_slice %arg10[%run_scoped3A, %dma_start3A_120] : memref<5x128xi32, #tpu.memory_space<vmem>> -> memref<1x128xi32, #tpu.memory_space<vmem>>
      %dma_start3A_122 = tpu.memref_squeeze %dma_start3A_121 : memref<1x128xi32, #tpu.memory_space<vmem>> -> memref<128xi32, #tpu.memory_space<vmem>>
      %dma_start3A_123 = arith.constant 0 : i32
      %dma_start3A_124 = arith.constant 0 : i32
      %dma_start3A_125 = tpu.memref_slice %arg13[%dma_start3A_123, %dma_start3A_124] : memref<10240x128xf32, #tpu.memory_space<vmem_shared>> -> memref<10240x128xf32, #tpu.memory_space<vmem_shared>>
      tpu.enqueue_indirect_dma source(%arg11 : memref<128x128xf32, #tpu.memory_space<vmem>>) target(%dma_start3A_125 : memref<10240x128xf32, #tpu.memory_space<vmem_shared>>) offsets(%dma_start3A_122 : memref<128xi32, #tpu.memory_space<vmem>>) semaphore(%run_scoped3A_119 : memref<!tpu.dma_semaphore, #tpu.memory_space<semaphore_mem>>)
      %dma_wait3A_126 = arith.constant 0 : i32
      %dma_wait3A_127 = tpu.memref_slice %arg10[%run_scoped3A, %dma_wait3A_126] : memref<5x128xi32, #tpu.memory_space<vmem>> -> memref<1x128xi32, #tpu.memory_space<vmem>>
      %dma_wait3A_128 = tpu.memref_squeeze %dma_wait3A_127 : memref<1x128xi32, #tpu.memory_space<vmem>> -> memref<128xi32, #tpu.memory_space<vmem>>
      %dma_wait3A_129 = arith.constant 0 : i32
      %dma_wait3A_130 = arith.constant 0 : i32
      %dma_wait3A_131 = tpu.memref_slice %arg13[%dma_wait3A_129, %dma_wait3A_130] : memref<10240x128xf32, #tpu.memory_space<vmem_shared>> -> memref<10240x128xf32, #tpu.memory_space<vmem_shared>>
      tpu.wait_indirect_dma semaphore(%run_scoped3A_119 : memref<!tpu.dma_semaphore, #tpu.memory_space<semaphore_mem>>) src(%arg11 : memref<128x128xf32, #tpu.memory_space<vmem>>) dst(%dma_wait3A_131 : memref<10240x128xf32, #tpu.memory_space<vmem_shared>>)
      tpu.yield
    }) : () -> ()
    %run_scoped3A_1 = arith.constant 1 : i32
    "tpu.region"() ({
      %run_scoped3A_119 = tpu.sem_alloc : memref<!tpu.dma_semaphore, #tpu.memory_space<semaphore_mem>>
      %dma_start3A_120 = arith.constant 0 : i32
      %dma_start3A_121 = tpu.memref_slice %arg10[%run_scoped3A_1, %dma_start3A_120] : memref<5x128xi32, #tpu.memory_space<vmem>> -> memref<1x128xi32, #tpu.memory_space<vmem>>
      %dma_start3A_122 = tpu.memref_squeeze %dma_start3A_121 : memref<1x128xi32, #tpu.memory_space<vmem>> -> memref<128xi32, #tpu.memory_space<vmem>>
      %dma_start3A_123 = arith.constant 0 : i32
      %dma_start3A_124 = arith.constant 0 : i32
      %dma_start3A_125 = tpu.memref_slice %arg13[%dma_start3A_123, %dma_start3A_124] : memref<10240x128xf32, #tpu.memory_space<vmem_shared>> -> memref<10240x128xf32, #tpu.memory_space<vmem_shared>>
      tpu.enqueue_indirect_dma source(%arg11 : memref<128x128xf32, #tpu.memory_space<vmem>>) target(%dma_start3A_125 : memref<10240x128xf32, #tpu.memory_space<vmem_shared>>) offsets(%dma_start3A_122 : memref<128xi32, #tpu.memory_space<vmem>>) semaphore(%run_scoped3A_119 : memref<!tpu.dma_semaphore, #tpu.memory_space<semaphore_mem>>)
      %dma_wait3A_126 = arith.constant 0 : i32
      %dma_wait3A_127 = tpu.memref_slice %arg10[%run_scoped3A_1, %dma_wait3A_126] : memref<5x128xi32, #tpu.memory_space<vmem>> -> memref<1x128xi32, #tpu.memory_space<vmem>>
      %dma_wait3A_128 = tpu.memref_squeeze %dma_wait3A_127 : memref<1x128xi32, #tpu.memory_space<vmem>> -> memref<128xi32, #tpu.memory_space<vmem>>
      %dma_wait3A_129 = arith.constant 0 : i32
      %dma_wait3A_130 = arith.constant 0 : i32
      %dma_wait3A_131 = tpu.memref_slice %arg13[%dma_wait3A_129, %dma_wait3A_130] : memref<10240x128xf32, #tpu.memory_space<vmem_shared>> -> memref<10240x128xf32, #tpu.memory_space<vmem_shared>>
      tpu.wait_indirect_dma semaphore(%run_scoped3A_119 : memref<!tpu.dma_semaphore, #tpu.memory_space<semaphore_mem>>) src(%arg11 : memref<128x128xf32, #tpu.memory_space<vmem>>) dst(%dma_wait3A_131 : memref<10240x128xf32, #tpu.memory_space<vmem_shared>>)
      tpu.yield
    }) : () -> ()
    %run_scoped3A_2 = arith.constant 2 : i32
    "tpu.region"() ({
      %run_scoped3A_119 = tpu.sem_alloc : memref<!tpu.dma_semaphore, #tpu.memory_space<semaphore_mem>>
      %dma_start3A_120 = arith.constant 0 : i32
      %dma_start3A_121 = tpu.memref_slice %arg10[%run_scoped3A_2, %dma_start3A_120] : memref<5x128xi32, #tpu.memory_space<vmem>> -> memref<1x128xi32, #tpu.memory_space<vmem>>
      %dma_start3A_122 = tpu.memref_squeeze %dma_start3A_121 : memref<1x128xi32, #tpu.memory_space<vmem>> -> memref<128xi32, #tpu.memory_space<vmem>>
      %dma_start3A_123 = arith.constant 0 : i32
      %dma_start3A_124 = arith.constant 0 : i32
      %dma_start3A_125 = tpu.memref_slice %arg13[%dma_start3A_123, %dma_start3A_124] : memref<10240x128xf32, #tpu.memory_space<vmem_shared>> -> memref<10240x128xf32, #tpu.memory_space<vmem_shared>>
      tpu.enqueue_indirect_dma source(%arg11 : memref<128x128xf32, #tpu.memory_space<vmem>>) target(%dma_start3A_125 : memref<10240x128xf32, #tpu.memory_space<vmem_shared>>) offsets(%dma_start3A_122 : memref<128xi32, #tpu.memory_space<vmem>>) semaphore(%run_scoped3A_119 : memref<!tpu.dma_semaphore, #tpu.memory_space<semaphore_mem>>)
      %dma_wait3A_126 = arith.constant 0 : i32
      %dma_wait3A_127 = tpu.memref_slice %arg10[%run_scoped3A_2, %dma_wait3A_126] : memref<5x128xi32, #tpu.memory_space<vmem>> -> memref<1x128xi32, #tpu.memory_space<vmem>>
      %dma_wait3A_128 = tpu.memref_squeeze %dma_wait3A_127 : memref<1x128xi32, #tpu.memory_space<vmem>> -> memref<128xi32, #tpu.memory_space<vmem>>
      %dma_wait3A_129 = arith.constant 0 : i32
      %dma_wait3A_130 = arith.constant 0 : i32
      %dma_wait3A_131 = tpu.memref_slice %arg13[%dma_wait3A_129, %dma_wait3A_130] : memref<10240x128xf32, #tpu.memory_space<vmem_shared>> -> memref<10240x128xf32, #tpu.memory_space<vmem_shared>>
      tpu.wait_indirect_dma semaphore(%run_scoped3A_119 : memref<!tpu.dma_semaphore, #tpu.memory_space<semaphore_mem>>) src(%arg11 : memref<128x128xf32, #tpu.memory_space<vmem>>) dst(%dma_wait3A_131 : memref<10240x128xf32, #tpu.memory_space<vmem_shared>>)
      tpu.yield
    }) : () -> ()
    %run_scoped3A_3 = arith.constant 3 : i32
    "tpu.region"() ({
      %run_scoped3A_119 = tpu.sem_alloc : memref<!tpu.dma_semaphore, #tpu.memory_space<semaphore_mem>>
      %dma_start3A_120 = arith.constant 0 : i32
      %dma_start3A_121 = tpu.memref_slice %arg10[%run_scoped3A_3, %dma_start3A_120] : memref<5x128xi32, #tpu.memory_space<vmem>> -> memref<1x128xi32, #tpu.memory_space<vmem>>
      %dma_start3A_122 = tpu.memref_squeeze %dma_start3A_121 : memref<1x128xi32, #tpu.memory_space<vmem>> -> memref<128xi32, #tpu.memory_space<vmem>>
      %dma_start3A_123 = arith.constant 0 : i32
      %dma_start3A_124 = arith.constant 0 : i32
      %dma_start3A_125 = tpu.memref_slice %arg13[%dma_start3A_123, %dma_start3A_124] : memref<10240x128xf32, #tpu.memory_space<vmem_shared>> -> memref<10240x128xf32, #tpu.memory_space<vmem_shared>>
      tpu.enqueue_indirect_dma source(%arg11 : memref<128x128xf32, #tpu.memory_space<vmem>>) target(%dma_start3A_125 : memref<10240x128xf32, #tpu.memory_space<vmem_shared>>) offsets(%dma_start3A_122 : memref<128xi32, #tpu.memory_space<vmem>>) semaphore(%run_scoped3A_119 : memref<!tpu.dma_semaphore, #tpu.memory_space<semaphore_mem>>)
      %dma_wait3A_126 = arith.constant 0 : i32
      %dma_wait3A_127 = tpu.memref_slice %arg10[%run_scoped3A_3, %dma_wait3A_126] : memref<5x128xi32, #tpu.memory_space<vmem>> -> memref<1x128xi32, #tpu.memory_space<vmem>>
      %dma_wait3A_128 = tpu.memref_squeeze %dma_wait3A_127 : memref<1x128xi32, #tpu.memory_space<vmem>> -> memref<128xi32, #tpu.memory_space<vmem>>
      %dma_wait3A_129 = arith.constant 0 : i32
      %dma_wait3A_130 = arith.constant 0 : i32
      %dma_wait3A_131 = tpu.memref_slice %arg13[%dma_wait3A_129, %dma_wait3A_130] : memref<10240x128xf32, #tpu.memory_space<vmem_shared>> -> memref<10240x128xf32, #tpu.memory_space<vmem_shared>>
      tpu.wait_indirect_dma semaphore(%run_scoped3A_119 : memref<!tpu.dma_semaphore, #tpu.memory_space<semaphore_mem>>) src(%arg11 : memref<128x128xf32, #tpu.memory_space<vmem>>) dst(%dma_wait3A_131 : memref<10240x128xf32, #tpu.memory_space<vmem_shared>>)
      tpu.yield
    }) : () -> ()
    %run_scoped3A_4 = arith.constant 4 : i32
    "tpu.region"() ({
      %run_scoped3A_119 = tpu.sem_alloc : memref<!tpu.dma_semaphore, #tpu.memory_space<semaphore_mem>>
      %dma_start3A_120 = arith.constant 0 : i32
      %dma_start3A_121 = tpu.memref_slice %arg10[%run_scoped3A_4, %dma_start3A_120] : memref<5x128xi32, #tpu.memory_space<vmem>> -> memref<1x128xi32, #tpu.memory_space<vmem>>
      %dma_start3A_122 = tpu.memref_squeeze %dma_start3A_121 : memref<1x128xi32, #tpu.memory_space<vmem>> -> memref<128xi32, #tpu.memory_space<vmem>>
      %dma_start3A_123 = arith.constant 0 : i32
      %dma_start3A_124 = arith.constant 0 : i32
      %dma_start3A_125 = tpu.memref_slice %arg13[%dma_start3A_123, %dma_start3A_124] : memref<10240x128xf32, #tpu.memory_space<vmem_shared>> -> memref<10240x128xf32, #tpu.memory_space<vmem_shared>>
      tpu.enqueue_indirect_dma source(%arg11 : memref<128x128xf32, #tpu.memory_space<vmem>>) target(%dma_start3A_125 : memref<10240x128xf32, #tpu.memory_space<vmem_shared>>) offsets(%dma_start3A_122 : memref<128xi32, #tpu.memory_space<vmem>>) semaphore(%run_scoped3A_119 : memref<!tpu.dma_semaphore, #tpu.memory_space<semaphore_mem>>)
      %dma_wait3A_126 = arith.constant 0 : i32
      %dma_wait3A_127 = tpu.memref_slice %arg10[%run_scoped3A_4, %dma_wait3A_126] : memref<5x128xi32, #tpu.memory_space<vmem>> -> memref<1x128xi32, #tpu.memory_space<vmem>>
      %dma_wait3A_128 = tpu.memref_squeeze %dma_wait3A_127 : memref<1x128xi32, #tpu.memory_space<vmem>> -> memref<128xi32, #tpu.memory_space<vmem>>
      %dma_wait3A_129 = arith.constant 0 : i32
      %dma_wait3A_130 = arith.constant 0 : i32
      %dma_wait3A_131 = tpu.memref_slice %arg13[%dma_wait3A_129, %dma_wait3A_130] : memref<10240x128xf32, #tpu.memory_space<vmem_shared>> -> memref<10240x128xf32, #tpu.memory_space<vmem_shared>>
      tpu.wait_indirect_dma semaphore(%run_scoped3A_119 : memref<!tpu.dma_semaphore, #tpu.memory_space<semaphore_mem>>) src(%arg11 : memref<128x128xf32, #tpu.memory_space<vmem>>) dst(%dma_wait3A_131 : memref<10240x128xf32, #tpu.memory_space<vmem_shared>>)
      tpu.yield
    }) : () -> ()
    %barrier3A = arith.constant 0 : index
    tpu.barrier barrier_id(%barrier3A)
    "tpu.region"() ({
      %run_scoped3A_119 = tpu.sem_alloc : memref<!tpu.dma_semaphore, #tpu.memory_space<semaphore_mem>>
      %dma_start3A_120 = arith.constant 0 : i32
      %dma_start3A_121 = arith.constant 0 : i32
      %dma_start3A_122 = tpu.memref_slice %arg2[%add3A, %dma_start3A_120, %dma_start3A_121] : memref<32x80x128xi32, #tpu.memory_space<hbm>> -> memref<1x40x128xi32, #tpu.memory_space<hbm>>
      %dma_start3A_123 = tpu.memref_squeeze %dma_start3A_122 : memref<1x40x128xi32, #tpu.memory_space<hbm>> -> memref<40x128xi32, #tpu.memory_space<hbm>>
      %dma_start3A_124 = arith.constant 0 : i32
      %dma_start3A_125 = arith.constant 0 : i32
      %dma_start3A_126 = tpu.memref_slice %arg2[%add3A, %dma_start3A_124, %dma_start3A_125] : memref<32x80x128xi32, #tpu.memory_space<hbm>> -> memref<1x40x128xi32, #tpu.memory_space<hbm>>
      %dma_start3A_127 = tpu.memref_squeeze %dma_start3A_126 : memref<1x40x128xi32, #tpu.memory_space<hbm>> -> memref<40x128xi32, #tpu.memory_space<hbm>>
      tpu.enqueue_dma source(%dma_start3A_127 : memref<40x128xi32, #tpu.memory_space<hbm>>) target(%arg8 : memref<40x128xi32, #tpu.memory_space<vmem>>) target_semaphore(%run_scoped3A_119 : memref<!tpu.dma_semaphore, #tpu.memory_space<semaphore_mem>>)
      %dma_wait3A_128 = arith.constant 0 : i32
      %dma_wait3A_129 = arith.constant 0 : i32
      %dma_wait3A_130 = tpu.memref_slice %arg2[%add3A, %dma_wait3A_128, %dma_wait3A_129] : memref<32x80x128xi32, #tpu.memory_space<hbm>> -> memref<1x40x128xi32, #tpu.memory_space<hbm>>
      %dma_wait3A_131 = tpu.memref_squeeze %dma_wait3A_130 : memref<1x40x128xi32, #tpu.memory_space<hbm>> -> memref<40x128xi32, #tpu.memory_space<hbm>>
      %dma_wait3A_132 = arith.constant 0 : i32
      %dma_wait3A_133 = arith.constant 0 : i32
      %dma_wait3A_134 = tpu.memref_slice %arg2[%add3A, %dma_wait3A_132, %dma_wait3A_133] : memref<32x80x128xi32, #tpu.memory_space<hbm>> -> memref<1x40x128xi32, #tpu.memory_space<hbm>>
      %dma_wait3A_135 = tpu.memref_squeeze %dma_wait3A_134 : memref<1x40x128xi32, #tpu.memory_space<hbm>> -> memref<40x128xi32, #tpu.memory_space<hbm>>
      tpu.wait_dma2 semaphore(%run_scoped3A_119 : memref<!tpu.dma_semaphore, #tpu.memory_space<semaphore_mem>>) src(%dma_wait3A_135 : memref<40x128xi32, #tpu.memory_space<hbm>>) dst(%arg8 : memref<40x128xi32, #tpu.memory_space<vmem>>)
      tpu.yield
    }) : () -> ()
    "tpu.region"() ({
      %run_scoped3A_119 = tpu.sem_alloc : memref<!tpu.dma_semaphore, #tpu.memory_space<semaphore_mem>>
      %dma_start3A_120 = arith.constant 0 : i32
      %dma_start3A_121 = arith.constant 0 : i32
      %dma_start3A_122 = tpu.memref_slice %arg3[%add3A, %dma_start3A_120, %dma_start3A_121] : memref<32x80x128xi32, #tpu.memory_space<hbm>> -> memref<1x40x128xi32, #tpu.memory_space<hbm>>
      %dma_start3A_123 = tpu.memref_squeeze %dma_start3A_122 : memref<1x40x128xi32, #tpu.memory_space<hbm>> -> memref<40x128xi32, #tpu.memory_space<hbm>>
      %dma_start3A_124 = arith.constant 0 : i32
      %dma_start3A_125 = arith.constant 0 : i32
      %dma_start3A_126 = tpu.memref_slice %arg3[%add3A, %dma_start3A_124, %dma_start3A_125] : memref<32x80x128xi32, #tpu.memory_space<hbm>> -> memref<1x40x128xi32, #tpu.memory_space<hbm>>
      %dma_start3A_127 = tpu.memref_squeeze %dma_start3A_126 : memref<1x40x128xi32, #tpu.memory_space<hbm>> -> memref<40x128xi32, #tpu.memory_space<hbm>>
      tpu.enqueue_dma source(%dma_start3A_127 : memref<40x128xi32, #tpu.memory_space<hbm>>) target(%arg9 : memref<40x128xi32, #tpu.memory_space<vmem>>) target_semaphore(%run_scoped3A_119 : memref<!tpu.dma_semaphore, #tpu.memory_space<semaphore_mem>>)
      %dma_wait3A_128 = arith.constant 0 : i32
      %dma_wait3A_129 = arith.constant 0 : i32
      %dma_wait3A_130 = tpu.memref_slice %arg3[%add3A, %dma_wait3A_128, %dma_wait3A_129] : memref<32x80x128xi32, #tpu.memory_space<hbm>> -> memref<1x40x128xi32, #tpu.memory_space<hbm>>
      %dma_wait3A_131 = tpu.memref_squeeze %dma_wait3A_130 : memref<1x40x128xi32, #tpu.memory_space<hbm>> -> memref<40x128xi32, #tpu.memory_space<hbm>>
      %dma_wait3A_132 = arith.constant 0 : i32
      %dma_wait3A_133 = arith.constant 0 : i32
      %dma_wait3A_134 = tpu.memref_slice %arg3[%add3A, %dma_wait3A_132, %dma_wait3A_133] : memref<32x80x128xi32, #tpu.memory_space<hbm>> -> memref<1x40x128xi32, #tpu.memory_space<hbm>>
      %dma_wait3A_135 = tpu.memref_squeeze %dma_wait3A_134 : memref<1x40x128xi32, #tpu.memory_space<hbm>> -> memref<40x128xi32, #tpu.memory_space<hbm>>
      tpu.wait_dma2 semaphore(%run_scoped3A_119 : memref<!tpu.dma_semaphore, #tpu.memory_space<semaphore_mem>>) src(%dma_wait3A_135 : memref<40x128xi32, #tpu.memory_space<hbm>>) dst(%arg9 : memref<40x128xi32, #tpu.memory_space<vmem>>)
      tpu.yield
    }) : () -> ()
    %dma_start3A = arith.constant 0 : i32
    %dma_start3A_5 = arith.constant 0 : i32
    %dma_start3A_6 = tpu.memref_slice %arg8[%dma_start3A, %dma_start3A_5] : memref<40x128xi32, #tpu.memory_space<vmem>> -> memref<1x128xi32, #tpu.memory_space<vmem>>
    %dma_start3A_7 = tpu.memref_squeeze %dma_start3A_6 : memref<1x128xi32, #tpu.memory_space<vmem>> -> memref<128xi32, #tpu.memory_space<vmem>>
    %dma_start3A_8 = arith.constant 0 : i32
    %dma_start3A_9 = arith.constant 0 : i32
    %dma_start3A_10 = tpu.memref_slice %arg4[%dma_start3A_8, %dma_start3A_9] : memref<10000x128xf32, #tpu.memory_space<hbm>> -> memref<10000x128xf32, #tpu.memory_space<hbm>>
    tpu.enqueue_indirect_dma source(%dma_start3A_10 : memref<10000x128xf32, #tpu.memory_space<hbm>>) target(%arg11 : memref<128x128xf32, #tpu.memory_space<vmem>>) offsets(%dma_start3A_7 : memref<128xi32, #tpu.memory_space<vmem>>) semaphore(%arg14 : memref<!tpu.dma_semaphore, #tpu.memory_space<semaphore_mem>>)
    %scan3A = arith.constant 0 : i32
    %scan3A_11 = arith.constant 0 : i32
    %scan3A_12 = arith.constant 20 : i32
    %scan3A_13 = arith.addi %scan3A_11, %scan3A_12 : i32
    %scan3A_14 = arith.constant 1 : i32
    scf.for %scan3A_119 = %scan3A_11 to %scan3A_13 step %scan3A_14  : i32 {
      %mul3A_120 = arith.constant 2 : i32
      %mul3A_121 = arith.muli %scan3A_119, %mul3A_120 : i32
      %add3A_122 = arith.constant 0 : i32
      %add3A_123 = arith.addi %mul3A_121, %add3A_122 : i32
      %add3A_124 = arith.constant 1 : i32
      %add3A_125 = arith.addi %add3A_123, %add3A_124 : i32
      %lt3A = arith.constant 40 : i32
      %lt3A_126 = arith.cmpi slt, %add3A_125, %lt3A : i32
      %convert_element_type3A = arith.extui %lt3A_126 : i1 to i32
      %cond3A = arith.constant 0 : i32
      %cond3A_127 = arith.cmpi ne, %convert_element_type3A, %cond3A : i32
      scf.if %cond3A_127 {
        %dma_start3A_151 = arith.constant 0 : i32
        %dma_start3A_152 = tpu.memref_slice %arg8[%add3A_125, %dma_start3A_151] : memref<40x128xi32, #tpu.memory_space<vmem>> -> memref<1x128xi32, #tpu.memory_space<vmem>>
        %dma_start3A_153 = tpu.memref_squeeze %dma_start3A_152 : memref<1x128xi32, #tpu.memory_space<vmem>> -> memref<128xi32, #tpu.memory_space<vmem>>
        %dma_start3A_154 = arith.constant 0 : i32
        %dma_start3A_155 = arith.constant 0 : i32
        %dma_start3A_156 = tpu.memref_slice %arg4[%dma_start3A_154, %dma_start3A_155] : memref<10000x128xf32, #tpu.memory_space<hbm>> -> memref<10000x128xf32, #tpu.memory_space<hbm>>
        tpu.enqueue_indirect_dma source(%dma_start3A_156 : memref<10000x128xf32, #tpu.memory_space<hbm>>) target(%arg12 : memref<128x128xf32, #tpu.memory_space<vmem>>) offsets(%dma_start3A_153 : memref<128xi32, #tpu.memory_space<vmem>>) semaphore(%arg15 : memref<!tpu.dma_semaphore, #tpu.memory_space<semaphore_mem>>)
      } else {
      }
      %dma_wait3A_128 = arith.constant 0 : i32
      %dma_wait3A_129 = tpu.memref_slice %arg8[%add3A_123, %dma_wait3A_128] : memref<40x128xi32, #tpu.memory_space<vmem>> -> memref<1x128xi32, #tpu.memory_space<vmem>>
      %dma_wait3A_130 = tpu.memref_squeeze %dma_wait3A_129 : memref<1x128xi32, #tpu.memory_space<vmem>> -> memref<128xi32, #tpu.memory_space<vmem>>
      %dma_wait3A_131 = arith.constant 0 : i32
      %dma_wait3A_132 = arith.constant 0 : i32
      %dma_wait3A_133 = tpu.memref_slice %arg4[%dma_wait3A_131, %dma_wait3A_132] : memref<10000x128xf32, #tpu.memory_space<hbm>> -> memref<10000x128xf32, #tpu.memory_space<hbm>>
      tpu.wait_indirect_dma semaphore(%arg14 : memref<!tpu.dma_semaphore, #tpu.memory_space<semaphore_mem>>) src(%dma_wait3A_133 : memref<10000x128xf32, #tpu.memory_space<hbm>>) dst(%arg11 : memref<128x128xf32, #tpu.memory_space<vmem>>)
      "tpu.region"() ({
        %run_scoped3A_151 = tpu.sem_alloc : memref<!tpu.dma_semaphore, #tpu.memory_space<semaphore_mem>>
        %dma_start3A_152 = arith.constant 0 : i32
        %dma_start3A_153 = tpu.memref_slice %arg9[%add3A_123, %dma_start3A_152] : memref<40x128xi32, #tpu.memory_space<vmem>> -> memref<1x128xi32, #tpu.memory_space<vmem>>
        %dma_start3A_154 = tpu.memref_squeeze %dma_start3A_153 : memref<1x128xi32, #tpu.memory_space<vmem>> -> memref<128xi32, #tpu.memory_space<vmem>>
        %dma_start3A_155 = arith.constant 0 : i32
        %dma_start3A_156 = arith.constant 0 : i32
        %dma_start3A_157 = tpu.memref_slice %arg13[%dma_start3A_155, %dma_start3A_156] : memref<10240x128xf32, #tpu.memory_space<vmem_shared>> -> memref<10240x128xf32, #tpu.memory_space<vmem_shared>>
        tpu.enqueue_indirect_dma source(%arg11 : memref<128x128xf32, #tpu.memory_space<vmem>>) target(%dma_start3A_157 : memref<10240x128xf32, #tpu.memory_space<vmem_shared>>) offsets(%dma_start3A_154 : memref<128xi32, #tpu.memory_space<vmem>>) semaphore(%run_scoped3A_151 : memref<!tpu.dma_semaphore, #tpu.memory_space<semaphore_mem>>) {add = true}
        %dma_wait3A_158 = arith.constant 0 : i32
        %dma_wait3A_159 = tpu.memref_slice %arg9[%add3A_123, %dma_wait3A_158] : memref<40x128xi32, #tpu.memory_space<vmem>> -> memref<1x128xi32, #tpu.memory_space<vmem>>
        %dma_wait3A_160 = tpu.memref_squeeze %dma_wait3A_159 : memref<1x128xi32, #tpu.memory_space<vmem>> -> memref<128xi32, #tpu.memory_space<vmem>>
        %dma_wait3A_161 = arith.constant 0 : i32
        %dma_wait3A_162 = arith.constant 0 : i32
        %dma_wait3A_163 = tpu.memref_slice %arg13[%dma_wait3A_161, %dma_wait3A_162] : memref<10240x128xf32, #tpu.memory_space<vmem_shared>> -> memref<10240x128xf32, #tpu.memory_space<vmem_shared>>
        tpu.wait_indirect_dma semaphore(%run_scoped3A_151 : memref<!tpu.dma_semaphore, #tpu.memory_space<semaphore_mem>>) src(%arg11 : memref<128x128xf32, #tpu.memory_space<vmem>>) dst(%dma_wait3A_163 : memref<10240x128xf32, #tpu.memory_space<vmem_shared>>)
        tpu.yield
      }) : () -> ()
      %mul3A_134 = arith.constant 2 : i32
      %mul3A_135 = arith.muli %scan3A_119, %mul3A_134 : i32
      %add3A_136 = arith.constant 1 : i32
      %add3A_137 = arith.addi %mul3A_135, %add3A_136 : i32
      %add3A_138 = arith.constant 1 : i32
      %add3A_139 = arith.addi %add3A_137, %add3A_138 : i32
      %lt3A_140 = arith.constant 40 : i32
      %lt3A_141 = arith.cmpi slt, %add3A_139, %lt3A_140 : i32
      %convert_element_type3A_142 = arith.extui %lt3A_141 : i1 to i32
      %cond3A_143 = arith.constant 0 : i32
      %cond3A_144 = arith.cmpi ne, %convert_element_type3A_142, %cond3A_143 : i32
      scf.if %cond3A_144 {
        %dma_start3A_151 = arith.constant 0 : i32
        %dma_start3A_152 = tpu.memref_slice %arg8[%add3A_139, %dma_start3A_151] : memref<40x128xi32, #tpu.memory_space<vmem>> -> memref<1x128xi32, #tpu.memory_space<vmem>>
        %dma_start3A_153 = tpu.memref_squeeze %dma_start3A_152 : memref<1x128xi32, #tpu.memory_space<vmem>> -> memref<128xi32, #tpu.memory_space<vmem>>
        %dma_start3A_154 = arith.constant 0 : i32
        %dma_start3A_155 = arith.constant 0 : i32
        %dma_start3A_156 = tpu.memref_slice %arg4[%dma_start3A_154, %dma_start3A_155] : memref<10000x128xf32, #tpu.memory_space<hbm>> -> memref<10000x128xf32, #tpu.memory_space<hbm>>
        tpu.enqueue_indirect_dma source(%dma_start3A_156 : memref<10000x128xf32, #tpu.memory_space<hbm>>) target(%arg11 : memref<128x128xf32, #tpu.memory_space<vmem>>) offsets(%dma_start3A_153 : memref<128xi32, #tpu.memory_space<vmem>>) semaphore(%arg14 : memref<!tpu.dma_semaphore, #tpu.memory_space<semaphore_mem>>)
      } else {
      }
      %dma_wait3A_145 = arith.constant 0 : i32
      %dma_wait3A_146 = tpu.memref_slice %arg8[%add3A_137, %dma_wait3A_145] : memref<40x128xi32, #tpu.memory_space<vmem>> -> memref<1x128xi32, #tpu.memory_space<vmem>>
      %dma_wait3A_147 = tpu.memref_squeeze %dma_wait3A_146 : memref<1x128xi32, #tpu.memory_space<vmem>> -> memref<128xi32, #tpu.memory_space<vmem>>
      %dma_wait3A_148 = arith.constant 0 : i32
      %dma_wait3A_149 = arith.constant 0 : i32
      %dma_wait3A_150 = tpu.memref_slice %arg4[%dma_wait3A_148, %dma_wait3A_149] : memref<10000x128xf32, #tpu.memory_space<hbm>> -> memref<10000x128xf32, #tpu.memory_space<hbm>>
      tpu.wait_indirect_dma semaphore(%arg15 : memref<!tpu.dma_semaphore, #tpu.memory_space<semaphore_mem>>) src(%dma_wait3A_150 : memref<10000x128xf32, #tpu.memory_space<hbm>>) dst(%arg12 : memref<128x128xf32, #tpu.memory_space<vmem>>)
      "tpu.region"() ({
        %run_scoped3A_151 = tpu.sem_alloc : memref<!tpu.dma_semaphore, #tpu.memory_space<semaphore_mem>>
        %dma_start3A_152 = arith.constant 0 : i32
        %dma_start3A_153 = tpu.memref_slice %arg9[%add3A_137, %dma_start3A_152] : memref<40x128xi32, #tpu.memory_space<vmem>> -> memref<1x128xi32, #tpu.memory_space<vmem>>
        %dma_start3A_154 = tpu.memref_squeeze %dma_start3A_153 : memref<1x128xi32, #tpu.memory_space<vmem>> -> memref<128xi32, #tpu.memory_space<vmem>>
        %dma_start3A_155 = arith.constant 0 : i32
        %dma_start3A_156 = arith.constant 0 : i32
        %dma_start3A_157 = tpu.memref_slice %arg13[%dma_start3A_155, %dma_start3A_156] : memref<10240x128xf32, #tpu.memory_space<vmem_shared>> -> memref<10240x128xf32, #tpu.memory_space<vmem_shared>>
        tpu.enqueue_indirect_dma source(%arg12 : memref<128x128xf32, #tpu.memory_space<vmem>>) target(%dma_start3A_157 : memref<10240x128xf32, #tpu.memory_space<vmem_shared>>) offsets(%dma_start3A_154 : memref<128xi32, #tpu.memory_space<vmem>>) semaphore(%run_scoped3A_151 : memref<!tpu.dma_semaphore, #tpu.memory_space<semaphore_mem>>) {add = true}
        %dma_wait3A_158 = arith.constant 0 : i32
        %dma_wait3A_159 = tpu.memref_slice %arg9[%add3A_137, %dma_wait3A_158] : memref<40x128xi32, #tpu.memory_space<vmem>> -> memref<1x128xi32, #tpu.memory_space<vmem>>
        %dma_wait3A_160 = tpu.memref_squeeze %dma_wait3A_159 : memref<1x128xi32, #tpu.memory_space<vmem>> -> memref<128xi32, #tpu.memory_space<vmem>>
        %dma_wait3A_161 = arith.constant 0 : i32
        %dma_wait3A_162 = arith.constant 0 : i32
        %dma_wait3A_163 = tpu.memref_slice %arg13[%dma_wait3A_161, %dma_wait3A_162] : memref<10240x128xf32, #tpu.memory_space<vmem_shared>> -> memref<10240x128xf32, #tpu.memory_space<vmem_shared>>
        tpu.wait_indirect_dma semaphore(%run_scoped3A_151 : memref<!tpu.dma_semaphore, #tpu.memory_space<semaphore_mem>>) src(%arg12 : memref<128x128xf32, #tpu.memory_space<vmem>>) dst(%dma_wait3A_163 : memref<10240x128xf32, #tpu.memory_space<vmem_shared>>)
        tpu.yield
      }) : () -> ()
    }
    %scan3A_15 = arith.constant 20 : i32
    "tpu.region"() ({
      %run_scoped3A_119 = tpu.sem_alloc : memref<!tpu.dma_semaphore, #tpu.memory_space<semaphore_mem>>
      %dma_start3A_120 = arith.constant 40 : i32
      %dma_start3A_121 = arith.constant 0 : i32
      %dma_start3A_122 = tpu.memref_slice %arg2[%add3A, %dma_start3A_120, %dma_start3A_121] : memref<32x80x128xi32, #tpu.memory_space<hbm>> -> memref<1x40x128xi32, #tpu.memory_space<hbm>>
      %dma_start3A_123 = tpu.memref_squeeze %dma_start3A_122 : memref<1x40x128xi32, #tpu.memory_space<hbm>> -> memref<40x128xi32, #tpu.memory_space<hbm>>
      %dma_start3A_124 = arith.constant 40 : i32
      %dma_start3A_125 = arith.constant 0 : i32
      %dma_start3A_126 = tpu.memref_slice %arg2[%add3A, %dma_start3A_124, %dma_start3A_125] : memref<32x80x128xi32, #tpu.memory_space<hbm>> -> memref<1x40x128xi32, #tpu.memory_space<hbm>>
      %dma_start3A_127 = tpu.memref_squeeze %dma_start3A_126 : memref<1x40x128xi32, #tpu.memory_space<hbm>> -> memref<40x128xi32, #tpu.memory_space<hbm>>
      tpu.enqueue_dma source(%dma_start3A_127 : memref<40x128xi32, #tpu.memory_space<hbm>>) target(%arg8 : memref<40x128xi32, #tpu.memory_space<vmem>>) target_semaphore(%run_scoped3A_119 : memref<!tpu.dma_semaphore, #tpu.memory_space<semaphore_mem>>)
      %dma_wait3A_128 = arith.constant 40 : i32
      %dma_wait3A_129 = arith.constant 0 : i32
      %dma_wait3A_130 = tpu.memref_slice %arg2[%add3A, %dma_wait3A_128, %dma_wait3A_129] : memref<32x80x128xi32, #tpu.memory_space<hbm>> -> memref<1x40x128xi32, #tpu.memory_space<hbm>>
      %dma_wait3A_131 = tpu.memref_squeeze %dma_wait3A_130 : memref<1x40x128xi32, #tpu.memory_space<hbm>> -> memref<40x128xi32, #tpu.memory_space<hbm>>
      %dma_wait3A_132 = arith.constant 40 : i32
      %dma_wait3A_133 = arith.constant 0 : i32
      %dma_wait3A_134 = tpu.memref_slice %arg2[%add3A, %dma_wait3A_132, %dma_wait3A_133] : memref<32x80x128xi32, #tpu.memory_space<hbm>> -> memref<1x40x128xi32, #tpu.memory_space<hbm>>
      %dma_wait3A_135 = tpu.memref_squeeze %dma_wait3A_134 : memref<1x40x128xi32, #tpu.memory_space<hbm>> -> memref<40x128xi32, #tpu.memory_space<hbm>>
      tpu.wait_dma2 semaphore(%run_scoped3A_119 : memref<!tpu.dma_semaphore, #tpu.memory_space<semaphore_mem>>) src(%dma_wait3A_135 : memref<40x128xi32, #tpu.memory_space<hbm>>) dst(%arg8 : memref<40x128xi32, #tpu.memory_space<vmem>>)
      tpu.yield
    }) : () -> ()
    "tpu.region"() ({
      %run_scoped3A_119 = tpu.sem_alloc : memref<!tpu.dma_semaphore, #tpu.memory_space<semaphore_mem>>
      %dma_start3A_120 = arith.constant 40 : i32
      %dma_start3A_121 = arith.constant 0 : i32
      %dma_start3A_122 = tpu.memref_slice %arg3[%add3A, %dma_start3A_120, %dma_start3A_121] : memref<32x80x128xi32, #tpu.memory_space<hbm>> -> memref<1x40x128xi32, #tpu.memory_space<hbm>>
      %dma_start3A_123 = tpu.memref_squeeze %dma_start3A_122 : memref<1x40x128xi32, #tpu.memory_space<hbm>> -> memref<40x128xi32, #tpu.memory_space<hbm>>
      %dma_start3A_124 = arith.constant 40 : i32
      %dma_start3A_125 = arith.constant 0 : i32
      %dma_start3A_126 = tpu.memref_slice %arg3[%add3A, %dma_start3A_124, %dma_start3A_125] : memref<32x80x128xi32, #tpu.memory_space<hbm>> -> memref<1x40x128xi32, #tpu.memory_space<hbm>>
      %dma_start3A_127 = tpu.memref_squeeze %dma_start3A_126 : memref<1x40x128xi32, #tpu.memory_space<hbm>> -> memref<40x128xi32, #tpu.memory_space<hbm>>
      tpu.enqueue_dma source(%dma_start3A_127 : memref<40x128xi32, #tpu.memory_space<hbm>>) target(%arg9 : memref<40x128xi32, #tpu.memory_space<vmem>>) target_semaphore(%run_scoped3A_119 : memref<!tpu.dma_semaphore, #tpu.memory_space<semaphore_mem>>)
      %dma_wait3A_128 = arith.constant 40 : i32
      %dma_wait3A_129 = arith.constant 0 : i32
      %dma_wait3A_130 = tpu.memref_slice %arg3[%add3A, %dma_wait3A_128, %dma_wait3A_129] : memref<32x80x128xi32, #tpu.memory_space<hbm>> -> memref<1x40x128xi32, #tpu.memory_space<hbm>>
      %dma_wait3A_131 = tpu.memref_squeeze %dma_wait3A_130 : memref<1x40x128xi32, #tpu.memory_space<hbm>> -> memref<40x128xi32, #tpu.memory_space<hbm>>
      %dma_wait3A_132 = arith.constant 40 : i32
      %dma_wait3A_133 = arith.constant 0 : i32
      %dma_wait3A_134 = tpu.memref_slice %arg3[%add3A, %dma_wait3A_132, %dma_wait3A_133] : memref<32x80x128xi32, #tpu.memory_space<hbm>> -> memref<1x40x128xi32, #tpu.memory_space<hbm>>
      %dma_wait3A_135 = tpu.memref_squeeze %dma_wait3A_134 : memref<1x40x128xi32, #tpu.memory_space<hbm>> -> memref<40x128xi32, #tpu.memory_space<hbm>>
      tpu.wait_dma2 semaphore(%run_scoped3A_119 : memref<!tpu.dma_semaphore, #tpu.memory_space<semaphore_mem>>) src(%dma_wait3A_135 : memref<40x128xi32, #tpu.memory_space<hbm>>) dst(%arg9 : memref<40x128xi32, #tpu.memory_space<vmem>>)
      tpu.yield
    }) : () -> ()
    %dma_start3A_16 = arith.constant 0 : i32
    %dma_start3A_17 = arith.constant 0 : i32
    %dma_start3A_18 = tpu.memref_slice %arg8[%dma_start3A_16, %dma_start3A_17] : memref<40x128xi32, #tpu.memory_space<vmem>> -> memref<1x128xi32, #tpu.memory_space<vmem>>
    %dma_start3A_19 = tpu.memref_squeeze %dma_start3A_18 : memref<1x128xi32, #tpu.memory_space<vmem>> -> memref<128xi32, #tpu.memory_space<vmem>>
    %dma_start3A_20 = arith.constant 0 : i32
    %dma_start3A_21 = arith.constant 0 : i32
    %dma_start3A_22 = tpu.memref_slice %arg4[%dma_start3A_20, %dma_start3A_21] : memref<10000x128xf32, #tpu.memory_space<hbm>> -> memref<10000x128xf32, #tpu.memory_space<hbm>>
    tpu.enqueue_indirect_dma source(%dma_start3A_22 : memref<10000x128xf32, #tpu.memory_space<hbm>>) target(%arg11 : memref<128x128xf32, #tpu.memory_space<vmem>>) offsets(%dma_start3A_19 : memref<128xi32, #tpu.memory_space<vmem>>) semaphore(%arg14 : memref<!tpu.dma_semaphore, #tpu.memory_space<semaphore_mem>>)
    %scan3A_23 = arith.constant 0 : i32
    %scan3A_24 = arith.constant 0 : i32
    %scan3A_25 = arith.constant 20 : i32
    %scan3A_26 = arith.addi %scan3A_24, %scan3A_25 : i32
    %scan3A_27 = arith.constant 1 : i32
    scf.for %scan3A_119 = %scan3A_24 to %scan3A_26 step %scan3A_27  : i32 {
      %mul3A_120 = arith.constant 2 : i32
      %mul3A_121 = arith.muli %scan3A_119, %mul3A_120 : i32
      %add3A_122 = arith.constant 0 : i32
      %add3A_123 = arith.addi %mul3A_121, %add3A_122 : i32
      %add3A_124 = arith.constant 1 : i32
      %add3A_125 = arith.addi %add3A_123, %add3A_124 : i32
      %lt3A = arith.constant 40 : i32
      %lt3A_126 = arith.cmpi slt, %add3A_125, %lt3A : i32
      %convert_element_type3A = arith.extui %lt3A_126 : i1 to i32
      %cond3A = arith.constant 0 : i32
      %cond3A_127 = arith.cmpi ne, %convert_element_type3A, %cond3A : i32
      scf.if %cond3A_127 {
        %dma_start3A_151 = arith.constant 0 : i32
        %dma_start3A_152 = tpu.memref_slice %arg8[%add3A_125, %dma_start3A_151] : memref<40x128xi32, #tpu.memory_space<vmem>> -> memref<1x128xi32, #tpu.memory_space<vmem>>
        %dma_start3A_153 = tpu.memref_squeeze %dma_start3A_152 : memref<1x128xi32, #tpu.memory_space<vmem>> -> memref<128xi32, #tpu.memory_space<vmem>>
        %dma_start3A_154 = arith.constant 0 : i32
        %dma_start3A_155 = arith.constant 0 : i32
        %dma_start3A_156 = tpu.memref_slice %arg4[%dma_start3A_154, %dma_start3A_155] : memref<10000x128xf32, #tpu.memory_space<hbm>> -> memref<10000x128xf32, #tpu.memory_space<hbm>>
        tpu.enqueue_indirect_dma source(%dma_start3A_156 : memref<10000x128xf32, #tpu.memory_space<hbm>>) target(%arg12 : memref<128x128xf32, #tpu.memory_space<vmem>>) offsets(%dma_start3A_153 : memref<128xi32, #tpu.memory_space<vmem>>) semaphore(%arg15 : memref<!tpu.dma_semaphore, #tpu.memory_space<semaphore_mem>>)
      } else {
      }
      %dma_wait3A_128 = arith.constant 0 : i32
      %dma_wait3A_129 = tpu.memref_slice %arg8[%add3A_123, %dma_wait3A_128] : memref<40x128xi32, #tpu.memory_space<vmem>> -> memref<1x128xi32, #tpu.memory_space<vmem>>
      %dma_wait3A_130 = tpu.memref_squeeze %dma_wait3A_129 : memref<1x128xi32, #tpu.memory_space<vmem>> -> memref<128xi32, #tpu.memory_space<vmem>>
      %dma_wait3A_131 = arith.constant 0 : i32
      %dma_wait3A_132 = arith.constant 0 : i32
      %dma_wait3A_133 = tpu.memref_slice %arg4[%dma_wait3A_131, %dma_wait3A_132] : memref<10000x128xf32, #tpu.memory_space<hbm>> -> memref<10000x128xf32, #tpu.memory_space<hbm>>
      tpu.wait_indirect_dma semaphore(%arg14 : memref<!tpu.dma_semaphore, #tpu.memory_space<semaphore_mem>>) src(%dma_wait3A_133 : memref<10000x128xf32, #tpu.memory_space<hbm>>) dst(%arg11 : memref<128x128xf32, #tpu.memory_space<vmem>>)
      "tpu.region"() ({
        %run_scoped3A_151 = tpu.sem_alloc : memref<!tpu.dma_semaphore, #tpu.memory_space<semaphore_mem>>
        %dma_start3A_152 = arith.constant 0 : i32
        %dma_start3A_153 = tpu.memref_slice %arg9[%add3A_123, %dma_start3A_152] : memref<40x128xi32, #tpu.memory_space<vmem>> -> memref<1x128xi32, #tpu.memory_space<vmem>>
        %dma_start3A_154 = tpu.memref_squeeze %dma_start3A_153 : memref<1x128xi32, #tpu.memory_space<vmem>> -> memref<128xi32, #tpu.memory_space<vmem>>
        %dma_start3A_155 = arith.constant 0 : i32
        %dma_start3A_156 = arith.constant 0 : i32
        %dma_start3A_157 = tpu.memref_slice %arg13[%dma_start3A_155, %dma_start3A_156] : memref<10240x128xf32, #tpu.memory_space<vmem_shared>> -> memref<10240x128xf32, #tpu.memory_space<vmem_shared>>
        tpu.enqueue_indirect_dma source(%arg11 : memref<128x128xf32, #tpu.memory_space<vmem>>) target(%dma_start3A_157 : memref<10240x128xf32, #tpu.memory_space<vmem_shared>>) offsets(%dma_start3A_154 : memref<128xi32, #tpu.memory_space<vmem>>) semaphore(%run_scoped3A_151 : memref<!tpu.dma_semaphore, #tpu.memory_space<semaphore_mem>>) {add = true}
        %dma_wait3A_158 = arith.constant 0 : i32
        %dma_wait3A_159 = tpu.memref_slice %arg9[%add3A_123, %dma_wait3A_158] : memref<40x128xi32, #tpu.memory_space<vmem>> -> memref<1x128xi32, #tpu.memory_space<vmem>>
        %dma_wait3A_160 = tpu.memref_squeeze %dma_wait3A_159 : memref<1x128xi32, #tpu.memory_space<vmem>> -> memref<128xi32, #tpu.memory_space<vmem>>
        %dma_wait3A_161 = arith.constant 0 : i32
        %dma_wait3A_162 = arith.constant 0 : i32
        %dma_wait3A_163 = tpu.memref_slice %arg13[%dma_wait3A_161, %dma_wait3A_162] : memref<10240x128xf32, #tpu.memory_space<vmem_shared>> -> memref<10240x128xf32, #tpu.memory_space<vmem_shared>>
        tpu.wait_indirect_dma semaphore(%run_scoped3A_151 : memref<!tpu.dma_semaphore, #tpu.memory_space<semaphore_mem>>) src(%arg11 : memref<128x128xf32, #tpu.memory_space<vmem>>) dst(%dma_wait3A_163 : memref<10240x128xf32, #tpu.memory_space<vmem_shared>>)
        tpu.yield
      }) : () -> ()
      %mul3A_134 = arith.constant 2 : i32
      %mul3A_135 = arith.muli %scan3A_119, %mul3A_134 : i32
      %add3A_136 = arith.constant 1 : i32
      %add3A_137 = arith.addi %mul3A_135, %add3A_136 : i32
      %add3A_138 = arith.constant 1 : i32
      %add3A_139 = arith.addi %add3A_137, %add3A_138 : i32
      %lt3A_140 = arith.constant 40 : i32
      %lt3A_141 = arith.cmpi slt, %add3A_139, %lt3A_140 : i32
      %convert_element_type3A_142 = arith.extui %lt3A_141 : i1 to i32
      %cond3A_143 = arith.constant 0 : i32
      %cond3A_144 = arith.cmpi ne, %convert_element_type3A_142, %cond3A_143 : i32
      scf.if %cond3A_144 {
        %dma_start3A_151 = arith.constant 0 : i32
        %dma_start3A_152 = tpu.memref_slice %arg8[%add3A_139, %dma_start3A_151] : memref<40x128xi32, #tpu.memory_space<vmem>> -> memref<1x128xi32, #tpu.memory_space<vmem>>
        %dma_start3A_153 = tpu.memref_squeeze %dma_start3A_152 : memref<1x128xi32, #tpu.memory_space<vmem>> -> memref<128xi32, #tpu.memory_space<vmem>>
        %dma_start3A_154 = arith.constant 0 : i32
        %dma_start3A_155 = arith.constant 0 : i32
        %dma_start3A_156 = tpu.memref_slice %arg4[%dma_start3A_154, %dma_start3A_155] : memref<10000x128xf32, #tpu.memory_space<hbm>> -> memref<10000x128xf32, #tpu.memory_space<hbm>>
        tpu.enqueue_indirect_dma source(%dma_start3A_156 : memref<10000x128xf32, #tpu.memory_space<hbm>>) target(%arg11 : memref<128x128xf32, #tpu.memory_space<vmem>>) offsets(%dma_start3A_153 : memref<128xi32, #tpu.memory_space<vmem>>) semaphore(%arg14 : memref<!tpu.dma_semaphore, #tpu.memory_space<semaphore_mem>>)
      } else {
      }
      %dma_wait3A_145 = arith.constant 0 : i32
      %dma_wait3A_146 = tpu.memref_slice %arg8[%add3A_137, %dma_wait3A_145] : memref<40x128xi32, #tpu.memory_space<vmem>> -> memref<1x128xi32, #tpu.memory_space<vmem>>
      %dma_wait3A_147 = tpu.memref_squeeze %dma_wait3A_146 : memref<1x128xi32, #tpu.memory_space<vmem>> -> memref<128xi32, #tpu.memory_space<vmem>>
      %dma_wait3A_148 = arith.constant 0 : i32
      %dma_wait3A_149 = arith.constant 0 : i32
      %dma_wait3A_150 = tpu.memref_slice %arg4[%dma_wait3A_148, %dma_wait3A_149] : memref<10000x128xf32, #tpu.memory_space<hbm>> -> memref<10000x128xf32, #tpu.memory_space<hbm>>
      tpu.wait_indirect_dma semaphore(%arg15 : memref<!tpu.dma_semaphore, #tpu.memory_space<semaphore_mem>>) src(%dma_wait3A_150 : memref<10000x128xf32, #tpu.memory_space<hbm>>) dst(%arg12 : memref<128x128xf32, #tpu.memory_space<vmem>>)
      "tpu.region"() ({
        %run_scoped3A_151 = tpu.sem_alloc : memref<!tpu.dma_semaphore, #tpu.memory_space<semaphore_mem>>
        %dma_start3A_152 = arith.constant 0 : i32
        %dma_start3A_153 = tpu.memref_slice %arg9[%add3A_137, %dma_start3A_152] : memref<40x128xi32, #tpu.memory_space<vmem>> -> memref<1x128xi32, #tpu.memory_space<vmem>>
        %dma_start3A_154 = tpu.memref_squeeze %dma_start3A_153 : memref<1x128xi32, #tpu.memory_space<vmem>> -> memref<128xi32, #tpu.memory_space<vmem>>
        %dma_start3A_155 = arith.constant 0 : i32
        %dma_start3A_156 = arith.constant 0 : i32
        %dma_start3A_157 = tpu.memref_slice %arg13[%dma_start3A_155, %dma_start3A_156] : memref<10240x128xf32, #tpu.memory_space<vmem_shared>> -> memref<10240x128xf32, #tpu.memory_space<vmem_shared>>
        tpu.enqueue_indirect_dma source(%arg12 : memref<128x128xf32, #tpu.memory_space<vmem>>) target(%dma_start3A_157 : memref<10240x128xf32, #tpu.memory_space<vmem_shared>>) offsets(%dma_start3A_154 : memref<128xi32, #tpu.memory_space<vmem>>) semaphore(%run_scoped3A_151 : memref<!tpu.dma_semaphore, #tpu.memory_space<semaphore_mem>>) {add = true}
        %dma_wait3A_158 = arith.constant 0 : i32
        %dma_wait3A_159 = tpu.memref_slice %arg9[%add3A_137, %dma_wait3A_158] : memref<40x128xi32, #tpu.memory_space<vmem>> -> memref<1x128xi32, #tpu.memory_space<vmem>>
        %dma_wait3A_160 = tpu.memref_squeeze %dma_wait3A_159 : memref<1x128xi32, #tpu.memory_space<vmem>> -> memref<128xi32, #tpu.memory_space<vmem>>
        %dma_wait3A_161 = arith.constant 0 : i32
        %dma_wait3A_162 = arith.constant 0 : i32
        %dma_wait3A_163 = tpu.memref_slice %arg13[%dma_wait3A_161, %dma_wait3A_162] : memref<10240x128xf32, #tpu.memory_space<vmem_shared>> -> memref<10240x128xf32, #tpu.memory_space<vmem_shared>>
        tpu.wait_indirect_dma semaphore(%run_scoped3A_151 : memref<!tpu.dma_semaphore, #tpu.memory_space<semaphore_mem>>) src(%arg12 : memref<128x128xf32, #tpu.memory_space<vmem>>) dst(%dma_wait3A_163 : memref<10240x128xf32, #tpu.memory_space<vmem_shared>>)
        tpu.yield
      }) : () -> ()
    }
    %scan3A_28 = arith.constant 20 : i32
    %barrier3A_29 = arith.constant 0 : index
    tpu.barrier barrier_id(%barrier3A_29)
    %dma_start3A_30 = arith.constant 0 : i32
    %dma_start3A_31 = arith.constant 0 : i32
    %dma_start3A_32 = tpu.memref_slice %arg10[%dma_start3A_30, %dma_start3A_31] : memref<5x128xi32, #tpu.memory_space<vmem>> -> memref<1x128xi32, #tpu.memory_space<vmem>>
    %dma_start3A_33 = tpu.memref_squeeze %dma_start3A_32 : memref<1x128xi32, #tpu.memory_space<vmem>> -> memref<128xi32, #tpu.memory_space<vmem>>
    %dma_start3A_34 = arith.constant 0 : i32
    %dma_start3A_35 = arith.constant 0 : i32
    %dma_start3A_36 = tpu.memref_slice %arg13[%dma_start3A_34, %dma_start3A_35] : memref<10240x128xf32, #tpu.memory_space<vmem_shared>> -> memref<10240x128xf32, #tpu.memory_space<vmem_shared>>
    tpu.enqueue_indirect_dma source(%dma_start3A_36 : memref<10240x128xf32, #tpu.memory_space<vmem_shared>>) target(%arg11 : memref<128x128xf32, #tpu.memory_space<vmem>>) offsets(%dma_start3A_33 : memref<128xi32, #tpu.memory_space<vmem>>) semaphore(%arg14 : memref<!tpu.dma_semaphore, #tpu.memory_space<semaphore_mem>>)
    %dma_wait3A = arith.constant 0 : i32
    %dma_wait3A_37 = arith.constant 0 : i32
    %dma_wait3A_38 = tpu.memref_slice %arg10[%dma_wait3A, %dma_wait3A_37] : memref<5x128xi32, #tpu.memory_space<vmem>> -> memref<1x128xi32, #tpu.memory_space<vmem>>
    %dma_wait3A_39 = tpu.memref_squeeze %dma_wait3A_38 : memref<1x128xi32, #tpu.memory_space<vmem>> -> memref<128xi32, #tpu.memory_space<vmem>>
    %dma_wait3A_40 = arith.constant 0 : i32
    %dma_wait3A_41 = arith.constant 0 : i32
    %dma_wait3A_42 = tpu.memref_slice %arg13[%dma_wait3A_40, %dma_wait3A_41] : memref<10240x128xf32, #tpu.memory_space<vmem_shared>> -> memref<10240x128xf32, #tpu.memory_space<vmem_shared>>
    tpu.wait_indirect_dma semaphore(%arg14 : memref<!tpu.dma_semaphore, #tpu.memory_space<semaphore_mem>>) src(%dma_wait3A_42 : memref<10240x128xf32, #tpu.memory_space<vmem_shared>>) dst(%arg11 : memref<128x128xf32, #tpu.memory_space<vmem>>)
    %mul3A_43 = arith.constant 640 : i32
    %mul3A_44 = arith.muli %arg1, %mul3A_43 : i32
    %add3A_45 = arith.constant 0 : i32
    %add3A_46 = arith.addi %mul3A_44, %add3A_45 : i32
    "tpu.region"() ({
      %run_scoped3A_119 = tpu.sem_alloc : memref<!tpu.dma_semaphore, #tpu.memory_space<semaphore_mem>>
      %dma_start3A_120 = arith.constant 0 : i32
      %dma_start3A_121 = tpu.memref_slice %arg7[%arg0, %add3A_46, %dma_start3A_120] : memref<2x10240x128xf32, #tpu.memory_space<hbm>> -> memref<1x128x128xf32, #tpu.memory_space<hbm>>
      %dma_start3A_122 = tpu.memref_squeeze %dma_start3A_121 : memref<1x128x128xf32, #tpu.memory_space<hbm>> -> memref<128x128xf32, #tpu.memory_space<hbm>>
      %dma_start3A_123 = arith.constant 0 : i32
      %dma_start3A_124 = tpu.memref_slice %arg7[%arg0, %add3A_46, %dma_start3A_123] : memref<2x10240x128xf32, #tpu.memory_space<hbm>> -> memref<1x128x128xf32, #tpu.memory_space<hbm>>
      %dma_start3A_125 = tpu.memref_squeeze %dma_start3A_124 : memref<1x128x128xf32, #tpu.memory_space<hbm>> -> memref<128x128xf32, #tpu.memory_space<hbm>>
      tpu.enqueue_dma source(%arg11 : memref<128x128xf32, #tpu.memory_space<vmem>>) target(%dma_start3A_125 : memref<128x128xf32, #tpu.memory_space<hbm>>) target_semaphore(%run_scoped3A_119 : memref<!tpu.dma_semaphore, #tpu.memory_space<semaphore_mem>>)
      %dma_wait3A_126 = arith.constant 0 : i32
      %dma_wait3A_127 = tpu.memref_slice %arg7[%arg0, %add3A_46, %dma_wait3A_126] : memref<2x10240x128xf32, #tpu.memory_space<hbm>> -> memref<1x128x128xf32, #tpu.memory_space<hbm>>
      %dma_wait3A_128 = tpu.memref_squeeze %dma_wait3A_127 : memref<1x128x128xf32, #tpu.memory_space<hbm>> -> memref<128x128xf32, #tpu.memory_space<hbm>>
      %dma_wait3A_129 = arith.constant 0 : i32
      %dma_wait3A_130 = tpu.memref_slice %arg7[%arg0, %add3A_46, %dma_wait3A_129] : memref<2x10240x128xf32, #tpu.memory_space<hbm>> -> memref<1x128x128xf32, #tpu.memory_space<hbm>>
      %dma_wait3A_131 = tpu.memref_squeeze %dma_wait3A_130 : memref<1x128x128xf32, #tpu.memory_space<hbm>> -> memref<128x128xf32, #tpu.memory_space<hbm>>
      tpu.wait_dma2 semaphore(%run_scoped3A_119 : memref<!tpu.dma_semaphore, #tpu.memory_space<semaphore_mem>>) src(%arg11 : memref<128x128xf32, #tpu.memory_space<vmem>>) dst(%dma_wait3A_131 : memref<128x128xf32, #tpu.memory_space<hbm>>)
      tpu.yield
    }) : () -> ()
    %dma_start3A_47 = arith.constant 1 : i32
    %dma_start3A_48 = arith.constant 0 : i32
    %dma_start3A_49 = tpu.memref_slice %arg10[%dma_start3A_47, %dma_start3A_48] : memref<5x128xi32, #tpu.memory_space<vmem>> -> memref<1x128xi32, #tpu.memory_space<vmem>>
    %dma_start3A_50 = tpu.memref_squeeze %dma_start3A_49 : memref<1x128xi32, #tpu.memory_space<vmem>> -> memref<128xi32, #tpu.memory_space<vmem>>
    %dma_start3A_51 = arith.constant 0 : i32
    %dma_start3A_52 = arith.constant 0 : i32
    %dma_start3A_53 = tpu.memref_slice %arg13[%dma_start3A_51, %dma_start3A_52] : memref<10240x128xf32, #tpu.memory_space<vmem_shared>> -> memref<10240x128xf32, #tpu.memory_space<vmem_shared>>
    tpu.enqueue_indirect_dma source(%dma_start3A_53 : memref<10240x128xf32, #tpu.memory_space<vmem_shared>>) target(%arg12 : memref<128x128xf32, #tpu.memory_space<vmem>>) offsets(%dma_start3A_50 : memref<128xi32, #tpu.memory_space<vmem>>) semaphore(%arg15 : memref<!tpu.dma_semaphore, #tpu.memory_space<semaphore_mem>>)
    %dma_wait3A_54 = arith.constant 1 : i32
    %dma_wait3A_55 = arith.constant 0 : i32
    %dma_wait3A_56 = tpu.memref_slice %arg10[%dma_wait3A_54, %dma_wait3A_55] : memref<5x128xi32, #tpu.memory_space<vmem>> -> memref<1x128xi32, #tpu.memory_space<vmem>>
    %dma_wait3A_57 = tpu.memref_squeeze %dma_wait3A_56 : memref<1x128xi32, #tpu.memory_space<vmem>> -> memref<128xi32, #tpu.memory_space<vmem>>
    %dma_wait3A_58 = arith.constant 0 : i32
    %dma_wait3A_59 = arith.constant 0 : i32
    %dma_wait3A_60 = tpu.memref_slice %arg13[%dma_wait3A_58, %dma_wait3A_59] : memref<10240x128xf32, #tpu.memory_space<vmem_shared>> -> memref<10240x128xf32, #tpu.memory_space<vmem_shared>>
    tpu.wait_indirect_dma semaphore(%arg15 : memref<!tpu.dma_semaphore, #tpu.memory_space<semaphore_mem>>) src(%dma_wait3A_60 : memref<10240x128xf32, #tpu.memory_space<vmem_shared>>) dst(%arg12 : memref<128x128xf32, #tpu.memory_space<vmem>>)
    %mul3A_61 = arith.constant 640 : i32
    %mul3A_62 = arith.muli %arg1, %mul3A_61 : i32
    %add3A_63 = arith.constant 128 : i32
    %add3A_64 = arith.addi %mul3A_62, %add3A_63 : i32
    "tpu.region"() ({
      %run_scoped3A_119 = tpu.sem_alloc : memref<!tpu.dma_semaphore, #tpu.memory_space<semaphore_mem>>
      %dma_start3A_120 = arith.constant 0 : i32
      %dma_start3A_121 = tpu.memref_slice %arg7[%arg0, %add3A_64, %dma_start3A_120] : memref<2x10240x128xf32, #tpu.memory_space<hbm>> -> memref<1x128x128xf32, #tpu.memory_space<hbm>>
      %dma_start3A_122 = tpu.memref_squeeze %dma_start3A_121 : memref<1x128x128xf32, #tpu.memory_space<hbm>> -> memref<128x128xf32, #tpu.memory_space<hbm>>
      %dma_start3A_123 = arith.constant 0 : i32
      %dma_start3A_124 = tpu.memref_slice %arg7[%arg0, %add3A_64, %dma_start3A_123] : memref<2x10240x128xf32, #tpu.memory_space<hbm>> -> memref<1x128x128xf32, #tpu.memory_space<hbm>>
      %dma_start3A_125 = tpu.memref_squeeze %dma_start3A_124 : memref<1x128x128xf32, #tpu.memory_space<hbm>> -> memref<128x128xf32, #tpu.memory_space<hbm>>
      tpu.enqueue_dma source(%arg12 : memref<128x128xf32, #tpu.memory_space<vmem>>) target(%dma_start3A_125 : memref<128x128xf32, #tpu.memory_space<hbm>>) target_semaphore(%run_scoped3A_119 : memref<!tpu.dma_semaphore, #tpu.memory_space<semaphore_mem>>)
      %dma_wait3A_126 = arith.constant 0 : i32
      %dma_wait3A_127 = tpu.memref_slice %arg7[%arg0, %add3A_64, %dma_wait3A_126] : memref<2x10240x128xf32, #tpu.memory_space<hbm>> -> memref<1x128x128xf32, #tpu.memory_space<hbm>>
      %dma_wait3A_128 = tpu.memref_squeeze %dma_wait3A_127 : memref<1x128x128xf32, #tpu.memory_space<hbm>> -> memref<128x128xf32, #tpu.memory_space<hbm>>
      %dma_wait3A_129 = arith.constant 0 : i32
      %dma_wait3A_130 = tpu.memref_slice %arg7[%arg0, %add3A_64, %dma_wait3A_129] : memref<2x10240x128xf32, #tpu.memory_space<hbm>> -> memref<1x128x128xf32, #tpu.memory_space<hbm>>
      %dma_wait3A_131 = tpu.memref_squeeze %dma_wait3A_130 : memref<1x128x128xf32, #tpu.memory_space<hbm>> -> memref<128x128xf32, #tpu.memory_space<hbm>>
      tpu.wait_dma2 semaphore(%run_scoped3A_119 : memref<!tpu.dma_semaphore, #tpu.memory_space<semaphore_mem>>) src(%arg12 : memref<128x128xf32, #tpu.memory_space<vmem>>) dst(%dma_wait3A_131 : memref<128x128xf32, #tpu.memory_space<hbm>>)
      tpu.yield
    }) : () -> ()
    %dma_start3A_65 = arith.constant 2 : i32
    %dma_start3A_66 = arith.constant 0 : i32
    %dma_start3A_67 = tpu.memref_slice %arg10[%dma_start3A_65, %dma_start3A_66] : memref<5x128xi32, #tpu.memory_space<vmem>> -> memref<1x128xi32, #tpu.memory_space<vmem>>
    %dma_start3A_68 = tpu.memref_squeeze %dma_start3A_67 : memref<1x128xi32, #tpu.memory_space<vmem>> -> memref<128xi32, #tpu.memory_space<vmem>>
    %dma_start3A_69 = arith.constant 0 : i32
    %dma_start3A_70 = arith.constant 0 : i32
    %dma_start3A_71 = tpu.memref_slice %arg13[%dma_start3A_69, %dma_start3A_70] : memref<10240x128xf32, #tpu.memory_space<vmem_shared>> -> memref<10240x128xf32, #tpu.memory_space<vmem_shared>>
    tpu.enqueue_indirect_dma source(%dma_start3A_71 : memref<10240x128xf32, #tpu.memory_space<vmem_shared>>) target(%arg11 : memref<128x128xf32, #tpu.memory_space<vmem>>) offsets(%dma_start3A_68 : memref<128xi32, #tpu.memory_space<vmem>>) semaphore(%arg14 : memref<!tpu.dma_semaphore, #tpu.memory_space<semaphore_mem>>)
    %dma_wait3A_72 = arith.constant 2 : i32
    %dma_wait3A_73 = arith.constant 0 : i32
    %dma_wait3A_74 = tpu.memref_slice %arg10[%dma_wait3A_72, %dma_wait3A_73] : memref<5x128xi32, #tpu.memory_space<vmem>> -> memref<1x128xi32, #tpu.memory_space<vmem>>
    %dma_wait3A_75 = tpu.memref_squeeze %dma_wait3A_74 : memref<1x128xi32, #tpu.memory_space<vmem>> -> memref<128xi32, #tpu.memory_space<vmem>>
    %dma_wait3A_76 = arith.constant 0 : i32
    %dma_wait3A_77 = arith.constant 0 : i32
    %dma_wait3A_78 = tpu.memref_slice %arg13[%dma_wait3A_76, %dma_wait3A_77] : memref<10240x128xf32, #tpu.memory_space<vmem_shared>> -> memref<10240x128xf32, #tpu.memory_space<vmem_shared>>
    tpu.wait_indirect_dma semaphore(%arg14 : memref<!tpu.dma_semaphore, #tpu.memory_space<semaphore_mem>>) src(%dma_wait3A_78 : memref<10240x128xf32, #tpu.memory_space<vmem_shared>>) dst(%arg11 : memref<128x128xf32, #tpu.memory_space<vmem>>)
    %mul3A_79 = arith.constant 640 : i32
    %mul3A_80 = arith.muli %arg1, %mul3A_79 : i32
    %add3A_81 = arith.constant 256 : i32
    %add3A_82 = arith.addi %mul3A_80, %add3A_81 : i32
    "tpu.region"() ({
      %run_scoped3A_119 = tpu.sem_alloc : memref<!tpu.dma_semaphore, #tpu.memory_space<semaphore_mem>>
      %dma_start3A_120 = arith.constant 0 : i32
      %dma_start3A_121 = tpu.memref_slice %arg7[%arg0, %add3A_82, %dma_start3A_120] : memref<2x10240x128xf32, #tpu.memory_space<hbm>> -> memref<1x128x128xf32, #tpu.memory_space<hbm>>
      %dma_start3A_122 = tpu.memref_squeeze %dma_start3A_121 : memref<1x128x128xf32, #tpu.memory_space<hbm>> -> memref<128x128xf32, #tpu.memory_space<hbm>>
      %dma_start3A_123 = arith.constant 0 : i32
      %dma_start3A_124 = tpu.memref_slice %arg7[%arg0, %add3A_82, %dma_start3A_123] : memref<2x10240x128xf32, #tpu.memory_space<hbm>> -> memref<1x128x128xf32, #tpu.memory_space<hbm>>
      %dma_start3A_125 = tpu.memref_squeeze %dma_start3A_124 : memref<1x128x128xf32, #tpu.memory_space<hbm>> -> memref<128x128xf32, #tpu.memory_space<hbm>>
      tpu.enqueue_dma source(%arg11 : memref<128x128xf32, #tpu.memory_space<vmem>>) target(%dma_start3A_125 : memref<128x128xf32, #tpu.memory_space<hbm>>) target_semaphore(%run_scoped3A_119 : memref<!tpu.dma_semaphore, #tpu.memory_space<semaphore_mem>>)
      %dma_wait3A_126 = arith.constant 0 : i32
      %dma_wait3A_127 = tpu.memref_slice %arg7[%arg0, %add3A_82, %dma_wait3A_126] : memref<2x10240x128xf32, #tpu.memory_space<hbm>> -> memref<1x128x128xf32, #tpu.memory_space<hbm>>
      %dma_wait3A_128 = tpu.memref_squeeze %dma_wait3A_127 : memref<1x128x128xf32, #tpu.memory_space<hbm>> -> memref<128x128xf32, #tpu.memory_space<hbm>>
      %dma_wait3A_129 = arith.constant 0 : i32
      %dma_wait3A_130 = tpu.memref_slice %arg7[%arg0, %add3A_82, %dma_wait3A_129] : memref<2x10240x128xf32, #tpu.memory_space<hbm>> -> memref<1x128x128xf32, #tpu.memory_space<hbm>>
      %dma_wait3A_131 = tpu.memref_squeeze %dma_wait3A_130 : memref<1x128x128xf32, #tpu.memory_space<hbm>> -> memref<128x128xf32, #tpu.memory_space<hbm>>
      tpu.wait_dma2 semaphore(%run_scoped3A_119 : memref<!tpu.dma_semaphore, #tpu.memory_space<semaphore_mem>>) src(%arg11 : memref<128x128xf32, #tpu.memory_space<vmem>>) dst(%dma_wait3A_131 : memref<128x128xf32, #tpu.memory_space<hbm>>)
      tpu.yield
    }) : () -> ()
    %dma_start3A_83 = arith.constant 3 : i32
    %dma_start3A_84 = arith.constant 0 : i32
    %dma_start3A_85 = tpu.memref_slice %arg10[%dma_start3A_83, %dma_start3A_84] : memref<5x128xi32, #tpu.memory_space<vmem>> -> memref<1x128xi32, #tpu.memory_space<vmem>>
    %dma_start3A_86 = tpu.memref_squeeze %dma_start3A_85 : memref<1x128xi32, #tpu.memory_space<vmem>> -> memref<128xi32, #tpu.memory_space<vmem>>
    %dma_start3A_87 = arith.constant 0 : i32
    %dma_start3A_88 = arith.constant 0 : i32
    %dma_start3A_89 = tpu.memref_slice %arg13[%dma_start3A_87, %dma_start3A_88] : memref<10240x128xf32, #tpu.memory_space<vmem_shared>> -> memref<10240x128xf32, #tpu.memory_space<vmem_shared>>
    tpu.enqueue_indirect_dma source(%dma_start3A_89 : memref<10240x128xf32, #tpu.memory_space<vmem_shared>>) target(%arg12 : memref<128x128xf32, #tpu.memory_space<vmem>>) offsets(%dma_start3A_86 : memref<128xi32, #tpu.memory_space<vmem>>) semaphore(%arg15 : memref<!tpu.dma_semaphore, #tpu.memory_space<semaphore_mem>>)
    %dma_wait3A_90 = arith.constant 3 : i32
    %dma_wait3A_91 = arith.constant 0 : i32
    %dma_wait3A_92 = tpu.memref_slice %arg10[%dma_wait3A_90, %dma_wait3A_91] : memref<5x128xi32, #tpu.memory_space<vmem>> -> memref<1x128xi32, #tpu.memory_space<vmem>>
    %dma_wait3A_93 = tpu.memref_squeeze %dma_wait3A_92 : memref<1x128xi32, #tpu.memory_space<vmem>> -> memref<128xi32, #tpu.memory_space<vmem>>
    %dma_wait3A_94 = arith.constant 0 : i32
    %dma_wait3A_95 = arith.constant 0 : i32
    %dma_wait3A_96 = tpu.memref_slice %arg13[%dma_wait3A_94, %dma_wait3A_95] : memref<10240x128xf32, #tpu.memory_space<vmem_shared>> -> memref<10240x128xf32, #tpu.memory_space<vmem_shared>>
    tpu.wait_indirect_dma semaphore(%arg15 : memref<!tpu.dma_semaphore, #tpu.memory_space<semaphore_mem>>) src(%dma_wait3A_96 : memref<10240x128xf32, #tpu.memory_space<vmem_shared>>) dst(%arg12 : memref<128x128xf32, #tpu.memory_space<vmem>>)
    %mul3A_97 = arith.constant 640 : i32
    %mul3A_98 = arith.muli %arg1, %mul3A_97 : i32
    %add3A_99 = arith.constant 384 : i32
    %add3A_100 = arith.addi %mul3A_98, %add3A_99 : i32
    "tpu.region"() ({
      %run_scoped3A_119 = tpu.sem_alloc : memref<!tpu.dma_semaphore, #tpu.memory_space<semaphore_mem>>
      %dma_start3A_120 = arith.constant 0 : i32
      %dma_start3A_121 = tpu.memref_slice %arg7[%arg0, %add3A_100, %dma_start3A_120] : memref<2x10240x128xf32, #tpu.memory_space<hbm>> -> memref<1x128x128xf32, #tpu.memory_space<hbm>>
      %dma_start3A_122 = tpu.memref_squeeze %dma_start3A_121 : memref<1x128x128xf32, #tpu.memory_space<hbm>> -> memref<128x128xf32, #tpu.memory_space<hbm>>
      %dma_start3A_123 = arith.constant 0 : i32
      %dma_start3A_124 = tpu.memref_slice %arg7[%arg0, %add3A_100, %dma_start3A_123] : memref<2x10240x128xf32, #tpu.memory_space<hbm>> -> memref<1x128x128xf32, #tpu.memory_space<hbm>>
      %dma_start3A_125 = tpu.memref_squeeze %dma_start3A_124 : memref<1x128x128xf32, #tpu.memory_space<hbm>> -> memref<128x128xf32, #tpu.memory_space<hbm>>
      tpu.enqueue_dma source(%arg12 : memref<128x128xf32, #tpu.memory_space<vmem>>) target(%dma_start3A_125 : memref<128x128xf32, #tpu.memory_space<hbm>>) target_semaphore(%run_scoped3A_119 : memref<!tpu.dma_semaphore, #tpu.memory_space<semaphore_mem>>)
      %dma_wait3A_126 = arith.constant 0 : i32
      %dma_wait3A_127 = tpu.memref_slice %arg7[%arg0, %add3A_100, %dma_wait3A_126] : memref<2x10240x128xf32, #tpu.memory_space<hbm>> -> memref<1x128x128xf32, #tpu.memory_space<hbm>>
      %dma_wait3A_128 = tpu.memref_squeeze %dma_wait3A_127 : memref<1x128x128xf32, #tpu.memory_space<hbm>> -> memref<128x128xf32, #tpu.memory_space<hbm>>
      %dma_wait3A_129 = arith.constant 0 : i32
      %dma_wait3A_130 = tpu.memref_slice %arg7[%arg0, %add3A_100, %dma_wait3A_129] : memref<2x10240x128xf32, #tpu.memory_space<hbm>> -> memref<1x128x128xf32, #tpu.memory_space<hbm>>
      %dma_wait3A_131 = tpu.memref_squeeze %dma_wait3A_130 : memref<1x128x128xf32, #tpu.memory_space<hbm>> -> memref<128x128xf32, #tpu.memory_space<hbm>>
      tpu.wait_dma2 semaphore(%run_scoped3A_119 : memref<!tpu.dma_semaphore, #tpu.memory_space<semaphore_mem>>) src(%arg12 : memref<128x128xf32, #tpu.memory_space<vmem>>) dst(%dma_wait3A_131 : memref<128x128xf32, #tpu.memory_space<hbm>>)
      tpu.yield
    }) : () -> ()
    %dma_start3A_101 = arith.constant 4 : i32
    %dma_start3A_102 = arith.constant 0 : i32
    %dma_start3A_103 = tpu.memref_slice %arg10[%dma_start3A_101, %dma_start3A_102] : memref<5x128xi32, #tpu.memory_space<vmem>> -> memref<1x128xi32, #tpu.memory_space<vmem>>
    %dma_start3A_104 = tpu.memref_squeeze %dma_start3A_103 : memref<1x128xi32, #tpu.memory_space<vmem>> -> memref<128xi32, #tpu.memory_space<vmem>>
    %dma_start3A_105 = arith.constant 0 : i32
    %dma_start3A_106 = arith.constant 0 : i32
    %dma_start3A_107 = tpu.memref_slice %arg13[%dma_start3A_105, %dma_start3A_106] : memref<10240x128xf32, #tpu.memory_space<vmem_shared>> -> memref<10240x128xf32, #tpu.memory_space<vmem_shared>>
    tpu.enqueue_indirect_dma source(%dma_start3A_107 : memref<10240x128xf32, #tpu.memory_space<vmem_shared>>) target(%arg11 : memref<128x128xf32, #tpu.memory_space<vmem>>) offsets(%dma_start3A_104 : memref<128xi32, #tpu.memory_space<vmem>>) semaphore(%arg14 : memref<!tpu.dma_semaphore, #tpu.memory_space<semaphore_mem>>)
    %dma_wait3A_108 = arith.constant 4 : i32
    %dma_wait3A_109 = arith.constant 0 : i32
    %dma_wait3A_110 = tpu.memref_slice %arg10[%dma_wait3A_108, %dma_wait3A_109] : memref<5x128xi32, #tpu.memory_space<vmem>> -> memref<1x128xi32, #tpu.memory_space<vmem>>
    %dma_wait3A_111 = tpu.memref_squeeze %dma_wait3A_110 : memref<1x128xi32, #tpu.memory_space<vmem>> -> memref<128xi32, #tpu.memory_space<vmem>>
    %dma_wait3A_112 = arith.constant 0 : i32
    %dma_wait3A_113 = arith.constant 0 : i32
    %dma_wait3A_114 = tpu.memref_slice %arg13[%dma_wait3A_112, %dma_wait3A_113] : memref<10240x128xf32, #tpu.memory_space<vmem_shared>> -> memref<10240x128xf32, #tpu.memory_space<vmem_shared>>
    tpu.wait_indirect_dma semaphore(%arg14 : memref<!tpu.dma_semaphore, #tpu.memory_space<semaphore_mem>>) src(%dma_wait3A_114 : memref<10240x128xf32, #tpu.memory_space<vmem_shared>>) dst(%arg11 : memref<128x128xf32, #tpu.memory_space<vmem>>)
    %mul3A_115 = arith.constant 640 : i32
    %mul3A_116 = arith.muli %arg1, %mul3A_115 : i32
    %add3A_117 = arith.constant 512 : i32
    %add3A_118 = arith.addi %mul3A_116, %add3A_117 : i32
    "tpu.region"() ({
      %run_scoped3A_119 = tpu.sem_alloc : memref<!tpu.dma_semaphore, #tpu.memory_space<semaphore_mem>>
      %dma_start3A_120 = arith.constant 0 : i32
      %dma_start3A_121 = tpu.memref_slice %arg7[%arg0, %add3A_118, %dma_start3A_120] : memref<2x10240x128xf32, #tpu.memory_space<hbm>> -> memref<1x128x128xf32, #tpu.memory_space<hbm>>
      %dma_start3A_122 = tpu.memref_squeeze %dma_start3A_121 : memref<1x128x128xf32, #tpu.memory_space<hbm>> -> memref<128x128xf32, #tpu.memory_space<hbm>>
      %dma_start3A_123 = arith.constant 0 : i32
      %dma_start3A_124 = tpu.memref_slice %arg7[%arg0, %add3A_118, %dma_start3A_123] : memref<2x10240x128xf32, #tpu.memory_space<hbm>> -> memref<1x128x128xf32, #tpu.memory_space<hbm>>
      %dma_start3A_125 = tpu.memref_squeeze %dma_start3A_124 : memref<1x128x128xf32, #tpu.memory_space<hbm>> -> memref<128x128xf32, #tpu.memory_space<hbm>>
      tpu.enqueue_dma source(%arg11 : memref<128x128xf32, #tpu.memory_space<vmem>>) target(%dma_start3A_125 : memref<128x128xf32, #tpu.memory_space<hbm>>) target_semaphore(%run_scoped3A_119 : memref<!tpu.dma_semaphore, #tpu.memory_space<semaphore_mem>>)
      %dma_wait3A_126 = arith.constant 0 : i32
      %dma_wait3A_127 = tpu.memref_slice %arg7[%arg0, %add3A_118, %dma_wait3A_126] : memref<2x10240x128xf32, #tpu.memory_space<hbm>> -> memref<1x128x128xf32, #tpu.memory_space<hbm>>
      %dma_wait3A_128 = tpu.memref_squeeze %dma_wait3A_127 : memref<1x128x128xf32, #tpu.memory_space<hbm>> -> memref<128x128xf32, #tpu.memory_space<hbm>>
      %dma_wait3A_129 = arith.constant 0 : i32
      %dma_wait3A_130 = tpu.memref_slice %arg7[%arg0, %add3A_118, %dma_wait3A_129] : memref<2x10240x128xf32, #tpu.memory_space<hbm>> -> memref<1x128x128xf32, #tpu.memory_space<hbm>>
      %dma_wait3A_131 = tpu.memref_squeeze %dma_wait3A_130 : memref<1x128x128xf32, #tpu.memory_space<hbm>> -> memref<128x128xf32, #tpu.memory_space<hbm>>
      tpu.wait_dma2 semaphore(%run_scoped3A_119 : memref<!tpu.dma_semaphore, #tpu.memory_space<semaphore_mem>>) src(%arg11 : memref<128x128xf32, #tpu.memory_space<vmem>>) dst(%dma_wait3A_131 : memref<128x128xf32, #tpu.memory_space<hbm>>)
      tpu.yield
    }) : () -> ()
    return
  }
}

#map = affine_map<(d0, d1) -> (0, 0, 0)>
#map1 = affine_map<(d0, d1) -> (0, 0)>
module attributes {stable_mosaic.version = 14 : i64} {
  func.func @agg_kernel(%arg0: i32, %arg1: i32, %arg2: memref<32x80x128xi32, #tpu.memory_space<hbm>>, %arg3: memref<32x80x128xi32, #tpu.memory_space<hbm>>, %arg4: memref<10000x128xf32, #tpu.memory_space<hbm>>, %arg5: memref<128x128xf32, #tpu.memory_space<hbm>>, %arg6: memref<16x5x128xi32, #tpu.memory_space<hbm>>, %arg7: memref<2x10240x128xf32, #tpu.memory_space<hbm>>, %arg8: memref<40x128xi32, #tpu.memory_space<vmem>>, %arg9: memref<40x128xi32, #tpu.memory_space<vmem>>, %arg10: memref<5x128xi32, #tpu.memory_space<vmem>>, %arg11: memref<128x128xf32, #tpu.memory_space<vmem>>, %arg12: memref<128x128xf32, #tpu.memory_space<vmem>>, %arg13: memref<10240x128xf32, #tpu.memory_space<vmem_shared>>, %arg14: memref<!tpu.dma_semaphore, #tpu.memory_space<semaphore_mem>>, %arg15: memref<!tpu.dma_semaphore, #tpu.memory_space<semaphore_mem>>) attributes {dimension_semantics = [#tpu.dimension_semantics<core_parallel>, #tpu.dimension_semantics<subcore_parallel>], iteration_bounds = array<i64: 2, 16>, scalar_prefetch = 0 : i64, scratch_operands = 8 : i64, tpu.core_type = #tpu.core_type<sc_vector_subcore>, window_params = [{transform_indices = #map}, {transform_indices = #map}, {transform_indices = #map1}, {transform_indices = #map1}, {transform_indices = #map}, {transform_indices = #map}]} {
    %mul3A = arith.constant 2 : i32
    %mul3A_0 = arith.muli %arg1, %mul3A : i32
    %add3A = arith.addi %mul3A_0, %arg0 : i32
    "tpu.region"() ({
      %run_scoped3A_119 = tpu.sem_alloc : memref<!tpu.dma_semaphore, #tpu.memory_space<semaphore_mem>>
      %dma_start3A_120 = arith.constant 0 : i32
      %dma_start3A_121 = arith.constant 0 : i32
      %dma_start3A_122 = tpu.memref_slice %arg6[%arg1, %dma_start3A_120, %dma_start3A_121] : memref<16x5x128xi32, #tpu.memory_space<hbm>> -> memref<1x5x128xi32, #tpu.memory_space<hbm>>
      %dma_start3A_123 = tpu.memref_squeeze %dma_start3A_122 : memref<1x5x128xi32, #tpu.memory_space<hbm>> -> memref<5x128xi32, #tpu.memory_space<hbm>>
      %dma_start3A_124 = arith.constant 0 : i32
      %dma_start3A_125 = arith.constant 0 : i32
      %dma_start3A_126 = tpu.memref_slice %arg6[%arg1, %dma_start3A_124, %dma_start3A_125] : memref<16x5x128xi32, #tpu.memory_space<hbm>> -> memref<1x5x128xi32, #tpu.memory_space<hbm>>
      %dma_start3A_127 = tpu.memref_squeeze %dma_start3A_126 : memref<1x5x128xi32, #tpu.memory_space<hbm>> -> memref<5x128xi32, #tpu.memory_space<hbm>>
      tpu.enqueue_dma source(%dma_start3A_127 : memref<5x128xi32, #tpu.memory_space<hbm>>) target(%arg10 : memref<5x128xi32, #tpu.memory_space<vmem>>) target_semaphore(%run_scoped3A_119 : memref<!tpu.dma_semaphore, #tpu.memory_space<semaphore_mem>>)
      %dma_wait3A_128 = arith.constant 0 : i32
      %dma_wait3A_129 = arith.constant 0 : i32
      %dma_wait3A_130 = tpu.memref_slice %arg6[%arg1, %dma_wait3A_128, %dma_wait3A_129] : memref<16x5x128xi32, #tpu.memory_space<hbm>> -> memref<1x5x128xi32, #tpu.memory_space<hbm>>
      %dma_wait3A_131 = tpu.memref_squeeze %dma_wait3A_130 : memref<1x5x128xi32, #tpu.memory_space<hbm>> -> memref<5x128xi32, #tpu.memory_space<hbm>>
      %dma_wait3A_132 = arith.constant 0 : i32
      %dma_wait3A_133 = arith.constant 0 : i32
      %dma_wait3A_134 = tpu.memref_slice %arg6[%arg1, %dma_wait3A_132, %dma_wait3A_133] : memref<16x5x128xi32, #tpu.memory_space<hbm>> -> memref<1x5x128xi32, #tpu.memory_space<hbm>>
      %dma_wait3A_135 = tpu.memref_squeeze %dma_wait3A_134 : memref<1x5x128xi32, #tpu.memory_space<hbm>> -> memref<5x128xi32, #tpu.memory_space<hbm>>
      tpu.wait_dma2 semaphore(%run_scoped3A_119 : memref<!tpu.dma_semaphore, #tpu.memory_space<semaphore_mem>>) src(%dma_wait3A_135 : memref<5x128xi32, #tpu.memory_space<hbm>>) dst(%arg10 : memref<5x128xi32, #tpu.memory_space<vmem>>)
      tpu.yield
    }) : () -> ()
    "tpu.region"() ({
      %run_scoped3A_119 = tpu.sem_alloc : memref<!tpu.dma_semaphore, #tpu.memory_space<semaphore_mem>>
      tpu.enqueue_dma source(%arg5 : memref<128x128xf32, #tpu.memory_space<hbm>>) target(%arg11 : memref<128x128xf32, #tpu.memory_space<vmem>>) target_semaphore(%run_scoped3A_119 : memref<!tpu.dma_semaphore, #tpu.memory_space<semaphore_mem>>)
      tpu.wait_dma2 semaphore(%run_scoped3A_119 : memref<!tpu.dma_semaphore, #tpu.memory_space<semaphore_mem>>) src(%arg5 : memref<128x128xf32, #tpu.memory_space<hbm>>) dst(%arg11 : memref<128x128xf32, #tpu.memory_space<vmem>>)
      tpu.yield
    }) : () -> ()
    %run_scoped3A = arith.constant 0 : i32
    "tpu.region"() ({
      %run_scoped3A_119 = tpu.sem_alloc : memref<!tpu.dma_semaphore, #tpu.memory_space<semaphore_mem>>
      %dma_start3A_120 = arith.constant 0 : i32
      %dma_start3A_121 = tpu.memref_slice %arg10[%run_scoped3A, %dma_start3A_120] : memref<5x128xi32, #tpu.memory_space<vmem>> -> memref<1x128xi32, #tpu.memory_space<vmem>>
      %dma_start3A_122 = tpu.memref_squeeze %dma_start3A_121 : memref<1x128xi32, #tpu.memory_space<vmem>> -> memref<128xi32, #tpu.memory_space<vmem>>
      %dma_start3A_123 = arith.constant 0 : i32
      %dma_start3A_124 = arith.constant 0 : i32
      %dma_start3A_125 = tpu.memref_slice %arg13[%dma_start3A_123, %dma_start3A_124] : memref<10240x128xf32, #tpu.memory_space<vmem_shared>> -> memref<10240x128xf32, #tpu.memory_space<vmem_shared>>
      tpu.enqueue_indirect_dma source(%arg11 : memref<128x128xf32, #tpu.memory_space<vmem>>) target(%dma_start3A_125 : memref<10240x128xf32, #tpu.memory_space<vmem_shared>>) offsets(%dma_start3A_122 : memref<128xi32, #tpu.memory_space<vmem>>) semaphore(%run_scoped3A_119 : memref<!tpu.dma_semaphore, #tpu.memory_space<semaphore_mem>>)
      %dma_wait3A_126 = arith.constant 0 : i32
      %dma_wait3A_127 = tpu.memref_slice %arg10[%run_scoped3A, %dma_wait3A_126] : memref<5x128xi32, #tpu.memory_space<vmem>> -> memref<1x128xi32, #tpu.memory_space<vmem>>
      %dma_wait3A_128 = tpu.memref_squeeze %dma_wait3A_127 : memref<1x128xi32, #tpu.memory_space<vmem>> -> memref<128xi32, #tpu.memory_space<vmem>>
      %dma_wait3A_129 = arith.constant 0 : i32
      %dma_wait3A_130 = arith.constant 0 : i32
      %dma_wait3A_131 = tpu.memref_slice %arg13[%dma_wait3A_129, %dma_wait3A_130] : memref<10240x128xf32, #tpu.memory_space<vmem_shared>> -> memref<10240x128xf32, #tpu.memory_space<vmem_shared>>
      tpu.wait_indirect_dma semaphore(%run_scoped3A_119 : memref<!tpu.dma_semaphore, #tpu.memory_space<semaphore_mem>>) src(%arg11 : memref<128x128xf32, #tpu.memory_space<vmem>>) dst(%dma_wait3A_131 : memref<10240x128xf32, #tpu.memory_space<vmem_shared>>)
      tpu.yield
    }) : () -> ()
    %run_scoped3A_1 = arith.constant 1 : i32
    "tpu.region"() ({
      %run_scoped3A_119 = tpu.sem_alloc : memref<!tpu.dma_semaphore, #tpu.memory_space<semaphore_mem>>
      %dma_start3A_120 = arith.constant 0 : i32
      %dma_start3A_121 = tpu.memref_slice %arg10[%run_scoped3A_1, %dma_start3A_120] : memref<5x128xi32, #tpu.memory_space<vmem>> -> memref<1x128xi32, #tpu.memory_space<vmem>>
      %dma_start3A_122 = tpu.memref_squeeze %dma_start3A_121 : memref<1x128xi32, #tpu.memory_space<vmem>> -> memref<128xi32, #tpu.memory_space<vmem>>
      %dma_start3A_123 = arith.constant 0 : i32
      %dma_start3A_124 = arith.constant 0 : i32
      %dma_start3A_125 = tpu.memref_slice %arg13[%dma_start3A_123, %dma_start3A_124] : memref<10240x128xf32, #tpu.memory_space<vmem_shared>> -> memref<10240x128xf32, #tpu.memory_space<vmem_shared>>
      tpu.enqueue_indirect_dma source(%arg11 : memref<128x128xf32, #tpu.memory_space<vmem>>) target(%dma_start3A_125 : memref<10240x128xf32, #tpu.memory_space<vmem_shared>>) offsets(%dma_start3A_122 : memref<128xi32, #tpu.memory_space<vmem>>) semaphore(%run_scoped3A_119 : memref<!tpu.dma_semaphore, #tpu.memory_space<semaphore_mem>>)
      %dma_wait3A_126 = arith.constant 0 : i32
      %dma_wait3A_127 = tpu.memref_slice %arg10[%run_scoped3A_1, %dma_wait3A_126] : memref<5x128xi32, #tpu.memory_space<vmem>> -> memref<1x128xi32, #tpu.memory_space<vmem>>
      %dma_wait3A_128 = tpu.memref_squeeze %dma_wait3A_127 : memref<1x128xi32, #tpu.memory_space<vmem>> -> memref<128xi32, #tpu.memory_space<vmem>>
      %dma_wait3A_129 = arith.constant 0 : i32
      %dma_wait3A_130 = arith.constant 0 : i32
      %dma_wait3A_131 = tpu.memref_slice %arg13[%dma_wait3A_129, %dma_wait3A_130] : memref<10240x128xf32, #tpu.memory_space<vmem_shared>> -> memref<10240x128xf32, #tpu.memory_space<vmem_shared>>
      tpu.wait_indirect_dma semaphore(%run_scoped3A_119 : memref<!tpu.dma_semaphore, #tpu.memory_space<semaphore_mem>>) src(%arg11 : memref<128x128xf32, #tpu.memory_space<vmem>>) dst(%dma_wait3A_131 : memref<10240x128xf32, #tpu.memory_space<vmem_shared>>)
      tpu.yield
    }) : () -> ()
    %run_scoped3A_2 = arith.constant 2 : i32
    "tpu.region"() ({
      %run_scoped3A_119 = tpu.sem_alloc : memref<!tpu.dma_semaphore, #tpu.memory_space<semaphore_mem>>
      %dma_start3A_120 = arith.constant 0 : i32
      %dma_start3A_121 = tpu.memref_slice %arg10[%run_scoped3A_2, %dma_start3A_120] : memref<5x128xi32, #tpu.memory_space<vmem>> -> memref<1x128xi32, #tpu.memory_space<vmem>>
      %dma_start3A_122 = tpu.memref_squeeze %dma_start3A_121 : memref<1x128xi32, #tpu.memory_space<vmem>> -> memref<128xi32, #tpu.memory_space<vmem>>
      %dma_start3A_123 = arith.constant 0 : i32
      %dma_start3A_124 = arith.constant 0 : i32
      %dma_start3A_125 = tpu.memref_slice %arg13[%dma_start3A_123, %dma_start3A_124] : memref<10240x128xf32, #tpu.memory_space<vmem_shared>> -> memref<10240x128xf32, #tpu.memory_space<vmem_shared>>
      tpu.enqueue_indirect_dma source(%arg11 : memref<128x128xf32, #tpu.memory_space<vmem>>) target(%dma_start3A_125 : memref<10240x128xf32, #tpu.memory_space<vmem_shared>>) offsets(%dma_start3A_122 : memref<128xi32, #tpu.memory_space<vmem>>) semaphore(%run_scoped3A_119 : memref<!tpu.dma_semaphore, #tpu.memory_space<semaphore_mem>>)
      %dma_wait3A_126 = arith.constant 0 : i32
      %dma_wait3A_127 = tpu.memref_slice %arg10[%run_scoped3A_2, %dma_wait3A_126] : memref<5x128xi32, #tpu.memory_space<vmem>> -> memref<1x128xi32, #tpu.memory_space<vmem>>
      %dma_wait3A_128 = tpu.memref_squeeze %dma_wait3A_127 : memref<1x128xi32, #tpu.memory_space<vmem>> -> memref<128xi32, #tpu.memory_space<vmem>>
      %dma_wait3A_129 = arith.constant 0 : i32
      %dma_wait3A_130 = arith.constant 0 : i32
      %dma_wait3A_131 = tpu.memref_slice %arg13[%dma_wait3A_129, %dma_wait3A_130] : memref<10240x128xf32, #tpu.memory_space<vmem_shared>> -> memref<10240x128xf32, #tpu.memory_space<vmem_shared>>
      tpu.wait_indirect_dma semaphore(%run_scoped3A_119 : memref<!tpu.dma_semaphore, #tpu.memory_space<semaphore_mem>>) src(%arg11 : memref<128x128xf32, #tpu.memory_space<vmem>>) dst(%dma_wait3A_131 : memref<10240x128xf32, #tpu.memory_space<vmem_shared>>)
      tpu.yield
    }) : () -> ()
    %run_scoped3A_3 = arith.constant 3 : i32
    "tpu.region"() ({
      %run_scoped3A_119 = tpu.sem_alloc : memref<!tpu.dma_semaphore, #tpu.memory_space<semaphore_mem>>
      %dma_start3A_120 = arith.constant 0 : i32
      %dma_start3A_121 = tpu.memref_slice %arg10[%run_scoped3A_3, %dma_start3A_120] : memref<5x128xi32, #tpu.memory_space<vmem>> -> memref<1x128xi32, #tpu.memory_space<vmem>>
      %dma_start3A_122 = tpu.memref_squeeze %dma_start3A_121 : memref<1x128xi32, #tpu.memory_space<vmem>> -> memref<128xi32, #tpu.memory_space<vmem>>
      %dma_start3A_123 = arith.constant 0 : i32
      %dma_start3A_124 = arith.constant 0 : i32
      %dma_start3A_125 = tpu.memref_slice %arg13[%dma_start3A_123, %dma_start3A_124] : memref<10240x128xf32, #tpu.memory_space<vmem_shared>> -> memref<10240x128xf32, #tpu.memory_space<vmem_shared>>
      tpu.enqueue_indirect_dma source(%arg11 : memref<128x128xf32, #tpu.memory_space<vmem>>) target(%dma_start3A_125 : memref<10240x128xf32, #tpu.memory_space<vmem_shared>>) offsets(%dma_start3A_122 : memref<128xi32, #tpu.memory_space<vmem>>) semaphore(%run_scoped3A_119 : memref<!tpu.dma_semaphore, #tpu.memory_space<semaphore_mem>>)
      %dma_wait3A_126 = arith.constant 0 : i32
      %dma_wait3A_127 = tpu.memref_slice %arg10[%run_scoped3A_3, %dma_wait3A_126] : memref<5x128xi32, #tpu.memory_space<vmem>> -> memref<1x128xi32, #tpu.memory_space<vmem>>
      %dma_wait3A_128 = tpu.memref_squeeze %dma_wait3A_127 : memref<1x128xi32, #tpu.memory_space<vmem>> -> memref<128xi32, #tpu.memory_space<vmem>>
      %dma_wait3A_129 = arith.constant 0 : i32
      %dma_wait3A_130 = arith.constant 0 : i32
      %dma_wait3A_131 = tpu.memref_slice %arg13[%dma_wait3A_129, %dma_wait3A_130] : memref<10240x128xf32, #tpu.memory_space<vmem_shared>> -> memref<10240x128xf32, #tpu.memory_space<vmem_shared>>
      tpu.wait_indirect_dma semaphore(%run_scoped3A_119 : memref<!tpu.dma_semaphore, #tpu.memory_space<semaphore_mem>>) src(%arg11 : memref<128x128xf32, #tpu.memory_space<vmem>>) dst(%dma_wait3A_131 : memref<10240x128xf32, #tpu.memory_space<vmem_shared>>)
      tpu.yield
    }) : () -> ()
    %run_scoped3A_4 = arith.constant 4 : i32
    "tpu.region"() ({
      %run_scoped3A_119 = tpu.sem_alloc : memref<!tpu.dma_semaphore, #tpu.memory_space<semaphore_mem>>
      %dma_start3A_120 = arith.constant 0 : i32
      %dma_start3A_121 = tpu.memref_slice %arg10[%run_scoped3A_4, %dma_start3A_120] : memref<5x128xi32, #tpu.memory_space<vmem>> -> memref<1x128xi32, #tpu.memory_space<vmem>>
      %dma_start3A_122 = tpu.memref_squeeze %dma_start3A_121 : memref<1x128xi32, #tpu.memory_space<vmem>> -> memref<128xi32, #tpu.memory_space<vmem>>
      %dma_start3A_123 = arith.constant 0 : i32
      %dma_start3A_124 = arith.constant 0 : i32
      %dma_start3A_125 = tpu.memref_slice %arg13[%dma_start3A_123, %dma_start3A_124] : memref<10240x128xf32, #tpu.memory_space<vmem_shared>> -> memref<10240x128xf32, #tpu.memory_space<vmem_shared>>
      tpu.enqueue_indirect_dma source(%arg11 : memref<128x128xf32, #tpu.memory_space<vmem>>) target(%dma_start3A_125 : memref<10240x128xf32, #tpu.memory_space<vmem_shared>>) offsets(%dma_start3A_122 : memref<128xi32, #tpu.memory_space<vmem>>) semaphore(%run_scoped3A_119 : memref<!tpu.dma_semaphore, #tpu.memory_space<semaphore_mem>>)
      %dma_wait3A_126 = arith.constant 0 : i32
      %dma_wait3A_127 = tpu.memref_slice %arg10[%run_scoped3A_4, %dma_wait3A_126] : memref<5x128xi32, #tpu.memory_space<vmem>> -> memref<1x128xi32, #tpu.memory_space<vmem>>
      %dma_wait3A_128 = tpu.memref_squeeze %dma_wait3A_127 : memref<1x128xi32, #tpu.memory_space<vmem>> -> memref<128xi32, #tpu.memory_space<vmem>>
      %dma_wait3A_129 = arith.constant 0 : i32
      %dma_wait3A_130 = arith.constant 0 : i32
      %dma_wait3A_131 = tpu.memref_slice %arg13[%dma_wait3A_129, %dma_wait3A_130] : memref<10240x128xf32, #tpu.memory_space<vmem_shared>> -> memref<10240x128xf32, #tpu.memory_space<vmem_shared>>
      tpu.wait_indirect_dma semaphore(%run_scoped3A_119 : memref<!tpu.dma_semaphore, #tpu.memory_space<semaphore_mem>>) src(%arg11 : memref<128x128xf32, #tpu.memory_space<vmem>>) dst(%dma_wait3A_131 : memref<10240x128xf32, #tpu.memory_space<vmem_shared>>)
      tpu.yield
    }) : () -> ()
    %barrier3A = arith.constant 0 : index
    tpu.barrier barrier_id(%barrier3A)
    "tpu.region"() ({
      %run_scoped3A_119 = tpu.sem_alloc : memref<!tpu.dma_semaphore, #tpu.memory_space<semaphore_mem>>
      %dma_start3A_120 = arith.constant 0 : i32
      %dma_start3A_121 = arith.constant 0 : i32
      %dma_start3A_122 = tpu.memref_slice %arg2[%add3A, %dma_start3A_120, %dma_start3A_121] : memref<32x80x128xi32, #tpu.memory_space<hbm>> -> memref<1x40x128xi32, #tpu.memory_space<hbm>>
      %dma_start3A_123 = tpu.memref_squeeze %dma_start3A_122 : memref<1x40x128xi32, #tpu.memory_space<hbm>> -> memref<40x128xi32, #tpu.memory_space<hbm>>
      %dma_start3A_124 = arith.constant 0 : i32
      %dma_start3A_125 = arith.constant 0 : i32
      %dma_start3A_126 = tpu.memref_slice %arg2[%add3A, %dma_start3A_124, %dma_start3A_125] : memref<32x80x128xi32, #tpu.memory_space<hbm>> -> memref<1x40x128xi32, #tpu.memory_space<hbm>>
      %dma_start3A_127 = tpu.memref_squeeze %dma_start3A_126 : memref<1x40x128xi32, #tpu.memory_space<hbm>> -> memref<40x128xi32, #tpu.memory_space<hbm>>
      tpu.enqueue_dma source(%dma_start3A_127 : memref<40x128xi32, #tpu.memory_space<hbm>>) target(%arg8 : memref<40x128xi32, #tpu.memory_space<vmem>>) target_semaphore(%run_scoped3A_119 : memref<!tpu.dma_semaphore, #tpu.memory_space<semaphore_mem>>)
      %dma_wait3A_128 = arith.constant 0 : i32
      %dma_wait3A_129 = arith.constant 0 : i32
      %dma_wait3A_130 = tpu.memref_slice %arg2[%add3A, %dma_wait3A_128, %dma_wait3A_129] : memref<32x80x128xi32, #tpu.memory_space<hbm>> -> memref<1x40x128xi32, #tpu.memory_space<hbm>>
      %dma_wait3A_131 = tpu.memref_squeeze %dma_wait3A_130 : memref<1x40x128xi32, #tpu.memory_space<hbm>> -> memref<40x128xi32, #tpu.memory_space<hbm>>
      %dma_wait3A_132 = arith.constant 0 : i32
      %dma_wait3A_133 = arith.constant 0 : i32
      %dma_wait3A_134 = tpu.memref_slice %arg2[%add3A, %dma_wait3A_132, %dma_wait3A_133] : memref<32x80x128xi32, #tpu.memory_space<hbm>> -> memref<1x40x128xi32, #tpu.memory_space<hbm>>
      %dma_wait3A_135 = tpu.memref_squeeze %dma_wait3A_134 : memref<1x40x128xi32, #tpu.memory_space<hbm>> -> memref<40x128xi32, #tpu.memory_space<hbm>>
      tpu.wait_dma2 semaphore(%run_scoped3A_119 : memref<!tpu.dma_semaphore, #tpu.memory_space<semaphore_mem>>) src(%dma_wait3A_135 : memref<40x128xi32, #tpu.memory_space<hbm>>) dst(%arg8 : memref<40x128xi32, #tpu.memory_space<vmem>>)
      tpu.yield
    }) : () -> ()
    "tpu.region"() ({
      %run_scoped3A_119 = tpu.sem_alloc : memref<!tpu.dma_semaphore, #tpu.memory_space<semaphore_mem>>
      %dma_start3A_120 = arith.constant 0 : i32
      %dma_start3A_121 = arith.constant 0 : i32
      %dma_start3A_122 = tpu.memref_slice %arg3[%add3A, %dma_start3A_120, %dma_start3A_121] : memref<32x80x128xi32, #tpu.memory_space<hbm>> -> memref<1x40x128xi32, #tpu.memory_space<hbm>>
      %dma_start3A_123 = tpu.memref_squeeze %dma_start3A_122 : memref<1x40x128xi32, #tpu.memory_space<hbm>> -> memref<40x128xi32, #tpu.memory_space<hbm>>
      %dma_start3A_124 = arith.constant 0 : i32
      %dma_start3A_125 = arith.constant 0 : i32
      %dma_start3A_126 = tpu.memref_slice %arg3[%add3A, %dma_start3A_124, %dma_start3A_125] : memref<32x80x128xi32, #tpu.memory_space<hbm>> -> memref<1x40x128xi32, #tpu.memory_space<hbm>>
      %dma_start3A_127 = tpu.memref_squeeze %dma_start3A_126 : memref<1x40x128xi32, #tpu.memory_space<hbm>> -> memref<40x128xi32, #tpu.memory_space<hbm>>
      tpu.enqueue_dma source(%dma_start3A_127 : memref<40x128xi32, #tpu.memory_space<hbm>>) target(%arg9 : memref<40x128xi32, #tpu.memory_space<vmem>>) target_semaphore(%run_scoped3A_119 : memref<!tpu.dma_semaphore, #tpu.memory_space<semaphore_mem>>)
      %dma_wait3A_128 = arith.constant 0 : i32
      %dma_wait3A_129 = arith.constant 0 : i32
      %dma_wait3A_130 = tpu.memref_slice %arg3[%add3A, %dma_wait3A_128, %dma_wait3A_129] : memref<32x80x128xi32, #tpu.memory_space<hbm>> -> memref<1x40x128xi32, #tpu.memory_space<hbm>>
      %dma_wait3A_131 = tpu.memref_squeeze %dma_wait3A_130 : memref<1x40x128xi32, #tpu.memory_space<hbm>> -> memref<40x128xi32, #tpu.memory_space<hbm>>
      %dma_wait3A_132 = arith.constant 0 : i32
      %dma_wait3A_133 = arith.constant 0 : i32
      %dma_wait3A_134 = tpu.memref_slice %arg3[%add3A, %dma_wait3A_132, %dma_wait3A_133] : memref<32x80x128xi32, #tpu.memory_space<hbm>> -> memref<1x40x128xi32, #tpu.memory_space<hbm>>
      %dma_wait3A_135 = tpu.memref_squeeze %dma_wait3A_134 : memref<1x40x128xi32, #tpu.memory_space<hbm>> -> memref<40x128xi32, #tpu.memory_space<hbm>>
      tpu.wait_dma2 semaphore(%run_scoped3A_119 : memref<!tpu.dma_semaphore, #tpu.memory_space<semaphore_mem>>) src(%dma_wait3A_135 : memref<40x128xi32, #tpu.memory_space<hbm>>) dst(%arg9 : memref<40x128xi32, #tpu.memory_space<vmem>>)
      tpu.yield
    }) : () -> ()
    %dma_start3A = arith.constant 0 : i32
    %dma_start3A_5 = arith.constant 0 : i32
    %dma_start3A_6 = tpu.memref_slice %arg8[%dma_start3A, %dma_start3A_5] : memref<40x128xi32, #tpu.memory_space<vmem>> -> memref<1x128xi32, #tpu.memory_space<vmem>>
    %dma_start3A_7 = tpu.memref_squeeze %dma_start3A_6 : memref<1x128xi32, #tpu.memory_space<vmem>> -> memref<128xi32, #tpu.memory_space<vmem>>
    %dma_start3A_8 = arith.constant 0 : i32
    %dma_start3A_9 = arith.constant 0 : i32
    %dma_start3A_10 = tpu.memref_slice %arg4[%dma_start3A_8, %dma_start3A_9] : memref<10000x128xf32, #tpu.memory_space<hbm>> -> memref<10000x128xf32, #tpu.memory_space<hbm>>
    tpu.enqueue_indirect_dma source(%dma_start3A_10 : memref<10000x128xf32, #tpu.memory_space<hbm>>) target(%arg11 : memref<128x128xf32, #tpu.memory_space<vmem>>) offsets(%dma_start3A_7 : memref<128xi32, #tpu.memory_space<vmem>>) semaphore(%arg14 : memref<!tpu.dma_semaphore, #tpu.memory_space<semaphore_mem>>)
    %scan3A = arith.constant 0 : i32
    %scan3A_11 = arith.constant 0 : i32
    %scan3A_12 = arith.constant 20 : i32
    %scan3A_13 = arith.addi %scan3A_11, %scan3A_12 : i32
    %scan3A_14 = arith.constant 1 : i32
    scf.for %scan3A_119 = %scan3A_11 to %scan3A_13 step %scan3A_14  : i32 {
      %mul3A_120 = arith.constant 2 : i32
      %mul3A_121 = arith.muli %scan3A_119, %mul3A_120 : i32
      %add3A_122 = arith.constant 0 : i32
      %add3A_123 = arith.addi %mul3A_121, %add3A_122 : i32
      %add3A_124 = arith.constant 1 : i32
      %add3A_125 = arith.addi %add3A_123, %add3A_124 : i32
      %lt3A = arith.constant 40 : i32
      %lt3A_126 = arith.cmpi slt, %add3A_125, %lt3A : i32
      %convert_element_type3A = arith.extui %lt3A_126 : i1 to i32
      %cond3A = arith.constant 0 : i32
      %cond3A_127 = arith.cmpi ne, %convert_element_type3A, %cond3A : i32
      scf.if %cond3A_127 {
        %dma_start3A_151 = arith.constant 0 : i32
        %dma_start3A_152 = tpu.memref_slice %arg8[%add3A_125, %dma_start3A_151] : memref<40x128xi32, #tpu.memory_space<vmem>> -> memref<1x128xi32, #tpu.memory_space<vmem>>
        %dma_start3A_153 = tpu.memref_squeeze %dma_start3A_152 : memref<1x128xi32, #tpu.memory_space<vmem>> -> memref<128xi32, #tpu.memory_space<vmem>>
        %dma_start3A_154 = arith.constant 0 : i32
        %dma_start3A_155 = arith.constant 0 : i32
        %dma_start3A_156 = tpu.memref_slice %arg4[%dma_start3A_154, %dma_start3A_155] : memref<10000x128xf32, #tpu.memory_space<hbm>> -> memref<10000x128xf32, #tpu.memory_space<hbm>>
        tpu.enqueue_indirect_dma source(%dma_start3A_156 : memref<10000x128xf32, #tpu.memory_space<hbm>>) target(%arg12 : memref<128x128xf32, #tpu.memory_space<vmem>>) offsets(%dma_start3A_153 : memref<128xi32, #tpu.memory_space<vmem>>) semaphore(%arg15 : memref<!tpu.dma_semaphore, #tpu.memory_space<semaphore_mem>>)
      } else {
      }
      %dma_wait3A_128 = arith.constant 0 : i32
      %dma_wait3A_129 = tpu.memref_slice %arg8[%add3A_123, %dma_wait3A_128] : memref<40x128xi32, #tpu.memory_space<vmem>> -> memref<1x128xi32, #tpu.memory_space<vmem>>
      %dma_wait3A_130 = tpu.memref_squeeze %dma_wait3A_129 : memref<1x128xi32, #tpu.memory_space<vmem>> -> memref<128xi32, #tpu.memory_space<vmem>>
      %dma_wait3A_131 = arith.constant 0 : i32
      %dma_wait3A_132 = arith.constant 0 : i32
      %dma_wait3A_133 = tpu.memref_slice %arg4[%dma_wait3A_131, %dma_wait3A_132] : memref<10000x128xf32, #tpu.memory_space<hbm>> -> memref<10000x128xf32, #tpu.memory_space<hbm>>
      tpu.wait_indirect_dma semaphore(%arg14 : memref<!tpu.dma_semaphore, #tpu.memory_space<semaphore_mem>>) src(%dma_wait3A_133 : memref<10000x128xf32, #tpu.memory_space<hbm>>) dst(%arg11 : memref<128x128xf32, #tpu.memory_space<vmem>>)
      "tpu.region"() ({
        %run_scoped3A_151 = tpu.sem_alloc : memref<!tpu.dma_semaphore, #tpu.memory_space<semaphore_mem>>
        %dma_start3A_152 = arith.constant 0 : i32
        %dma_start3A_153 = tpu.memref_slice %arg9[%add3A_123, %dma_start3A_152] : memref<40x128xi32, #tpu.memory_space<vmem>> -> memref<1x128xi32, #tpu.memory_space<vmem>>
        %dma_start3A_154 = tpu.memref_squeeze %dma_start3A_153 : memref<1x128xi32, #tpu.memory_space<vmem>> -> memref<128xi32, #tpu.memory_space<vmem>>
        %dma_start3A_155 = arith.constant 0 : i32
        %dma_start3A_156 = arith.constant 0 : i32
        %dma_start3A_157 = tpu.memref_slice %arg13[%dma_start3A_155, %dma_start3A_156] : memref<10240x128xf32, #tpu.memory_space<vmem_shared>> -> memref<10240x128xf32, #tpu.memory_space<vmem_shared>>
        tpu.enqueue_indirect_dma source(%arg11 : memref<128x128xf32, #tpu.memory_space<vmem>>) target(%dma_start3A_157 : memref<10240x128xf32, #tpu.memory_space<vmem_shared>>) offsets(%dma_start3A_154 : memref<128xi32, #tpu.memory_space<vmem>>) semaphore(%run_scoped3A_151 : memref<!tpu.dma_semaphore, #tpu.memory_space<semaphore_mem>>) {add = true}
        %dma_wait3A_158 = arith.constant 0 : i32
        %dma_wait3A_159 = tpu.memref_slice %arg9[%add3A_123, %dma_wait3A_158] : memref<40x128xi32, #tpu.memory_space<vmem>> -> memref<1x128xi32, #tpu.memory_space<vmem>>
        %dma_wait3A_160 = tpu.memref_squeeze %dma_wait3A_159 : memref<1x128xi32, #tpu.memory_space<vmem>> -> memref<128xi32, #tpu.memory_space<vmem>>
        %dma_wait3A_161 = arith.constant 0 : i32
        %dma_wait3A_162 = arith.constant 0 : i32
        %dma_wait3A_163 = tpu.memref_slice %arg13[%dma_wait3A_161, %dma_wait3A_162] : memref<10240x128xf32, #tpu.memory_space<vmem_shared>> -> memref<10240x128xf32, #tpu.memory_space<vmem_shared>>
        tpu.wait_indirect_dma semaphore(%run_scoped3A_151 : memref<!tpu.dma_semaphore, #tpu.memory_space<semaphore_mem>>) src(%arg11 : memref<128x128xf32, #tpu.memory_space<vmem>>) dst(%dma_wait3A_163 : memref<10240x128xf32, #tpu.memory_space<vmem_shared>>)
        tpu.yield
      }) : () -> ()
      %mul3A_134 = arith.constant 2 : i32
      %mul3A_135 = arith.muli %scan3A_119, %mul3A_134 : i32
      %add3A_136 = arith.constant 1 : i32
      %add3A_137 = arith.addi %mul3A_135, %add3A_136 : i32
      %add3A_138 = arith.constant 1 : i32
      %add3A_139 = arith.addi %add3A_137, %add3A_138 : i32
      %lt3A_140 = arith.constant 40 : i32
      %lt3A_141 = arith.cmpi slt, %add3A_139, %lt3A_140 : i32
      %convert_element_type3A_142 = arith.extui %lt3A_141 : i1 to i32
      %cond3A_143 = arith.constant 0 : i32
      %cond3A_144 = arith.cmpi ne, %convert_element_type3A_142, %cond3A_143 : i32
      scf.if %cond3A_144 {
        %dma_start3A_151 = arith.constant 0 : i32
        %dma_start3A_152 = tpu.memref_slice %arg8[%add3A_139, %dma_start3A_151] : memref<40x128xi32, #tpu.memory_space<vmem>> -> memref<1x128xi32, #tpu.memory_space<vmem>>
        %dma_start3A_153 = tpu.memref_squeeze %dma_start3A_152 : memref<1x128xi32, #tpu.memory_space<vmem>> -> memref<128xi32, #tpu.memory_space<vmem>>
        %dma_start3A_154 = arith.constant 0 : i32
        %dma_start3A_155 = arith.constant 0 : i32
        %dma_start3A_156 = tpu.memref_slice %arg4[%dma_start3A_154, %dma_start3A_155] : memref<10000x128xf32, #tpu.memory_space<hbm>> -> memref<10000x128xf32, #tpu.memory_space<hbm>>
        tpu.enqueue_indirect_dma source(%dma_start3A_156 : memref<10000x128xf32, #tpu.memory_space<hbm>>) target(%arg11 : memref<128x128xf32, #tpu.memory_space<vmem>>) offsets(%dma_start3A_153 : memref<128xi32, #tpu.memory_space<vmem>>) semaphore(%arg14 : memref<!tpu.dma_semaphore, #tpu.memory_space<semaphore_mem>>)
      } else {
      }
      %dma_wait3A_145 = arith.constant 0 : i32
      %dma_wait3A_146 = tpu.memref_slice %arg8[%add3A_137, %dma_wait3A_145] : memref<40x128xi32, #tpu.memory_space<vmem>> -> memref<1x128xi32, #tpu.memory_space<vmem>>
      %dma_wait3A_147 = tpu.memref_squeeze %dma_wait3A_146 : memref<1x128xi32, #tpu.memory_space<vmem>> -> memref<128xi32, #tpu.memory_space<vmem>>
      %dma_wait3A_148 = arith.constant 0 : i32
      %dma_wait3A_149 = arith.constant 0 : i32
      %dma_wait3A_150 = tpu.memref_slice %arg4[%dma_wait3A_148, %dma_wait3A_149] : memref<10000x128xf32, #tpu.memory_space<hbm>> -> memref<10000x128xf32, #tpu.memory_space<hbm>>
      tpu.wait_indirect_dma semaphore(%arg15 : memref<!tpu.dma_semaphore, #tpu.memory_space<semaphore_mem>>) src(%dma_wait3A_150 : memref<10000x128xf32, #tpu.memory_space<hbm>>) dst(%arg12 : memref<128x128xf32, #tpu.memory_space<vmem>>)
      "tpu.region"() ({
        %run_scoped3A_151 = tpu.sem_alloc : memref<!tpu.dma_semaphore, #tpu.memory_space<semaphore_mem>>
        %dma_start3A_152 = arith.constant 0 : i32
        %dma_start3A_153 = tpu.memref_slice %arg9[%add3A_137, %dma_start3A_152] : memref<40x128xi32, #tpu.memory_space<vmem>> -> memref<1x128xi32, #tpu.memory_space<vmem>>
        %dma_start3A_154 = tpu.memref_squeeze %dma_start3A_153 : memref<1x128xi32, #tpu.memory_space<vmem>> -> memref<128xi32, #tpu.memory_space<vmem>>
        %dma_start3A_155 = arith.constant 0 : i32
        %dma_start3A_156 = arith.constant 0 : i32
        %dma_start3A_157 = tpu.memref_slice %arg13[%dma_start3A_155, %dma_start3A_156] : memref<10240x128xf32, #tpu.memory_space<vmem_shared>> -> memref<10240x128xf32, #tpu.memory_space<vmem_shared>>
        tpu.enqueue_indirect_dma source(%arg12 : memref<128x128xf32, #tpu.memory_space<vmem>>) target(%dma_start3A_157 : memref<10240x128xf32, #tpu.memory_space<vmem_shared>>) offsets(%dma_start3A_154 : memref<128xi32, #tpu.memory_space<vmem>>) semaphore(%run_scoped3A_151 : memref<!tpu.dma_semaphore, #tpu.memory_space<semaphore_mem>>) {add = true}
        %dma_wait3A_158 = arith.constant 0 : i32
        %dma_wait3A_159 = tpu.memref_slice %arg9[%add3A_137, %dma_wait3A_158] : memref<40x128xi32, #tpu.memory_space<vmem>> -> memref<1x128xi32, #tpu.memory_space<vmem>>
        %dma_wait3A_160 = tpu.memref_squeeze %dma_wait3A_159 : memref<1x128xi32, #tpu.memory_space<vmem>> -> memref<128xi32, #tpu.memory_space<vmem>>
        %dma_wait3A_161 = arith.constant 0 : i32
        %dma_wait3A_162 = arith.constant 0 : i32
        %dma_wait3A_163 = tpu.memref_slice %arg13[%dma_wait3A_161, %dma_wait3A_162] : memref<10240x128xf32, #tpu.memory_space<vmem_shared>> -> memref<10240x128xf32, #tpu.memory_space<vmem_shared>>
        tpu.wait_indirect_dma semaphore(%run_scoped3A_151 : memref<!tpu.dma_semaphore, #tpu.memory_space<semaphore_mem>>) src(%arg12 : memref<128x128xf32, #tpu.memory_space<vmem>>) dst(%dma_wait3A_163 : memref<10240x128xf32, #tpu.memory_space<vmem_shared>>)
        tpu.yield
      }) : () -> ()
    }
    %scan3A_15 = arith.constant 20 : i32
    "tpu.region"() ({
      %run_scoped3A_119 = tpu.sem_alloc : memref<!tpu.dma_semaphore, #tpu.memory_space<semaphore_mem>>
      %dma_start3A_120 = arith.constant 40 : i32
      %dma_start3A_121 = arith.constant 0 : i32
      %dma_start3A_122 = tpu.memref_slice %arg2[%add3A, %dma_start3A_120, %dma_start3A_121] : memref<32x80x128xi32, #tpu.memory_space<hbm>> -> memref<1x40x128xi32, #tpu.memory_space<hbm>>
      %dma_start3A_123 = tpu.memref_squeeze %dma_start3A_122 : memref<1x40x128xi32, #tpu.memory_space<hbm>> -> memref<40x128xi32, #tpu.memory_space<hbm>>
      %dma_start3A_124 = arith.constant 40 : i32
      %dma_start3A_125 = arith.constant 0 : i32
      %dma_start3A_126 = tpu.memref_slice %arg2[%add3A, %dma_start3A_124, %dma_start3A_125] : memref<32x80x128xi32, #tpu.memory_space<hbm>> -> memref<1x40x128xi32, #tpu.memory_space<hbm>>
      %dma_start3A_127 = tpu.memref_squeeze %dma_start3A_126 : memref<1x40x128xi32, #tpu.memory_space<hbm>> -> memref<40x128xi32, #tpu.memory_space<hbm>>
      tpu.enqueue_dma source(%dma_start3A_127 : memref<40x128xi32, #tpu.memory_space<hbm>>) target(%arg8 : memref<40x128xi32, #tpu.memory_space<vmem>>) target_semaphore(%run_scoped3A_119 : memref<!tpu.dma_semaphore, #tpu.memory_space<semaphore_mem>>)
      %dma_wait3A_128 = arith.constant 40 : i32
      %dma_wait3A_129 = arith.constant 0 : i32
      %dma_wait3A_130 = tpu.memref_slice %arg2[%add3A, %dma_wait3A_128, %dma_wait3A_129] : memref<32x80x128xi32, #tpu.memory_space<hbm>> -> memref<1x40x128xi32, #tpu.memory_space<hbm>>
      %dma_wait3A_131 = tpu.memref_squeeze %dma_wait3A_130 : memref<1x40x128xi32, #tpu.memory_space<hbm>> -> memref<40x128xi32, #tpu.memory_space<hbm>>
      %dma_wait3A_132 = arith.constant 40 : i32
      %dma_wait3A_133 = arith.constant 0 : i32
      %dma_wait3A_134 = tpu.memref_slice %arg2[%add3A, %dma_wait3A_132, %dma_wait3A_133] : memref<32x80x128xi32, #tpu.memory_space<hbm>> -> memref<1x40x128xi32, #tpu.memory_space<hbm>>
      %dma_wait3A_135 = tpu.memref_squeeze %dma_wait3A_134 : memref<1x40x128xi32, #tpu.memory_space<hbm>> -> memref<40x128xi32, #tpu.memory_space<hbm>>
      tpu.wait_dma2 semaphore(%run_scoped3A_119 : memref<!tpu.dma_semaphore, #tpu.memory_space<semaphore_mem>>) src(%dma_wait3A_135 : memref<40x128xi32, #tpu.memory_space<hbm>>) dst(%arg8 : memref<40x128xi32, #tpu.memory_space<vmem>>)
      tpu.yield
    }) : () -> ()
    "tpu.region"() ({
      %run_scoped3A_119 = tpu.sem_alloc : memref<!tpu.dma_semaphore, #tpu.memory_space<semaphore_mem>>
      %dma_start3A_120 = arith.constant 40 : i32
      %dma_start3A_121 = arith.constant 0 : i32
      %dma_start3A_122 = tpu.memref_slice %arg3[%add3A, %dma_start3A_120, %dma_start3A_121] : memref<32x80x128xi32, #tpu.memory_space<hbm>> -> memref<1x40x128xi32, #tpu.memory_space<hbm>>
      %dma_start3A_123 = tpu.memref_squeeze %dma_start3A_122 : memref<1x40x128xi32, #tpu.memory_space<hbm>> -> memref<40x128xi32, #tpu.memory_space<hbm>>
      %dma_start3A_124 = arith.constant 40 : i32
      %dma_start3A_125 = arith.constant 0 : i32
      %dma_start3A_126 = tpu.memref_slice %arg3[%add3A, %dma_start3A_124, %dma_start3A_125] : memref<32x80x128xi32, #tpu.memory_space<hbm>> -> memref<1x40x128xi32, #tpu.memory_space<hbm>>
      %dma_start3A_127 = tpu.memref_squeeze %dma_start3A_126 : memref<1x40x128xi32, #tpu.memory_space<hbm>> -> memref<40x128xi32, #tpu.memory_space<hbm>>
      tpu.enqueue_dma source(%dma_start3A_127 : memref<40x128xi32, #tpu.memory_space<hbm>>) target(%arg9 : memref<40x128xi32, #tpu.memory_space<vmem>>) target_semaphore(%run_scoped3A_119 : memref<!tpu.dma_semaphore, #tpu.memory_space<semaphore_mem>>)
      %dma_wait3A_128 = arith.constant 40 : i32
      %dma_wait3A_129 = arith.constant 0 : i32
      %dma_wait3A_130 = tpu.memref_slice %arg3[%add3A, %dma_wait3A_128, %dma_wait3A_129] : memref<32x80x128xi32, #tpu.memory_space<hbm>> -> memref<1x40x128xi32, #tpu.memory_space<hbm>>
      %dma_wait3A_131 = tpu.memref_squeeze %dma_wait3A_130 : memref<1x40x128xi32, #tpu.memory_space<hbm>> -> memref<40x128xi32, #tpu.memory_space<hbm>>
      %dma_wait3A_132 = arith.constant 40 : i32
      %dma_wait3A_133 = arith.constant 0 : i32
      %dma_wait3A_134 = tpu.memref_slice %arg3[%add3A, %dma_wait3A_132, %dma_wait3A_133] : memref<32x80x128xi32, #tpu.memory_space<hbm>> -> memref<1x40x128xi32, #tpu.memory_space<hbm>>
      %dma_wait3A_135 = tpu.memref_squeeze %dma_wait3A_134 : memref<1x40x128xi32, #tpu.memory_space<hbm>> -> memref<40x128xi32, #tpu.memory_space<hbm>>
      tpu.wait_dma2 semaphore(%run_scoped3A_119 : memref<!tpu.dma_semaphore, #tpu.memory_space<semaphore_mem>>) src(%dma_wait3A_135 : memref<40x128xi32, #tpu.memory_space<hbm>>) dst(%arg9 : memref<40x128xi32, #tpu.memory_space<vmem>>)
      tpu.yield
    }) : () -> ()
    %dma_start3A_16 = arith.constant 0 : i32
    %dma_start3A_17 = arith.constant 0 : i32
    %dma_start3A_18 = tpu.memref_slice %arg8[%dma_start3A_16, %dma_start3A_17] : memref<40x128xi32, #tpu.memory_space<vmem>> -> memref<1x128xi32, #tpu.memory_space<vmem>>
    %dma_start3A_19 = tpu.memref_squeeze %dma_start3A_18 : memref<1x128xi32, #tpu.memory_space<vmem>> -> memref<128xi32, #tpu.memory_space<vmem>>
    %dma_start3A_20 = arith.constant 0 : i32
    %dma_start3A_21 = arith.constant 0 : i32
    %dma_start3A_22 = tpu.memref_slice %arg4[%dma_start3A_20, %dma_start3A_21] : memref<10000x128xf32, #tpu.memory_space<hbm>> -> memref<10000x128xf32, #tpu.memory_space<hbm>>
    tpu.enqueue_indirect_dma source(%dma_start3A_22 : memref<10000x128xf32, #tpu.memory_space<hbm>>) target(%arg11 : memref<128x128xf32, #tpu.memory_space<vmem>>) offsets(%dma_start3A_19 : memref<128xi32, #tpu.memory_space<vmem>>) semaphore(%arg14 : memref<!tpu.dma_semaphore, #tpu.memory_space<semaphore_mem>>)
    %scan3A_23 = arith.constant 0 : i32
    %scan3A_24 = arith.constant 0 : i32
    %scan3A_25 = arith.constant 20 : i32
    %scan3A_26 = arith.addi %scan3A_24, %scan3A_25 : i32
    %scan3A_27 = arith.constant 1 : i32
    scf.for %scan3A_119 = %scan3A_24 to %scan3A_26 step %scan3A_27  : i32 {
      %mul3A_120 = arith.constant 2 : i32
      %mul3A_121 = arith.muli %scan3A_119, %mul3A_120 : i32
      %add3A_122 = arith.constant 0 : i32
      %add3A_123 = arith.addi %mul3A_121, %add3A_122 : i32
      %add3A_124 = arith.constant 1 : i32
      %add3A_125 = arith.addi %add3A_123, %add3A_124 : i32
      %lt3A = arith.constant 40 : i32
      %lt3A_126 = arith.cmpi slt, %add3A_125, %lt3A : i32
      %convert_element_type3A = arith.extui %lt3A_126 : i1 to i32
      %cond3A = arith.constant 0 : i32
      %cond3A_127 = arith.cmpi ne, %convert_element_type3A, %cond3A : i32
      scf.if %cond3A_127 {
        %dma_start3A_151 = arith.constant 0 : i32
        %dma_start3A_152 = tpu.memref_slice %arg8[%add3A_125, %dma_start3A_151] : memref<40x128xi32, #tpu.memory_space<vmem>> -> memref<1x128xi32, #tpu.memory_space<vmem>>
        %dma_start3A_153 = tpu.memref_squeeze %dma_start3A_152 : memref<1x128xi32, #tpu.memory_space<vmem>> -> memref<128xi32, #tpu.memory_space<vmem>>
        %dma_start3A_154 = arith.constant 0 : i32
        %dma_start3A_155 = arith.constant 0 : i32
        %dma_start3A_156 = tpu.memref_slice %arg4[%dma_start3A_154, %dma_start3A_155] : memref<10000x128xf32, #tpu.memory_space<hbm>> -> memref<10000x128xf32, #tpu.memory_space<hbm>>
        tpu.enqueue_indirect_dma source(%dma_start3A_156 : memref<10000x128xf32, #tpu.memory_space<hbm>>) target(%arg12 : memref<128x128xf32, #tpu.memory_space<vmem>>) offsets(%dma_start3A_153 : memref<128xi32, #tpu.memory_space<vmem>>) semaphore(%arg15 : memref<!tpu.dma_semaphore, #tpu.memory_space<semaphore_mem>>)
      } else {
      }
      %dma_wait3A_128 = arith.constant 0 : i32
      %dma_wait3A_129 = tpu.memref_slice %arg8[%add3A_123, %dma_wait3A_128] : memref<40x128xi32, #tpu.memory_space<vmem>> -> memref<1x128xi32, #tpu.memory_space<vmem>>
      %dma_wait3A_130 = tpu.memref_squeeze %dma_wait3A_129 : memref<1x128xi32, #tpu.memory_space<vmem>> -> memref<128xi32, #tpu.memory_space<vmem>>
      %dma_wait3A_131 = arith.constant 0 : i32
      %dma_wait3A_132 = arith.constant 0 : i32
      %dma_wait3A_133 = tpu.memref_slice %arg4[%dma_wait3A_131, %dma_wait3A_132] : memref<10000x128xf32, #tpu.memory_space<hbm>> -> memref<10000x128xf32, #tpu.memory_space<hbm>>
      tpu.wait_indirect_dma semaphore(%arg14 : memref<!tpu.dma_semaphore, #tpu.memory_space<semaphore_mem>>) src(%dma_wait3A_133 : memref<10000x128xf32, #tpu.memory_space<hbm>>) dst(%arg11 : memref<128x128xf32, #tpu.memory_space<vmem>>)
      "tpu.region"() ({
        %run_scoped3A_151 = tpu.sem_alloc : memref<!tpu.dma_semaphore, #tpu.memory_space<semaphore_mem>>
        %dma_start3A_152 = arith.constant 0 : i32
        %dma_start3A_153 = tpu.memref_slice %arg9[%add3A_123, %dma_start3A_152] : memref<40x128xi32, #tpu.memory_space<vmem>> -> memref<1x128xi32, #tpu.memory_space<vmem>>
        %dma_start3A_154 = tpu.memref_squeeze %dma_start3A_153 : memref<1x128xi32, #tpu.memory_space<vmem>> -> memref<128xi32, #tpu.memory_space<vmem>>
        %dma_start3A_155 = arith.constant 0 : i32
        %dma_start3A_156 = arith.constant 0 : i32
        %dma_start3A_157 = tpu.memref_slice %arg13[%dma_start3A_155, %dma_start3A_156] : memref<10240x128xf32, #tpu.memory_space<vmem_shared>> -> memref<10240x128xf32, #tpu.memory_space<vmem_shared>>
        tpu.enqueue_indirect_dma source(%arg11 : memref<128x128xf32, #tpu.memory_space<vmem>>) target(%dma_start3A_157 : memref<10240x128xf32, #tpu.memory_space<vmem_shared>>) offsets(%dma_start3A_154 : memref<128xi32, #tpu.memory_space<vmem>>) semaphore(%run_scoped3A_151 : memref<!tpu.dma_semaphore, #tpu.memory_space<semaphore_mem>>) {add = true}
        %dma_wait3A_158 = arith.constant 0 : i32
        %dma_wait3A_159 = tpu.memref_slice %arg9[%add3A_123, %dma_wait3A_158] : memref<40x128xi32, #tpu.memory_space<vmem>> -> memref<1x128xi32, #tpu.memory_space<vmem>>
        %dma_wait3A_160 = tpu.memref_squeeze %dma_wait3A_159 : memref<1x128xi32, #tpu.memory_space<vmem>> -> memref<128xi32, #tpu.memory_space<vmem>>
        %dma_wait3A_161 = arith.constant 0 : i32
        %dma_wait3A_162 = arith.constant 0 : i32
        %dma_wait3A_163 = tpu.memref_slice %arg13[%dma_wait3A_161, %dma_wait3A_162] : memref<10240x128xf32, #tpu.memory_space<vmem_shared>> -> memref<10240x128xf32, #tpu.memory_space<vmem_shared>>
        tpu.wait_indirect_dma semaphore(%run_scoped3A_151 : memref<!tpu.dma_semaphore, #tpu.memory_space<semaphore_mem>>) src(%arg11 : memref<128x128xf32, #tpu.memory_space<vmem>>) dst(%dma_wait3A_163 : memref<10240x128xf32, #tpu.memory_space<vmem_shared>>)
        tpu.yield
      }) : () -> ()
      %mul3A_134 = arith.constant 2 : i32
      %mul3A_135 = arith.muli %scan3A_119, %mul3A_134 : i32
      %add3A_136 = arith.constant 1 : i32
      %add3A_137 = arith.addi %mul3A_135, %add3A_136 : i32
      %add3A_138 = arith.constant 1 : i32
      %add3A_139 = arith.addi %add3A_137, %add3A_138 : i32
      %lt3A_140 = arith.constant 40 : i32
      %lt3A_141 = arith.cmpi slt, %add3A_139, %lt3A_140 : i32
      %convert_element_type3A_142 = arith.extui %lt3A_141 : i1 to i32
      %cond3A_143 = arith.constant 0 : i32
      %cond3A_144 = arith.cmpi ne, %convert_element_type3A_142, %cond3A_143 : i32
      scf.if %cond3A_144 {
        %dma_start3A_151 = arith.constant 0 : i32
        %dma_start3A_152 = tpu.memref_slice %arg8[%add3A_139, %dma_start3A_151] : memref<40x128xi32, #tpu.memory_space<vmem>> -> memref<1x128xi32, #tpu.memory_space<vmem>>
        %dma_start3A_153 = tpu.memref_squeeze %dma_start3A_152 : memref<1x128xi32, #tpu.memory_space<vmem>> -> memref<128xi32, #tpu.memory_space<vmem>>
        %dma_start3A_154 = arith.constant 0 : i32
        %dma_start3A_155 = arith.constant 0 : i32
        %dma_start3A_156 = tpu.memref_slice %arg4[%dma_start3A_154, %dma_start3A_155] : memref<10000x128xf32, #tpu.memory_space<hbm>> -> memref<10000x128xf32, #tpu.memory_space<hbm>>
        tpu.enqueue_indirect_dma source(%dma_start3A_156 : memref<10000x128xf32, #tpu.memory_space<hbm>>) target(%arg11 : memref<128x128xf32, #tpu.memory_space<vmem>>) offsets(%dma_start3A_153 : memref<128xi32, #tpu.memory_space<vmem>>) semaphore(%arg14 : memref<!tpu.dma_semaphore, #tpu.memory_space<semaphore_mem>>)
      } else {
      }
      %dma_wait3A_145 = arith.constant 0 : i32
      %dma_wait3A_146 = tpu.memref_slice %arg8[%add3A_137, %dma_wait3A_145] : memref<40x128xi32, #tpu.memory_space<vmem>> -> memref<1x128xi32, #tpu.memory_space<vmem>>
      %dma_wait3A_147 = tpu.memref_squeeze %dma_wait3A_146 : memref<1x128xi32, #tpu.memory_space<vmem>> -> memref<128xi32, #tpu.memory_space<vmem>>
      %dma_wait3A_148 = arith.constant 0 : i32
      %dma_wait3A_149 = arith.constant 0 : i32
      %dma_wait3A_150 = tpu.memref_slice %arg4[%dma_wait3A_148, %dma_wait3A_149] : memref<10000x128xf32, #tpu.memory_space<hbm>> -> memref<10000x128xf32, #tpu.memory_space<hbm>>
      tpu.wait_indirect_dma semaphore(%arg15 : memref<!tpu.dma_semaphore, #tpu.memory_space<semaphore_mem>>) src(%dma_wait3A_150 : memref<10000x128xf32, #tpu.memory_space<hbm>>) dst(%arg12 : memref<128x128xf32, #tpu.memory_space<vmem>>)
      "tpu.region"() ({
        %run_scoped3A_151 = tpu.sem_alloc : memref<!tpu.dma_semaphore, #tpu.memory_space<semaphore_mem>>
        %dma_start3A_152 = arith.constant 0 : i32
        %dma_start3A_153 = tpu.memref_slice %arg9[%add3A_137, %dma_start3A_152] : memref<40x128xi32, #tpu.memory_space<vmem>> -> memref<1x128xi32, #tpu.memory_space<vmem>>
        %dma_start3A_154 = tpu.memref_squeeze %dma_start3A_153 : memref<1x128xi32, #tpu.memory_space<vmem>> -> memref<128xi32, #tpu.memory_space<vmem>>
        %dma_start3A_155 = arith.constant 0 : i32
        %dma_start3A_156 = arith.constant 0 : i32
        %dma_start3A_157 = tpu.memref_slice %arg13[%dma_start3A_155, %dma_start3A_156] : memref<10240x128xf32, #tpu.memory_space<vmem_shared>> -> memref<10240x128xf32, #tpu.memory_space<vmem_shared>>
        tpu.enqueue_indirect_dma source(%arg12 : memref<128x128xf32, #tpu.memory_space<vmem>>) target(%dma_start3A_157 : memref<10240x128xf32, #tpu.memory_space<vmem_shared>>) offsets(%dma_start3A_154 : memref<128xi32, #tpu.memory_space<vmem>>) semaphore(%run_scoped3A_151 : memref<!tpu.dma_semaphore, #tpu.memory_space<semaphore_mem>>) {add = true}
        %dma_wait3A_158 = arith.constant 0 : i32
        %dma_wait3A_159 = tpu.memref_slice %arg9[%add3A_137, %dma_wait3A_158] : memref<40x128xi32, #tpu.memory_space<vmem>> -> memref<1x128xi32, #tpu.memory_space<vmem>>
        %dma_wait3A_160 = tpu.memref_squeeze %dma_wait3A_159 : memref<1x128xi32, #tpu.memory_space<vmem>> -> memref<128xi32, #tpu.memory_space<vmem>>
        %dma_wait3A_161 = arith.constant 0 : i32
        %dma_wait3A_162 = arith.constant 0 : i32
        %dma_wait3A_163 = tpu.memref_slice %arg13[%dma_wait3A_161, %dma_wait3A_162] : memref<10240x128xf32, #tpu.memory_space<vmem_shared>> -> memref<10240x128xf32, #tpu.memory_space<vmem_shared>>
        tpu.wait_indirect_dma semaphore(%run_scoped3A_151 : memref<!tpu.dma_semaphore, #tpu.memory_space<semaphore_mem>>) src(%arg12 : memref<128x128xf32, #tpu.memory_space<vmem>>) dst(%dma_wait3A_163 : memref<10240x128xf32, #tpu.memory_space<vmem_shared>>)
        tpu.yield
      }) : () -> ()
    }
    %scan3A_28 = arith.constant 20 : i32
    %barrier3A_29 = arith.constant 0 : index
    tpu.barrier barrier_id(%barrier3A_29)
    %dma_start3A_30 = arith.constant 0 : i32
    %dma_start3A_31 = arith.constant 0 : i32
    %dma_start3A_32 = tpu.memref_slice %arg10[%dma_start3A_30, %dma_start3A_31] : memref<5x128xi32, #tpu.memory_space<vmem>> -> memref<1x128xi32, #tpu.memory_space<vmem>>
    %dma_start3A_33 = tpu.memref_squeeze %dma_start3A_32 : memref<1x128xi32, #tpu.memory_space<vmem>> -> memref<128xi32, #tpu.memory_space<vmem>>
    %dma_start3A_34 = arith.constant 0 : i32
    %dma_start3A_35 = arith.constant 0 : i32
    %dma_start3A_36 = tpu.memref_slice %arg13[%dma_start3A_34, %dma_start3A_35] : memref<10240x128xf32, #tpu.memory_space<vmem_shared>> -> memref<10240x128xf32, #tpu.memory_space<vmem_shared>>
    tpu.enqueue_indirect_dma source(%dma_start3A_36 : memref<10240x128xf32, #tpu.memory_space<vmem_shared>>) target(%arg11 : memref<128x128xf32, #tpu.memory_space<vmem>>) offsets(%dma_start3A_33 : memref<128xi32, #tpu.memory_space<vmem>>) semaphore(%arg14 : memref<!tpu.dma_semaphore, #tpu.memory_space<semaphore_mem>>)
    %dma_wait3A = arith.constant 0 : i32
    %dma_wait3A_37 = arith.constant 0 : i32
    %dma_wait3A_38 = tpu.memref_slice %arg10[%dma_wait3A, %dma_wait3A_37] : memref<5x128xi32, #tpu.memory_space<vmem>> -> memref<1x128xi32, #tpu.memory_space<vmem>>
    %dma_wait3A_39 = tpu.memref_squeeze %dma_wait3A_38 : memref<1x128xi32, #tpu.memory_space<vmem>> -> memref<128xi32, #tpu.memory_space<vmem>>
    %dma_wait3A_40 = arith.constant 0 : i32
    %dma_wait3A_41 = arith.constant 0 : i32
    %dma_wait3A_42 = tpu.memref_slice %arg13[%dma_wait3A_40, %dma_wait3A_41] : memref<10240x128xf32, #tpu.memory_space<vmem_shared>> -> memref<10240x128xf32, #tpu.memory_space<vmem_shared>>
    tpu.wait_indirect_dma semaphore(%arg14 : memref<!tpu.dma_semaphore, #tpu.memory_space<semaphore_mem>>) src(%dma_wait3A_42 : memref<10240x128xf32, #tpu.memory_space<vmem_shared>>) dst(%arg11 : memref<128x128xf32, #tpu.memory_space<vmem>>)
    %mul3A_43 = arith.constant 640 : i32
    %mul3A_44 = arith.muli %arg1, %mul3A_43 : i32
    %add3A_45 = arith.constant 0 : i32
    %add3A_46 = arith.addi %mul3A_44, %add3A_45 : i32
    "tpu.region"() ({
      %run_scoped3A_119 = tpu.sem_alloc : memref<!tpu.dma_semaphore, #tpu.memory_space<semaphore_mem>>
      %dma_start3A_120 = arith.constant 0 : i32
      %dma_start3A_121 = tpu.memref_slice %arg7[%arg0, %add3A_46, %dma_start3A_120] : memref<2x10240x128xf32, #tpu.memory_space<hbm>> -> memref<1x128x128xf32, #tpu.memory_space<hbm>>
      %dma_start3A_122 = tpu.memref_squeeze %dma_start3A_121 : memref<1x128x128xf32, #tpu.memory_space<hbm>> -> memref<128x128xf32, #tpu.memory_space<hbm>>
      %dma_start3A_123 = arith.constant 0 : i32
      %dma_start3A_124 = tpu.memref_slice %arg7[%arg0, %add3A_46, %dma_start3A_123] : memref<2x10240x128xf32, #tpu.memory_space<hbm>> -> memref<1x128x128xf32, #tpu.memory_space<hbm>>
      %dma_start3A_125 = tpu.memref_squeeze %dma_start3A_124 : memref<1x128x128xf32, #tpu.memory_space<hbm>> -> memref<128x128xf32, #tpu.memory_space<hbm>>
      tpu.enqueue_dma source(%arg11 : memref<128x128xf32, #tpu.memory_space<vmem>>) target(%dma_start3A_125 : memref<128x128xf32, #tpu.memory_space<hbm>>) target_semaphore(%run_scoped3A_119 : memref<!tpu.dma_semaphore, #tpu.memory_space<semaphore_mem>>)
      %dma_wait3A_126 = arith.constant 0 : i32
      %dma_wait3A_127 = tpu.memref_slice %arg7[%arg0, %add3A_46, %dma_wait3A_126] : memref<2x10240x128xf32, #tpu.memory_space<hbm>> -> memref<1x128x128xf32, #tpu.memory_space<hbm>>
      %dma_wait3A_128 = tpu.memref_squeeze %dma_wait3A_127 : memref<1x128x128xf32, #tpu.memory_space<hbm>> -> memref<128x128xf32, #tpu.memory_space<hbm>>
      %dma_wait3A_129 = arith.constant 0 : i32
      %dma_wait3A_130 = tpu.memref_slice %arg7[%arg0, %add3A_46, %dma_wait3A_129] : memref<2x10240x128xf32, #tpu.memory_space<hbm>> -> memref<1x128x128xf32, #tpu.memory_space<hbm>>
      %dma_wait3A_131 = tpu.memref_squeeze %dma_wait3A_130 : memref<1x128x128xf32, #tpu.memory_space<hbm>> -> memref<128x128xf32, #tpu.memory_space<hbm>>
      tpu.wait_dma2 semaphore(%run_scoped3A_119 : memref<!tpu.dma_semaphore, #tpu.memory_space<semaphore_mem>>) src(%arg11 : memref<128x128xf32, #tpu.memory_space<vmem>>) dst(%dma_wait3A_131 : memref<128x128xf32, #tpu.memory_space<hbm>>)
      tpu.yield
    }) : () -> ()
    %dma_start3A_47 = arith.constant 1 : i32
    %dma_start3A_48 = arith.constant 0 : i32
    %dma_start3A_49 = tpu.memref_slice %arg10[%dma_start3A_47, %dma_start3A_48] : memref<5x128xi32, #tpu.memory_space<vmem>> -> memref<1x128xi32, #tpu.memory_space<vmem>>
    %dma_start3A_50 = tpu.memref_squeeze %dma_start3A_49 : memref<1x128xi32, #tpu.memory_space<vmem>> -> memref<128xi32, #tpu.memory_space<vmem>>
    %dma_start3A_51 = arith.constant 0 : i32
    %dma_start3A_52 = arith.constant 0 : i32
    %dma_start3A_53 = tpu.memref_slice %arg13[%dma_start3A_51, %dma_start3A_52] : memref<10240x128xf32, #tpu.memory_space<vmem_shared>> -> memref<10240x128xf32, #tpu.memory_space<vmem_shared>>
    tpu.enqueue_indirect_dma source(%dma_start3A_53 : memref<10240x128xf32, #tpu.memory_space<vmem_shared>>) target(%arg12 : memref<128x128xf32, #tpu.memory_space<vmem>>) offsets(%dma_start3A_50 : memref<128xi32, #tpu.memory_space<vmem>>) semaphore(%arg15 : memref<!tpu.dma_semaphore, #tpu.memory_space<semaphore_mem>>)
    %dma_wait3A_54 = arith.constant 1 : i32
    %dma_wait3A_55 = arith.constant 0 : i32
    %dma_wait3A_56 = tpu.memref_slice %arg10[%dma_wait3A_54, %dma_wait3A_55] : memref<5x128xi32, #tpu.memory_space<vmem>> -> memref<1x128xi32, #tpu.memory_space<vmem>>
    %dma_wait3A_57 = tpu.memref_squeeze %dma_wait3A_56 : memref<1x128xi32, #tpu.memory_space<vmem>> -> memref<128xi32, #tpu.memory_space<vmem>>
    %dma_wait3A_58 = arith.constant 0 : i32
    %dma_wait3A_59 = arith.constant 0 : i32
    %dma_wait3A_60 = tpu.memref_slice %arg13[%dma_wait3A_58, %dma_wait3A_59] : memref<10240x128xf32, #tpu.memory_space<vmem_shared>> -> memref<10240x128xf32, #tpu.memory_space<vmem_shared>>
    tpu.wait_indirect_dma semaphore(%arg15 : memref<!tpu.dma_semaphore, #tpu.memory_space<semaphore_mem>>) src(%dma_wait3A_60 : memref<10240x128xf32, #tpu.memory_space<vmem_shared>>) dst(%arg12 : memref<128x128xf32, #tpu.memory_space<vmem>>)
    %mul3A_61 = arith.constant 640 : i32
    %mul3A_62 = arith.muli %arg1, %mul3A_61 : i32
    %add3A_63 = arith.constant 128 : i32
    %add3A_64 = arith.addi %mul3A_62, %add3A_63 : i32
    "tpu.region"() ({
      %run_scoped3A_119 = tpu.sem_alloc : memref<!tpu.dma_semaphore, #tpu.memory_space<semaphore_mem>>
      %dma_start3A_120 = arith.constant 0 : i32
      %dma_start3A_121 = tpu.memref_slice %arg7[%arg0, %add3A_64, %dma_start3A_120] : memref<2x10240x128xf32, #tpu.memory_space<hbm>> -> memref<1x128x128xf32, #tpu.memory_space<hbm>>
      %dma_start3A_122 = tpu.memref_squeeze %dma_start3A_121 : memref<1x128x128xf32, #tpu.memory_space<hbm>> -> memref<128x128xf32, #tpu.memory_space<hbm>>
      %dma_start3A_123 = arith.constant 0 : i32
      %dma_start3A_124 = tpu.memref_slice %arg7[%arg0, %add3A_64, %dma_start3A_123] : memref<2x10240x128xf32, #tpu.memory_space<hbm>> -> memref<1x128x128xf32, #tpu.memory_space<hbm>>
      %dma_start3A_125 = tpu.memref_squeeze %dma_start3A_124 : memref<1x128x128xf32, #tpu.memory_space<hbm>> -> memref<128x128xf32, #tpu.memory_space<hbm>>
      tpu.enqueue_dma source(%arg12 : memref<128x128xf32, #tpu.memory_space<vmem>>) target(%dma_start3A_125 : memref<128x128xf32, #tpu.memory_space<hbm>>) target_semaphore(%run_scoped3A_119 : memref<!tpu.dma_semaphore, #tpu.memory_space<semaphore_mem>>)
      %dma_wait3A_126 = arith.constant 0 : i32
      %dma_wait3A_127 = tpu.memref_slice %arg7[%arg0, %add3A_64, %dma_wait3A_126] : memref<2x10240x128xf32, #tpu.memory_space<hbm>> -> memref<1x128x128xf32, #tpu.memory_space<hbm>>
      %dma_wait3A_128 = tpu.memref_squeeze %dma_wait3A_127 : memref<1x128x128xf32, #tpu.memory_space<hbm>> -> memref<128x128xf32, #tpu.memory_space<hbm>>
      %dma_wait3A_129 = arith.constant 0 : i32
      %dma_wait3A_130 = tpu.memref_slice %arg7[%arg0, %add3A_64, %dma_wait3A_129] : memref<2x10240x128xf32, #tpu.memory_space<hbm>> -> memref<1x128x128xf32, #tpu.memory_space<hbm>>
      %dma_wait3A_131 = tpu.memref_squeeze %dma_wait3A_130 : memref<1x128x128xf32, #tpu.memory_space<hbm>> -> memref<128x128xf32, #tpu.memory_space<hbm>>
      tpu.wait_dma2 semaphore(%run_scoped3A_119 : memref<!tpu.dma_semaphore, #tpu.memory_space<semaphore_mem>>) src(%arg12 : memref<128x128xf32, #tpu.memory_space<vmem>>) dst(%dma_wait3A_131 : memref<128x128xf32, #tpu.memory_space<hbm>>)
      tpu.yield
    }) : () -> ()
    %dma_start3A_65 = arith.constant 2 : i32
    %dma_start3A_66 = arith.constant 0 : i32
    %dma_start3A_67 = tpu.memref_slice %arg10[%dma_start3A_65, %dma_start3A_66] : memref<5x128xi32, #tpu.memory_space<vmem>> -> memref<1x128xi32, #tpu.memory_space<vmem>>
    %dma_start3A_68 = tpu.memref_squeeze %dma_start3A_67 : memref<1x128xi32, #tpu.memory_space<vmem>> -> memref<128xi32, #tpu.memory_space<vmem>>
    %dma_start3A_69 = arith.constant 0 : i32
    %dma_start3A_70 = arith.constant 0 : i32
    %dma_start3A_71 = tpu.memref_slice %arg13[%dma_start3A_69, %dma_start3A_70] : memref<10240x128xf32, #tpu.memory_space<vmem_shared>> -> memref<10240x128xf32, #tpu.memory_space<vmem_shared>>
    tpu.enqueue_indirect_dma source(%dma_start3A_71 : memref<10240x128xf32, #tpu.memory_space<vmem_shared>>) target(%arg11 : memref<128x128xf32, #tpu.memory_space<vmem>>) offsets(%dma_start3A_68 : memref<128xi32, #tpu.memory_space<vmem>>) semaphore(%arg14 : memref<!tpu.dma_semaphore, #tpu.memory_space<semaphore_mem>>)
    %dma_wait3A_72 = arith.constant 2 : i32
    %dma_wait3A_73 = arith.constant 0 : i32
    %dma_wait3A_74 = tpu.memref_slice %arg10[%dma_wait3A_72, %dma_wait3A_73] : memref<5x128xi32, #tpu.memory_space<vmem>> -> memref<1x128xi32, #tpu.memory_space<vmem>>
    %dma_wait3A_75 = tpu.memref_squeeze %dma_wait3A_74 : memref<1x128xi32, #tpu.memory_space<vmem>> -> memref<128xi32, #tpu.memory_space<vmem>>
    %dma_wait3A_76 = arith.constant 0 : i32
    %dma_wait3A_77 = arith.constant 0 : i32
    %dma_wait3A_78 = tpu.memref_slice %arg13[%dma_wait3A_76, %dma_wait3A_77] : memref<10240x128xf32, #tpu.memory_space<vmem_shared>> -> memref<10240x128xf32, #tpu.memory_space<vmem_shared>>
    tpu.wait_indirect_dma semaphore(%arg14 : memref<!tpu.dma_semaphore, #tpu.memory_space<semaphore_mem>>) src(%dma_wait3A_78 : memref<10240x128xf32, #tpu.memory_space<vmem_shared>>) dst(%arg11 : memref<128x128xf32, #tpu.memory_space<vmem>>)
    %mul3A_79 = arith.constant 640 : i32
    %mul3A_80 = arith.muli %arg1, %mul3A_79 : i32
    %add3A_81 = arith.constant 256 : i32
    %add3A_82 = arith.addi %mul3A_80, %add3A_81 : i32
    "tpu.region"() ({
      %run_scoped3A_119 = tpu.sem_alloc : memref<!tpu.dma_semaphore, #tpu.memory_space<semaphore_mem>>
      %dma_start3A_120 = arith.constant 0 : i32
      %dma_start3A_121 = tpu.memref_slice %arg7[%arg0, %add3A_82, %dma_start3A_120] : memref<2x10240x128xf32, #tpu.memory_space<hbm>> -> memref<1x128x128xf32, #tpu.memory_space<hbm>>
      %dma_start3A_122 = tpu.memref_squeeze %dma_start3A_121 : memref<1x128x128xf32, #tpu.memory_space<hbm>> -> memref<128x128xf32, #tpu.memory_space<hbm>>
      %dma_start3A_123 = arith.constant 0 : i32
      %dma_start3A_124 = tpu.memref_slice %arg7[%arg0, %add3A_82, %dma_start3A_123] : memref<2x10240x128xf32, #tpu.memory_space<hbm>> -> memref<1x128x128xf32, #tpu.memory_space<hbm>>
      %dma_start3A_125 = tpu.memref_squeeze %dma_start3A_124 : memref<1x128x128xf32, #tpu.memory_space<hbm>> -> memref<128x128xf32, #tpu.memory_space<hbm>>
      tpu.enqueue_dma source(%arg11 : memref<128x128xf32, #tpu.memory_space<vmem>>) target(%dma_start3A_125 : memref<128x128xf32, #tpu.memory_space<hbm>>) target_semaphore(%run_scoped3A_119 : memref<!tpu.dma_semaphore, #tpu.memory_space<semaphore_mem>>)
      %dma_wait3A_126 = arith.constant 0 : i32
      %dma_wait3A_127 = tpu.memref_slice %arg7[%arg0, %add3A_82, %dma_wait3A_126] : memref<2x10240x128xf32, #tpu.memory_space<hbm>> -> memref<1x128x128xf32, #tpu.memory_space<hbm>>
      %dma_wait3A_128 = tpu.memref_squeeze %dma_wait3A_127 : memref<1x128x128xf32, #tpu.memory_space<hbm>> -> memref<128x128xf32, #tpu.memory_space<hbm>>
      %dma_wait3A_129 = arith.constant 0 : i32
      %dma_wait3A_130 = tpu.memref_slice %arg7[%arg0, %add3A_82, %dma_wait3A_129] : memref<2x10240x128xf32, #tpu.memory_space<hbm>> -> memref<1x128x128xf32, #tpu.memory_space<hbm>>
      %dma_wait3A_131 = tpu.memref_squeeze %dma_wait3A_130 : memref<1x128x128xf32, #tpu.memory_space<hbm>> -> memref<128x128xf32, #tpu.memory_space<hbm>>
      tpu.wait_dma2 semaphore(%run_scoped3A_119 : memref<!tpu.dma_semaphore, #tpu.memory_space<semaphore_mem>>) src(%arg11 : memref<128x128xf32, #tpu.memory_space<vmem>>) dst(%dma_wait3A_131 : memref<128x128xf32, #tpu.memory_space<hbm>>)
      tpu.yield
    }) : () -> ()
    %dma_start3A_83 = arith.constant 3 : i32
    %dma_start3A_84 = arith.constant 0 : i32
    %dma_start3A_85 = tpu.memref_slice %arg10[%dma_start3A_83, %dma_start3A_84] : memref<5x128xi32, #tpu.memory_space<vmem>> -> memref<1x128xi32, #tpu.memory_space<vmem>>
    %dma_start3A_86 = tpu.memref_squeeze %dma_start3A_85 : memref<1x128xi32, #tpu.memory_space<vmem>> -> memref<128xi32, #tpu.memory_space<vmem>>
    %dma_start3A_87 = arith.constant 0 : i32
    %dma_start3A_88 = arith.constant 0 : i32
    %dma_start3A_89 = tpu.memref_slice %arg13[%dma_start3A_87, %dma_start3A_88] : memref<10240x128xf32, #tpu.memory_space<vmem_shared>> -> memref<10240x128xf32, #tpu.memory_space<vmem_shared>>
    tpu.enqueue_indirect_dma source(%dma_start3A_89 : memref<10240x128xf32, #tpu.memory_space<vmem_shared>>) target(%arg12 : memref<128x128xf32, #tpu.memory_space<vmem>>) offsets(%dma_start3A_86 : memref<128xi32, #tpu.memory_space<vmem>>) semaphore(%arg15 : memref<!tpu.dma_semaphore, #tpu.memory_space<semaphore_mem>>)
    %dma_wait3A_90 = arith.constant 3 : i32
    %dma_wait3A_91 = arith.constant 0 : i32
    %dma_wait3A_92 = tpu.memref_slice %arg10[%dma_wait3A_90, %dma_wait3A_91] : memref<5x128xi32, #tpu.memory_space<vmem>> -> memref<1x128xi32, #tpu.memory_space<vmem>>
    %dma_wait3A_93 = tpu.memref_squeeze %dma_wait3A_92 : memref<1x128xi32, #tpu.memory_space<vmem>> -> memref<128xi32, #tpu.memory_space<vmem>>
    %dma_wait3A_94 = arith.constant 0 : i32
    %dma_wait3A_95 = arith.constant 0 : i32
    %dma_wait3A_96 = tpu.memref_slice %arg13[%dma_wait3A_94, %dma_wait3A_95] : memref<10240x128xf32, #tpu.memory_space<vmem_shared>> -> memref<10240x128xf32, #tpu.memory_space<vmem_shared>>
    tpu.wait_indirect_dma semaphore(%arg15 : memref<!tpu.dma_semaphore, #tpu.memory_space<semaphore_mem>>) src(%dma_wait3A_96 : memref<10240x128xf32, #tpu.memory_space<vmem_shared>>) dst(%arg12 : memref<128x128xf32, #tpu.memory_space<vmem>>)
    %mul3A_97 = arith.constant 640 : i32
    %mul3A_98 = arith.muli %arg1, %mul3A_97 : i32
    %add3A_99 = arith.constant 384 : i32
    %add3A_100 = arith.addi %mul3A_98, %add3A_99 : i32
    "tpu.region"() ({
      %run_scoped3A_119 = tpu.sem_alloc : memref<!tpu.dma_semaphore, #tpu.memory_space<semaphore_mem>>
      %dma_start3A_120 = arith.constant 0 : i32
      %dma_start3A_121 = tpu.memref_slice %arg7[%arg0, %add3A_100, %dma_start3A_120] : memref<2x10240x128xf32, #tpu.memory_space<hbm>> -> memref<1x128x128xf32, #tpu.memory_space<hbm>>
      %dma_start3A_122 = tpu.memref_squeeze %dma_start3A_121 : memref<1x128x128xf32, #tpu.memory_space<hbm>> -> memref<128x128xf32, #tpu.memory_space<hbm>>
      %dma_start3A_123 = arith.constant 0 : i32
      %dma_start3A_124 = tpu.memref_slice %arg7[%arg0, %add3A_100, %dma_start3A_123] : memref<2x10240x128xf32, #tpu.memory_space<hbm>> -> memref<1x128x128xf32, #tpu.memory_space<hbm>>
      %dma_start3A_125 = tpu.memref_squeeze %dma_start3A_124 : memref<1x128x128xf32, #tpu.memory_space<hbm>> -> memref<128x128xf32, #tpu.memory_space<hbm>>
      tpu.enqueue_dma source(%arg12 : memref<128x128xf32, #tpu.memory_space<vmem>>) target(%dma_start3A_125 : memref<128x128xf32, #tpu.memory_space<hbm>>) target_semaphore(%run_scoped3A_119 : memref<!tpu.dma_semaphore, #tpu.memory_space<semaphore_mem>>)
      %dma_wait3A_126 = arith.constant 0 : i32
      %dma_wait3A_127 = tpu.memref_slice %arg7[%arg0, %add3A_100, %dma_wait3A_126] : memref<2x10240x128xf32, #tpu.memory_space<hbm>> -> memref<1x128x128xf32, #tpu.memory_space<hbm>>
      %dma_wait3A_128 = tpu.memref_squeeze %dma_wait3A_127 : memref<1x128x128xf32, #tpu.memory_space<hbm>> -> memref<128x128xf32, #tpu.memory_space<hbm>>
      %dma_wait3A_129 = arith.constant 0 : i32
      %dma_wait3A_130 = tpu.memref_slice %arg7[%arg0, %add3A_100, %dma_wait3A_129] : memref<2x10240x128xf32, #tpu.memory_space<hbm>> -> memref<1x128x128xf32, #tpu.memory_space<hbm>>
      %dma_wait3A_131 = tpu.memref_squeeze %dma_wait3A_130 : memref<1x128x128xf32, #tpu.memory_space<hbm>> -> memref<128x128xf32, #tpu.memory_space<hbm>>
      tpu.wait_dma2 semaphore(%run_scoped3A_119 : memref<!tpu.dma_semaphore, #tpu.memory_space<semaphore_mem>>) src(%arg12 : memref<128x128xf32, #tpu.memory_space<vmem>>) dst(%dma_wait3A_131 : memref<128x128xf32, #tpu.memory_space<hbm>>)
      tpu.yield
    }) : () -> ()
    %dma_start3A_101 = arith.constant 4 : i32
    %dma_start3A_102 = arith.constant 0 : i32
    %dma_start3A_103 = tpu.memref_slice %arg10[%dma_start3A_101, %dma_start3A_102] : memref<5x128xi32, #tpu.memory_space<vmem>> -> memref<1x128xi32, #tpu.memory_space<vmem>>
    %dma_start3A_104 = tpu.memref_squeeze %dma_start3A_103 : memref<1x128xi32, #tpu.memory_space<vmem>> -> memref<128xi32, #tpu.memory_space<vmem>>
    %dma_start3A_105 = arith.constant 0 : i32
    %dma_start3A_106 = arith.constant 0 : i32
    %dma_start3A_107 = tpu.memref_slice %arg13[%dma_start3A_105, %dma_start3A_106] : memref<10240x128xf32, #tpu.memory_space<vmem_shared>> -> memref<10240x128xf32, #tpu.memory_space<vmem_shared>>
    tpu.enqueue_indirect_dma source(%dma_start3A_107 : memref<10240x128xf32, #tpu.memory_space<vmem_shared>>) target(%arg11 : memref<128x128xf32, #tpu.memory_space<vmem>>) offsets(%dma_start3A_104 : memref<128xi32, #tpu.memory_space<vmem>>) semaphore(%arg14 : memref<!tpu.dma_semaphore, #tpu.memory_space<semaphore_mem>>)
    %dma_wait3A_108 = arith.constant 4 : i32
    %dma_wait3A_109 = arith.constant 0 : i32
    %dma_wait3A_110 = tpu.memref_slice %arg10[%dma_wait3A_108, %dma_wait3A_109] : memref<5x128xi32, #tpu.memory_space<vmem>> -> memref<1x128xi32, #tpu.memory_space<vmem>>
    %dma_wait3A_111 = tpu.memref_squeeze %dma_wait3A_110 : memref<1x128xi32, #tpu.memory_space<vmem>> -> memref<128xi32, #tpu.memory_space<vmem>>
    %dma_wait3A_112 = arith.constant 0 : i32
    %dma_wait3A_113 = arith.constant 0 : i32
    %dma_wait3A_114 = tpu.memref_slice %arg13[%dma_wait3A_112, %dma_wait3A_113] : memref<10240x128xf32, #tpu.memory_space<vmem_shared>> -> memref<10240x128xf32, #tpu.memory_space<vmem_shared>>
    tpu.wait_indirect_dma semaphore(%arg14 : memref<!tpu.dma_semaphore, #tpu.memory_space<semaphore_mem>>) src(%dma_wait3A_114 : memref<10240x128xf32, #tpu.memory_space<vmem_shared>>) dst(%arg11 : memref<128x128xf32, #tpu.memory_space<vmem>>)
    %mul3A_115 = arith.constant 640 : i32
    %mul3A_116 = arith.muli %arg1, %mul3A_115 : i32
    %add3A_117 = arith.constant 512 : i32
    %add3A_118 = arith.addi %mul3A_116, %add3A_117 : i32
    "tpu.region"() ({
      %run_scoped3A_119 = tpu.sem_alloc : memref<!tpu.dma_semaphore, #tpu.memory_space<semaphore_mem>>
      %dma_start3A_120 = arith.constant 0 : i32
      %dma_start3A_121 = tpu.memref_slice %arg7[%arg0, %add3A_118, %dma_start3A_120] : memref<2x10240x128xf32, #tpu.memory_space<hbm>> -> memref<1x128x128xf32, #tpu.memory_space<hbm>>
      %dma_start3A_122 = tpu.memref_squeeze %dma_start3A_121 : memref<1x128x128xf32, #tpu.memory_space<hbm>> -> memref<128x128xf32, #tpu.memory_space<hbm>>
      %dma_start3A_123 = arith.constant 0 : i32
      %dma_start3A_124 = tpu.memref_slice %arg7[%arg0, %add3A_118, %dma_start3A_123] : memref<2x10240x128xf32, #tpu.memory_space<hbm>> -> memref<1x128x128xf32, #tpu.memory_space<hbm>>
      %dma_start3A_125 = tpu.memref_squeeze %dma_start3A_124 : memref<1x128x128xf32, #tpu.memory_space<hbm>> -> memref<128x128xf32, #tpu.memory_space<hbm>>
      tpu.enqueue_dma source(%arg11 : memref<128x128xf32, #tpu.memory_space<vmem>>) target(%dma_start3A_125 : memref<128x128xf32, #tpu.memory_space<hbm>>) target_semaphore(%run_scoped3A_119 : memref<!tpu.dma_semaphore, #tpu.memory_space<semaphore_mem>>)
      %dma_wait3A_126 = arith.constant 0 : i32
      %dma_wait3A_127 = tpu.memref_slice %arg7[%arg0, %add3A_118, %dma_wait3A_126] : memref<2x10240x128xf32, #tpu.memory_space<hbm>> -> memref<1x128x128xf32, #tpu.memory_space<hbm>>
      %dma_wait3A_128 = tpu.memref_squeeze %dma_wait3A_127 : memref<1x128x128xf32, #tpu.memory_space<hbm>> -> memref<128x128xf32, #tpu.memory_space<hbm>>
      %dma_wait3A_129 = arith.constant 0 : i32
      %dma_wait3A_130 = tpu.memref_slice %arg7[%arg0, %add3A_118, %dma_wait3A_129] : memref<2x10240x128xf32, #tpu.memory_space<hbm>> -> memref<1x128x128xf32, #tpu.memory_space<hbm>>
      %dma_wait3A_131 = tpu.memref_squeeze %dma_wait3A_130 : memref<1x128x128xf32, #tpu.memory_space<hbm>> -> memref<128x128xf32, #tpu.memory_space<hbm>>
      tpu.wait_dma2 semaphore(%run_scoped3A_119 : memref<!tpu.dma_semaphore, #tpu.memory_space<semaphore_mem>>) src(%arg11 : memref<128x128xf32, #tpu.memory_space<vmem>>) dst(%dma_wait3A_131 : memref<128x128xf32, #tpu.memory_space<hbm>>)
      tpu.yield
    }) : () -> ()
    return
  }
}

module attributes {stable_mosaic.version = 14 : i64} {
  func.func @_mm_scale_body(%arg0: i32, %arg1: memref<2x2000x1xf32, #tpu.memory_space<vmem>>, %arg2: memref<2000x128xf32, #tpu.memory_space<vmem>>, %arg3: memref<128x128xf32, #tpu.memory_space<vmem>>, %arg4: memref<2000x1xf32, #tpu.memory_space<vmem>>, %arg5: memref<2000x128xf32, #tpu.memory_space<vmem>>) attributes {dimension_semantics = [#tpu.dimension_semantics<arbitrary>], iteration_bounds = array<i64: 5>, scalar_prefetch = 0 : i64, scratch_operands = 0 : i64, tpu.core_type = #tpu.core_type<tc>, window_params = [{transform_indices = @transform_0, window_bounds = array<i64: 2, 2000, 1>}, {transform_indices = @transform_1, window_bounds = array<i64: 2000, 128>}, {pipeline_mode = #tpu.pipeline_mode<synchronous>, transform_indices = @transform_2, window_bounds = array<i64: 128, 128>}, {transform_indices = @transform_3, window_bounds = array<i64: 2000, 1>}, {transform_indices = @transform_4, window_bounds = array<i64: 2000, 128>}]} {
    %get3A = arith.constant 0 : index
    %get3A_0 = arith.constant 0 : index
    %get3A_1 = arith.constant 0 : index
    %get3A_2 = vector.load %arg1[%get3A, %get3A_0, %get3A_1] : memref<2x2000x1xf32, #tpu.memory_space<vmem>>, vector<1x2000x1xf32>
    %get3A_3 = vector.shape_cast %get3A_2 : vector<1x2000x1xf32> to vector<2000x1xf32>
    %add3A = arith.constant 1.000000e+00 : f32
    %add3A_4 = vector.broadcast %add3A : f32 to vector<2000x1xf32>
    %add3A_5 = arith.addf %add3A_4, %get3A_3 : vector<2000x1xf32>
    %get3A_6 = arith.constant 1 : index
    %get3A_7 = arith.constant 0 : index
    %get3A_8 = arith.constant 0 : index
    %get3A_9 = vector.load %arg1[%get3A_6, %get3A_7, %get3A_8] : memref<2x2000x1xf32, #tpu.memory_space<vmem>>, vector<1x2000x1xf32>
    %get3A_10 = vector.shape_cast %get3A_9 : vector<1x2000x1xf32> to vector<2000x1xf32>
    %add3A_11 = arith.addf %add3A_5, %get3A_10 : vector<2000x1xf32>
    %rsqrt3A = math.rsqrt %add3A_11 : vector<2000x1xf32>
    %swap3A = arith.constant 0 : index
    %swap3A_12 = arith.constant 0 : index
    %swap3A_13 = vector.load %arg4[%swap3A, %swap3A_12] : memref<2000x1xf32, #tpu.memory_space<vmem>>, vector<2000x1xf32>
    tpu.vector_store %arg4[%swap3A, %swap3A_12], %rsqrt3A {strides = array<i32>} : memref<2000x1xf32, #tpu.memory_space<vmem>>, vector<2000x1xf32>,
    %get3A_14 = arith.constant 0 : index
    %get3A_15 = arith.constant 0 : index
    %get3A_16 = vector.load %arg2[%get3A_14, %get3A_15] : memref<2000x128xf32, #tpu.memory_space<vmem>>, vector<2000x128xf32>
    %get3A_17 = arith.constant 0 : index
    %get3A_18 = arith.constant 0 : index
    %get3A_19 = vector.load %arg3[%get3A_17, %get3A_18] : memref<128x128xf32, #tpu.memory_space<vmem>>, vector<128x128xf32>
    %dot_general3A = arith.constant dense<0.000000e+00> : vector<2000x128xf32>
    %dot_general3A_20 = tpu.matmul %get3A_16, %get3A_19, %dot_general3A {dimension_numbers = #tpu.dot_dimension_numbers<[1], [0], [0], [1], [0, 0, 1, 1], [], []>, transpose_lhs_hint = false} : vector<2000x128xf32>, vector<128x128xf32>, vector<2000x128xf32> -> vector<2000x128xf32>
    %mul3A = vector.broadcast %rsqrt3A : vector<2000x1xf32> to vector<2000x128xf32>
    %mul3A_21 = arith.mulf %dot_general3A_20, %mul3A : vector<2000x128xf32>
    %swap3A_22 = arith.constant 0 : index
    %swap3A_23 = arith.constant 0 : index
    %swap3A_24 = vector.load %arg5[%swap3A_22, %swap3A_23] : memref<2000x128xf32, #tpu.memory_space<vmem>>, vector<2000x128xf32>
    tpu.vector_store %arg5[%swap3A_22, %swap3A_23], %mul3A_21 {strides = array<i32>} : memref<2000x128xf32, #tpu.memory_space<vmem>>, vector<2000x128xf32>,
    return
  }
  func.func @transform_0(%arg0: i32) -> (i32, i32, i32) {
    %c0_i32 = arith.constant 0 : i32
    %c0_i32_0 = arith.constant 0 : i32
    %c0_i32_1 = arith.constant 0 : i32
    return %c0_i32, %arg0, %c0_i32_0 : i32, i32, i32
  }
  func.func @transform_1(%arg0: i32) -> (i32, i32) {
    %c0_i32 = arith.constant 0 : i32
    %c0_i32_0 = arith.constant 0 : i32
    return %arg0, %c0_i32 : i32, i32
  }
  func.func @transform_2(%arg0: i32) -> (i32, i32) {
    %c0_i32 = arith.constant 0 : i32
    %c0_i32_0 = arith.constant 0 : i32
    %c0_i32_1 = arith.constant 0 : i32
    return %c0_i32, %c0_i32_0 : i32, i32
  }
  func.func @transform_3(%arg0: i32) -> (i32, i32) {
    %c0_i32 = arith.constant 0 : i32
    %c0_i32_0 = arith.constant 0 : i32
    return %arg0, %c0_i32 : i32, i32
  }
  func.func @transform_4(%arg0: i32) -> (i32, i32) {
    %c0_i32 = arith.constant 0 : i32
    %c0_i32_0 = arith.constant 0 : i32
    return %arg0, %c0_i32 : i32, i32
  }
}

module attributes {stable_mosaic.version = 14 : i64} {
  func.func @_final_body(%arg0: i32, %arg1: memref<2x2000x128xf32, #tpu.memory_space<vmem>>, %arg2: memref<2000x128xf32, #tpu.memory_space<vmem>>, %arg3: memref<2000x1xf32, #tpu.memory_space<vmem>>, %arg4: memref<1x128xf32, #tpu.memory_space<vmem>>, %arg5: memref<2000x128xf32, #tpu.memory_space<vmem>>, %arg6: memref<2000x128xf32, #tpu.memory_space<vmem>>) attributes {dimension_semantics = [#tpu.dimension_semantics<arbitrary>], iteration_bounds = array<i64: 5>, scalar_prefetch = 0 : i64, scratch_operands = 0 : i64, tpu.core_type = #tpu.core_type<tc>, window_params = [{transform_indices = @transform_0, window_bounds = array<i64: 2, 2000, 128>}, {transform_indices = @transform_1, window_bounds = array<i64: 2000, 128>}, {transform_indices = @transform_2, window_bounds = array<i64: 2000, 1>}, {pipeline_mode = #tpu.pipeline_mode<synchronous>, transform_indices = @transform_3, window_bounds = array<i64: 1, 128>}, {transform_indices = @transform_4, window_bounds = array<i64: 2000, 128>}, {transform_indices = @transform_5, window_bounds = array<i64: 2000, 128>}]} {
    %get3A = arith.constant 0 : index
    %get3A_0 = arith.constant 0 : index
    %get3A_1 = arith.constant 0 : index
    %get3A_2 = vector.load %arg1[%get3A, %get3A_0, %get3A_1] : memref<2x2000x128xf32, #tpu.memory_space<vmem>>, vector<1x2000x128xf32>
    %get3A_3 = vector.shape_cast %get3A_2 : vector<1x2000x128xf32> to vector<2000x128xf32>
    %get3A_4 = arith.constant 1 : index
    %get3A_5 = arith.constant 0 : index
    %get3A_6 = arith.constant 0 : index
    %get3A_7 = vector.load %arg1[%get3A_4, %get3A_5, %get3A_6] : memref<2x2000x128xf32, #tpu.memory_space<vmem>>, vector<1x2000x128xf32>
    %get3A_8 = vector.shape_cast %get3A_7 : vector<1x2000x128xf32> to vector<2000x128xf32>
    %add3A = arith.addf %get3A_3, %get3A_8 : vector<2000x128xf32>
    %get3A_9 = arith.constant 0 : index
    %get3A_10 = arith.constant 0 : index
    %get3A_11 = vector.load %arg2[%get3A_9, %get3A_10] : memref<2000x128xf32, #tpu.memory_space<vmem>>, vector<2000x128xf32>
    %add3A_12 = arith.addf %add3A, %get3A_11 : vector<2000x128xf32>
    %get3A_13 = arith.constant 0 : index
    %get3A_14 = arith.constant 0 : index
    %get3A_15 = vector.load %arg3[%get3A_13, %get3A_14] : memref<2000x1xf32, #tpu.memory_space<vmem>>, vector<2000x1xf32>
    %mul3A = vector.broadcast %get3A_15 : vector<2000x1xf32> to vector<2000x128xf32>
    %mul3A_16 = arith.mulf %add3A_12, %mul3A : vector<2000x128xf32>
    %get3A_17 = arith.constant 0 : index
    %get3A_18 = arith.constant 0 : index
    %get3A_19 = vector.load %arg4[%get3A_17, %get3A_18] : memref<1x128xf32, #tpu.memory_space<vmem>>, vector<1x128xf32>
    %add3A_20 = vector.broadcast %get3A_19 : vector<1x128xf32> to vector<2000x128xf32>
    %add3A_21 = arith.addf %mul3A_16, %add3A_20 : vector<2000x128xf32>
    %ge3A = arith.constant 0.000000e+00 : f32
    %ge3A_22 = vector.broadcast %ge3A : f32 to vector<2000x128xf32>
    %ge3A_23 = arith.cmpf oge, %add3A_21, %ge3A_22 : vector<2000x128xf32>
    %mul3A_24 = arith.constant 0.00999999977 : f32
    %mul3A_25 = vector.broadcast %mul3A_24 : f32 to vector<2000x128xf32>
    %mul3A_26 = arith.mulf %mul3A_25, %add3A_21 : vector<2000x128xf32>
    %select_n3A = arith.select %ge3A_23, %add3A_21, %mul3A_26 : vector<2000x128xi1>, vector<2000x128xf32>
    %get3A_27 = arith.constant 0 : index
    %get3A_28 = arith.constant 0 : index
    %get3A_29 = vector.load %arg5[%get3A_27, %get3A_28] : memref<2000x128xf32, #tpu.memory_space<vmem>>, vector<2000x128xf32>
    %add3A_30 = arith.addf %select_n3A, %get3A_29 : vector<2000x128xf32>
    %swap3A = arith.constant 0 : index
    %swap3A_31 = arith.constant 0 : index
    %swap3A_32 = vector.load %arg6[%swap3A, %swap3A_31] : memref<2000x128xf32, #tpu.memory_space<vmem>>, vector<2000x128xf32>
    tpu.vector_store %arg6[%swap3A, %swap3A_31], %add3A_30 {strides = array<i32>} : memref<2000x128xf32, #tpu.memory_space<vmem>>, vector<2000x128xf32>,
    return
  }
  func.func @transform_0(%arg0: i32) -> (i32, i32, i32) {
    %c0_i32 = arith.constant 0 : i32
    %c0_i32_0 = arith.constant 0 : i32
    %c0_i32_1 = arith.constant 0 : i32
    return %c0_i32, %arg0, %c0_i32_0 : i32, i32, i32
  }
  func.func @transform_1(%arg0: i32) -> (i32, i32) {
    %c0_i32 = arith.constant 0 : i32
    %c0_i32_0 = arith.constant 0 : i32
    return %arg0, %c0_i32 : i32, i32
  }
  func.func @transform_2(%arg0: i32) -> (i32, i32) {
    %c0_i32 = arith.constant 0 : i32
    %c0_i32_0 = arith.constant 0 : i32
    return %arg0, %c0_i32 : i32, i32
  }
  func.func @transform_3(%arg0: i32) -> (i32, i32) {
    %c0_i32 = arith.constant 0 : i32
    %c0_i32_0 = arith.constant 0 : i32
    %c0_i32_1 = arith.constant 0 : i32
    return %c0_i32, %c0_i32_0 : i32, i32
  }
  func.func @transform_4(%arg0: i32) -> (i32, i32) {
    %c0_i32 = arith.constant 0 : i32
    %c0_i32_0 = arith.constant 0 : i32
    return %arg0, %c0_i32 : i32, i32
  }
  func.func @transform_5(%arg0: i32) -> (i32, i32) {
    %c0_i32 = arith.constant 0 : i32
    %c0_i32_0 = arith.constant 0 : i32
    return %arg0, %c0_i32 : i32, i32
  }
}

module attributes {stable_mosaic.version = 14 : i64} {
  func.func @_mid_body(%arg0: i32, %arg1: memref<2x2000x128xf32, #tpu.memory_space<vmem>>, %arg2: memref<2000x128xf32, #tpu.memory_space<vmem>>, %arg3: memref<2000x1xf32, #tpu.memory_space<vmem>>, %arg4: memref<1x128xf32, #tpu.memory_space<vmem>>, %arg5: memref<128x128xf32, #tpu.memory_space<vmem>>, %arg6: memref<2000x128xf32, #tpu.memory_space<vmem>>) attributes {dimension_semantics = [#tpu.dimension_semantics<arbitrary>], iteration_bounds = array<i64: 5>, scalar_prefetch = 0 : i64, scratch_operands = 0 : i64, tpu.core_type = #tpu.core_type<tc>, window_params = [{transform_indices = @transform_0, window_bounds = array<i64: 2, 2000, 128>}, {transform_indices = @transform_1, window_bounds = array<i64: 2000, 128>}, {transform_indices = @transform_2, window_bounds = array<i64: 2000, 1>}, {pipeline_mode = #tpu.pipeline_mode<synchronous>, transform_indices = @transform_3, window_bounds = array<i64: 1, 128>}, {pipeline_mode = #tpu.pipeline_mode<synchronous>, transform_indices = @transform_4, window_bounds = array<i64: 128, 128>}, {transform_indices = @transform_5, window_bounds = array<i64: 2000, 128>}]} {
    %get3A = arith.constant 0 : index
    %get3A_0 = arith.constant 0 : index
    %get3A_1 = arith.constant 0 : index
    %get3A_2 = vector.load %arg1[%get3A, %get3A_0, %get3A_1] : memref<2x2000x128xf32, #tpu.memory_space<vmem>>, vector<1x2000x128xf32>
    %get3A_3 = vector.shape_cast %get3A_2 : vector<1x2000x128xf32> to vector<2000x128xf32>
    %get3A_4 = arith.constant 1 : index
    %get3A_5 = arith.constant 0 : index
    %get3A_6 = arith.constant 0 : index
    %get3A_7 = vector.load %arg1[%get3A_4, %get3A_5, %get3A_6] : memref<2x2000x128xf32, #tpu.memory_space<vmem>>, vector<1x2000x128xf32>
    %get3A_8 = vector.shape_cast %get3A_7 : vector<1x2000x128xf32> to vector<2000x128xf32>
    %add3A = arith.addf %get3A_3, %get3A_8 : vector<2000x128xf32>
    %get3A_9 = arith.constant 0 : index
    %get3A_10 = arith.constant 0 : index
    %get3A_11 = vector.load %arg2[%get3A_9, %get3A_10] : memref<2000x128xf32, #tpu.memory_space<vmem>>, vector<2000x128xf32>
    %add3A_12 = arith.addf %add3A, %get3A_11 : vector<2000x128xf32>
    %get3A_13 = arith.constant 0 : index
    %get3A_14 = arith.constant 0 : index
    %get3A_15 = vector.load %arg3[%get3A_13, %get3A_14] : memref<2000x1xf32, #tpu.memory_space<vmem>>, vector<2000x1xf32>
    %mul3A = vector.broadcast %get3A_15 : vector<2000x1xf32> to vector<2000x128xf32>
    %mul3A_16 = arith.mulf %add3A_12, %mul3A : vector<2000x128xf32>
    %get3A_17 = arith.constant 0 : index
    %get3A_18 = arith.constant 0 : index
    %get3A_19 = vector.load %arg4[%get3A_17, %get3A_18] : memref<1x128xf32, #tpu.memory_space<vmem>>, vector<1x128xf32>
    %add3A_20 = vector.broadcast %get3A_19 : vector<1x128xf32> to vector<2000x128xf32>
    %add3A_21 = arith.addf %mul3A_16, %add3A_20 : vector<2000x128xf32>
    %ge3A = arith.constant 0.000000e+00 : f32
    %ge3A_22 = vector.broadcast %ge3A : f32 to vector<2000x128xf32>
    %ge3A_23 = arith.cmpf oge, %add3A_21, %ge3A_22 : vector<2000x128xf32>
    %mul3A_24 = arith.constant 0.00999999977 : f32
    %mul3A_25 = vector.broadcast %mul3A_24 : f32 to vector<2000x128xf32>
    %mul3A_26 = arith.mulf %mul3A_25, %add3A_21 : vector<2000x128xf32>
    %select_n3A = arith.select %ge3A_23, %add3A_21, %mul3A_26 : vector<2000x128xi1>, vector<2000x128xf32>
    %get3A_27 = arith.constant 0 : index
    %get3A_28 = arith.constant 0 : index
    %get3A_29 = vector.load %arg5[%get3A_27, %get3A_28] : memref<128x128xf32, #tpu.memory_space<vmem>>, vector<128x128xf32>
    %dot_general3A = arith.constant dense<0.000000e+00> : vector<2000x128xf32>
    %dot_general3A_30 = tpu.matmul %select_n3A, %get3A_29, %dot_general3A {dimension_numbers = #tpu.dot_dimension_numbers<[1], [0], [0], [1], [0, 0, 1, 1], [], []>, transpose_lhs_hint = false} : vector<2000x128xf32>, vector<128x128xf32>, vector<2000x128xf32> -> vector<2000x128xf32>
    %get3A_31 = arith.constant 0 : index
    %get3A_32 = arith.constant 0 : index
    %get3A_33 = vector.load %arg3[%get3A_31, %get3A_32] : memref<2000x1xf32, #tpu.memory_space<vmem>>, vector<2000x1xf32>
    %mul3A_34 = vector.broadcast %get3A_33 : vector<2000x1xf32> to vector<2000x128xf32>
    %mul3A_35 = arith.mulf %dot_general3A_30, %mul3A_34 : vector<2000x128xf32>
    %swap3A = arith.constant 0 : index
    %swap3A_36 = arith.constant 0 : index
    %swap3A_37 = vector.load %arg6[%swap3A, %swap3A_36] : memref<2000x128xf32, #tpu.memory_space<vmem>>, vector<2000x128xf32>
    tpu.vector_store %arg6[%swap3A, %swap3A_36], %mul3A_35 {strides = array<i32>} : memref<2000x128xf32, #tpu.memory_space<vmem>>, vector<2000x128xf32>,
    return
  }
  func.func @transform_0(%arg0: i32) -> (i32, i32, i32) {
    %c0_i32 = arith.constant 0 : i32
    %c0_i32_0 = arith.constant 0 : i32
    %c0_i32_1 = arith.constant 0 : i32
    return %c0_i32, %arg0, %c0_i32_0 : i32, i32, i32
  }
  func.func @transform_1(%arg0: i32) -> (i32, i32) {
    %c0_i32 = arith.constant 0 : i32
    %c0_i32_0 = arith.constant 0 : i32
    return %arg0, %c0_i32 : i32, i32
  }
  func.func @transform_2(%arg0: i32) -> (i32, i32) {
    %c0_i32 = arith.constant 0 : i32
    %c0_i32_0 = arith.constant 0 : i32
    return %arg0, %c0_i32 : i32, i32
  }
  func.func @transform_3(%arg0: i32) -> (i32, i32) {
    %c0_i32 = arith.constant 0 : i32
    %c0_i32_0 = arith.constant 0 : i32
    %c0_i32_1 = arith.constant 0 : i32
    return %c0_i32, %c0_i32_0 : i32, i32
  }
  func.func @transform_4(%arg0: i32) -> (i32, i32) {
    %c0_i32 = arith.constant 0 : i32
    %c0_i32_0 = arith.constant 0 : i32
    %c0_i32_1 = arith.constant 0 : i32
    return %c0_i32, %c0_i32_0 : i32, i32
  }
  func.func @transform_5(%arg0: i32) -> (i32, i32) {
    %c0_i32 = arith.constant 0 : i32
    %c0_i32_0 = arith.constant 0 : i32
    return %arg0, %c0_i32 : i32, i32
  }
}

</mosaic_0001>

<sc_bundles>
// kernel: kernel.11.cloned.1.call-start
scs
__scs_entry_jumppad:
0x0: {  	(pc) =	sbr.rel $0x88, $3  }
0x1: {  	(tag) =	ssettag $0x0;
	lr =	simm.s32 $0x1  }
0x2: {  	[smem:$0x3F9B] =	sst lr;
	_ =	strace $0xD0000000  }
0x3: {  	_ = 	snop  }
0x4: {  	_ = 	snop  }
0x5: {  	_ = 	snop  }
0x6: {  	_ = 	snop  }
0x7: {  	_ = 	snop  }
__scs_overlays_trampoline_lowered:
0x8: {  	[smem:$0x3FAA] =	sst s0  }
0x9: {  	[smem:$0x3FAB] =	sst s1  }
0xa: {  	[smem:$0x3FAC] =	sst s2  }
0xb: {  	[smem:$0x3FAD] =	sst s3  }
0xc: {  	[smem:$0x3FAE] =	sst s4  }
0xd: {  	[smem:$0x3FAF] =	sst s5  }
0xe: {  	[smem:$0x3FB0] =	sst s6  }
0xf: {  	[smem:$0x3FB1] =	sst s7  }
0x10: {  	[smem:$0x3FB2] =	sst s8  }
0x11: {  	[smem:$0x3FB3] =	sst s9;
	s0 =	simm.s32 @!p0 $0x0  }
0x12: {  	s1 =	sld [smem:$0x3F99];
	s0 =	simm.s32 @p0 $0x1  }
0x13: {  	[smem:$0x3FB4] =	sst s0;
	s0 =	simm.s32 @!p1 $0x0  }
0x14: {  	s2 =	sld [smem:$0x3F98];
	s0 =	simm.s32 @p1 $0x1  }
0x15: {  	[smem:$0x3FB5] =	sst s0;
	s0 =	simm.s32 @!p2 $0x0  }
0x16: {  	s3 =	sld [smem:$0x3FDB];
	s0 =	simm.s32 @p2 $0x1  }
0x17: {  	s4 =	simm.s32 $0x1BF5;
	[smem:$0x3FB7] =	sst s0  }
0x18: {  	s0 =	sld [smem:$0x3F9A];
	_ =	swait.ge [sflag:s4], $0x0  }
0x19: {  	s7 =	sld [smem:$0x3F9B]  }
0x1a: {  	s8 =	sadd.s32 $0xFFFFE003, lr  }
0x1b: {  	s9 =	sadd.s32 $0xFFFFFEF7, lr;
	s5 =	simm.s32 $0xFFFFFFFF;
	p2 =	slt.u32 s8, $0xFFFFF086  }
0x1c: {  	p1 =	slt.u32 s9, $0xF7A;
	s5 =	simm.s32 @!p2 $0x0  }
0x1d: {  	s5 =	simm.s32 @p1 $0x1;
	p0 =	seq.s32 s7, s2  }
0x1e: {  	s7 =	smul.u32 @!p0 $0xF7A, s2;
	p2 =	seq.s32 @!p0 s5, $0x0  }
0x1f: {  	s9 =	smul.u32 $0xF7A, s1;
	s8 =	simm.s32 @!p0 $0x1BF5;
	p2 =	por !p2, p0  }
0x20: {  	[sflag:s8] =	ssyncset.s32 @!p0 $0xFFFFF086;
	s6 =	sadd.s32 @!p0 s3, s7;
	s7 =	simm.s32 @!p0 $0x108  }
0x21: {  	s3 =	sadd.s32 s3, s9;
	s6 =	sadd.s32 @!p0 $0x88, s6;
	s7 =	simm.s32 @p2 $0x1082  }
0x22: {  	[simem:s7], [sflag:s8] =	dma.local @!p0 [hbm:s6], $0xF7A  }
0x23: {  	s9 =	sor.u32 $0xD0000000, s2;
	s6 =	simm.s32 $0x108;
	_ =	swait.ge @!p0 [sflag:s8], $0x0  }
0x24: {  	s3 =	sadd.s32 $0x88, s3;
	s6 =	simm.s32 @!p1 $0x1082;
	[sflag:s4] =	ssyncset.s32 $0xFFFFF086  }
0x25: {  	[simem:s6], [sflag:s4] =	dma.local [hbm:s3], $0xF7A  }
0x26: {  	[smem:$0x3F9B] =	sst s1;
	(tag) =	ssettag s2;
	_ =	strace s9  }
0x27: {  	s1 =	sld [smem:$0x3FAB]  }
0x28: {  	s2 =	sld [smem:$0x3FAC]  }
0x29: {  	s4 =	sld [smem:$0x3FAE]  }
0x2a: {  	p0 =	seq.s32 s5, $0x0;
	s5 =	sld [smem:$0x3FAF]  }
0x2b: {  	s6 =	sld [smem:$0x3FB0]  }
0x2c: {  	s7 =	sld [smem:$0x3FB1]  }
0x2d: {  	s3 =	simm.s32 $0x108;
	s8 =	sld [smem:$0x3FB2]  }
0x2e: {  	s3 =	simm.s32 @!p0 $0x1082;
	s9 =	sld [smem:$0x3FB3]  }
0x2f: {  	lr =	sadd.s32 s0, s3;
	s0 =	sld [smem:$0x3FAA]  }
0x30: {  	s3 =	sld [smem:$0x3FAD]  }
0x31: {  	[smem:$0x3FB6] =	sst s10  }
0x32: {  	s10 =	sld [smem:$0x3FB4];
	_ =	sdelay $0x3  }
0x33: {  	p0 =	seq.s32 s10, $0x1;
	s10 =	sld [smem:$0x3FB6];
	_ =	sdelay $0x3  }
0x34: {  	[smem:$0x3FB6] =	sst s10  }
0x35: {  	s10 =	sld [smem:$0x3FB5];
	_ =	sdelay $0x3  }
0x36: {  	p1 =	seq.s32 s10, $0x1;
	s10 =	sld [smem:$0x3FB6];
	_ =	sdelay $0x3  }
0x37: {  	[smem:$0x3FB6] =	sst s10  }
0x38: {  	s10 =	sld [smem:$0x3FB7]  }
0x39: {  	_ = 	snop;
	(pc) =	sbr.ind lr, $3  }
0x3a: {  	_ = 	snop  }
0x3b: {  	_ = 	snop  }
0x3c: {  	p2 =	seq.s32 s10, $0x1;
	s10 =	sld [smem:$0x3FB6]  }
0x3d: {  	_ =	shalt  }
0x3e: {  	_ =	shalt  }
0x3f: {  	_ =	shalt  }
0x40: {  	_ =	shalt  }
0x41: {  	_ =	shalt  }
0x42: {  	_ =	shalt  }
0x43: {  	_ =	shalt  }
0x44: {  	_ =	shalt  }
0x45: {  	_ =	shalt  }
0x46: {  	_ =	shalt  }
0x47: {  	_ =	shalt  }
0x48: {  	_ =	shalt  }
0x49: {  	_ =	shalt  }
0x4a: {  	_ =	shalt  }
0x4b: {  	_ =	shalt  }
0x4c: {  	_ =	shalt  }
0x4d: {  	_ =	shalt  }
0x4e: {  	_ =	shalt  }
0x4f: {  	_ =	shalt  }
0x50: {  	_ =	shalt  }
0x51: {  	_ =	shalt  }
0x52: {  	_ =	shalt  }
0x53: {  	_ =	shalt  }
0x54: {  	_ =	shalt  }
0x55: {  	_ =	shalt  }
0x56: {  	_ =	shalt  }
0x57: {  	_ =	shalt  }
0x58: {  	_ =	shalt  }
0x59: {  	_ =	shalt  }
0x5a: {  	_ =	shalt  }
0x5b: {  	_ =	shalt  }
0x5c: {  	_ =	shalt  }
0x5d: {  	_ =	shalt  }
0x5e: {  	_ =	shalt  }
0x5f: {  	_ =	shalt  }
0x60: {  	_ =	shalt  }
0x61: {  	_ =	shalt  }
0x62: {  	_ =	shalt  }
0x63: {  	_ =	shalt  }
0x64: {  	_ =	shalt  }
0x65: {  	_ =	shalt  }
0x66: {  	_ =	shalt  }
0x67: {  	_ =	shalt  }
0x68: {  	_ =	shalt  }
0x69: {  	_ =	shalt  }
0x6a: {  	_ =	shalt  }
0x6b: {  	_ =	shalt  }
0x6c: {  	_ =	shalt  }
0x6d: {  	_ =	shalt  }
0x6e: {  	_ =	shalt  }
0x6f: {  	_ =	shalt  }
0x70: {  	_ =	shalt  }
0x71: {  	_ =	shalt  }
0x72: {  	_ =	shalt  }
0x73: {  	_ =	shalt  }
0x74: {  	_ =	shalt  }
0x75: {  	_ =	shalt  }
0x76: {  	_ =	shalt  }
0x77: {  	_ =	shalt  }
0x78: {  	_ =	shalt  }
0x79: {  	_ =	shalt  }
0x7a: {  	_ =	shalt  }
0x7b: {  	_ =	shalt  }
0x7c: {  	_ =	shalt  }
0x7d: {  	_ =	shalt  }
0x7e: {  	_ =	shalt  }
0x7f: {  	_ =	shalt  }
0x80: {  	_ =	shalt  }
0x81: {  	_ =	shalt  }
0x82: {  	_ =	shalt  }
0x83: {  	_ =	shalt  }
0x84: {  	_ =	shalt  }
0x85: {  	_ =	shalt  }
0x86: {  	_ =	shalt  }
0x87: {  	_ =	shalt  }
.Lfunc_end0:
.L_simem_size_0:
called_computation.1_lowered:
.L_overlay_start_0:
0x88: {  	s2 =	sld [smem:$0x3FD9]  }
0x89: {  	s3 =	sld [smem:$0x3FFE];
	_ =	sdelay $0x1  }
0x8a: {  	s1 =	srdreg.scid  }
0x8b: {  	s0 =	sand.u32 $0x1, s1  }
0x8c: {  	s17 =	sshll.u32 s0, $0xA;
	s2 =	sadd.s32 s3, s2  }
0x8d: {  	s2 =	sadd.s32 s2, s17  }
0x8e: {  	[smem:$0x3FC2] =	sst s2  }
0x8f: {  	_ = 	snop  }
0x90: {  	s2 =	sld [smem:$0x3FD0];
	(tm) =	ssettm $0x1  }
0x91: {  	s18 =	sld [smem:$0x3FFB];
	_ =	sdelay $0x3  }
0x92: {  	_ =	strace s18  }
0x93: {  	s3 =	sld [smem:$0x3FFC];
	_ =	sdelay $0x3  }
0x94: {  	_ =	strace s3  }
0x95: {  	s3 =	sld [smem:$0x3FFD];
	_ =	sdelay $0x3  }
0x96: {  	_ =	strace s3  }
0x97: {  	_ =	strace $0x8FFFFFFF  }
0x98: {  	s19 =	sld [smem:$0x3FDB];
	_ =	sdelay $0x1  }
0x99: {  	s4 =	simm.s32 $_scs_section_size  }
0x9a: {  	s5 =	simm.s32 $_size__tile_overlayer_lowered;
	s6 =	simm.s32 $_tile_overlayer_lowered  }
0x9b: {  	s22 =	simm.s32 $0x1BFF;
	s21 =	sshll.u32 s6, $0x1;
	s3 =	sadd.s32 s4, s19  }
0x9c: {  	s7 =	simm.s32 $0x0;
	s20 =	sshll.u32 s5, $0x1;
	s5 =	sadd.s32 s21, s3  }
0x9d: {  	[timem:s7], [sflag:s22] =	dma.local [hbm:s5], s20  }
0x9e: {  	_ =	swait.ge [sflag:s22], s20  }
0x9f: {  	s4 =	ssub.s32 $0x0, s20;
	[sflag:s22] =	ssyncset.done $0x0  }
0xa0: {  	[sflag:s22] =	ssyncadd.s32 s4;
	_ =	sdelay $0x1  }
0xa1: {  	s23 =	simm.s32 $0x1B8B  }
0xa2: {  	_ =	swait.ge [sflag:s23], $0x1  }
0xa3: {  	[sflag:s23] =	ssyncset.done $0x0  }
0xa4: {  	s25 =	simm.s32 $0x1B8E;
	s24 =	sld [smem:$0x3FFE];
	[sflag:s23] =	ssyncadd.s32 $0xFFFFFFFF  }
0xa5: {  	s26 =	simm.s32 $execute0_lowered;
	[smem:$0x3FD2] =	sst s25  }
0xa6: {  	s5 =	sshll.u32 s26, $0x1;
	_ =	strace $0x80000049;
	[dreg:$0x1] =	wrdreg $0xFFFFFFFF  }
0xa7: {  	s28 =	simm.s32 $_size_execute0_lowered;
	s3 =	sadd.s32 s3, s5;
	[dreg:$0x0] =	wrdreg $0x0  }
0xa8: {  	s5 =	sshll.u32 s28, $0x1;
	[dreg:$0x2] =	wrdreg s3  }
0xa9: {  	[dreg:$0x3] =	wrdreg s5  }
0xaa: {  	[dreg:$0x4] =	wrdreg $0xC0  }
0xab: {  	_ =	task [dreg:s7], $0x5FFFF  }
0xac: {  	[dreg:$0x1] =	wrdreg $0xFFFFFFFF  }
0xad: {  	[dreg:$0x0] =	wrdreg $0x60  }
0xae: {  	[dreg:$0x2] =	wrdreg s24  }
0xaf: {  	[dreg:$0x3] =	wrdreg s2  }
0xb0: {  	[dreg:$0x4] =	wrdreg $0xAC000  }
0xb1: {  	[dreg:$0x5] =	wrdreg $0x9  }
0xb2: {  	_ =	task.clear_ibuf [dreg:s7], $0x6FFFF;
	_ =	strace $0x90000049  }
0xb3: {  	s29 =	simm.s32 $0x9;
	_ =	strace $0x8000004B  }
0xb4: {  	_ =	swait.ge [sflag:s29], $0x1  }
0xb5: {  	[sflag:s29] =	ssyncadd.s32 $0xFFFFFFFF  }
0xb6: {  	_ =	strace $0x9000004B  }
0xb7: {  	_ =	sfence  }
0xb8: {  	s30 =	sld [smem:$0x0];
	_ =	sdelay $0x2  }
0xb9: {  	s31 =	sshll.u32 s1, $0xD;
	s1 =	sshrl.u32 s1, $0x2  }
0xba: {  	s3 =	sand.u32 $0x4000, s31;
	s1 =	sadd.s32 s1, s30  }
0xbb: {  	s0 =	sor.u32 s3, s0;
	s1 =	sshll.u32 s1, $0x11  }
0xbc: {  	s0 =	sor.u32 s1, s0  }
0xbd: {  	s0 =	sadd.s32 $0x8F2B, s0  }
0xbe: {  	[sflag:s0] =	ssyncadd.remote.s32 $0x1  }
0xbf: {  	_ =	sfence.sel $0xFFFF  }
0xc0: {  	[dreg:$0x0] =	wrdreg $0xFFFFFFFF;
	(pc) =	sbr.abs _section_cstart, $3  }
0xc1: {  	[dreg:$0x1] =	wrdreg $0xFFFFFFFF  }
0xc2: {  	_ =	task.clear_ibuf [dreg:s7], $0x2FFFF;
	_ =	strace $0x9FFFFFFF  }
0xc3: {  	(tm) =	ssettm $0x7FFFFFFF  }
tec
execute0_lowered:
.L_overlay_start_1:
0x0: {  	(tag) =	ssettag $0x1  }
0x1: {  	s0 =	rddreg [dreg:$0x0]  }
0x2: {  	s1 =	rddreg [dreg:$0x1]  }
0x3: {  	s2 =	rddreg [dreg:$0x2];
	s4 =	simm.s32 $0x0;
	s3 =	srdreg.scid  }
0x4: {  	s9 =	stileid.u32;
	s17 =	simm.s32 $0x2800;
	s18 =	simm.s32 $0x3  }
0x5: {  	s19 =	simm.s32 $0x2C00;
	s28 =	simm.s32 $0x1;
	s29 =	simm.s32 $0x2  }
0x6: {  	s30 =	simm.s32 $0x1380;
	s31 =	simm.s32 $0x2700;
	[smem:$0x7FF] =	sst s4  }
0x7: {  	s3 =	sand.u32 $0x1, s3;
	s6 =	sadd.s32 $0x2600, s0;
	s7 =	smul.u32 $0x14000, s9  }
0x8: {  	s10 =	sadd.s32 $0xC600, s0;
	s8 =	sadd.s32 $0x17600, s0;
	s20 =	sshll.u32 s9, $0x1  }
0x9: {  	s9 =	sshll.u32 s9, $0x7;
	s5 =	smul.u32 $0x140000, s3;
	_ =	strace $0x8000004A  }
0xa: {  	[dreg:$0x4] =	wrdreg s8;
	s21 =	sor.u32 s3, s20;
	s3 =	ssub.s32 $0x2, s3  }
0xb: {  	s22 =	sadd.s32 s9, s0;
	s20 =	simm.s32 $0x80;
	s23 =	sshrl.u32 s3, $0x1  }
0xc: {  	s24 =	sadd.s32 $0x16E00, s22;
	s22 =	simm.s32 $0x2900;
	s5 =	sadd.s32 s7, s5  }
0xd: {  	s7 =	smul.u32 $0x2800, s21;
	s3 =	ssub.s32 s3, s23;
	[dreg:$0x5] =	wrdreg s24  }
0xe: {  	s21 =	simm.s32 $0x2880;
	s23 =	simm.s32 $0x2980;
	s24 =	simm.s32 $0x2A00  }
0xf: {  	s5 =	sshrl.u32 s5, $0x3;
	s16 =	smax.u32 s3, $0x1;
	s25 =	sshrl.u32 s7, $0x3  }
0x10: {  	s3 =	simm.s32 $0x0;
	s0 =	sadd.s32 s5, s0;
	s7 =	sadd.s32 s6, s25  }
0x11: {  	s26 =	sadd.s32 s10, s25;
	s5 =	sadd.s32 $0x280, s25;
	s11 =	sadd.s32 $0x17E00, s0  }
0x12: {  	s12 =	sadd.s32 $0x18600, s0;
	s13 =	sadd.s32 $0x18E00, s0;
	s14 =	sadd.s32 $0x19600, s0  }
0x13: {  	s15 =	sadd.s32 $0x19E00, s0;
	s25 =	simm.s32 $0x1400;
	[dreg:$0x6] =	wrdreg s7  }
0x14: {  	s0 =	simm.s32 $0x2780;
	[dreg:$0x7] =	wrdreg s26;
	s6 =	sadd.s32 s6, s5  }
0x15: {  	s10 =	sadd.s32 s10, s5;
	s26 =	simm.s32 $0x6C00;
	[dreg:$0x8] =	wrdreg s6  }
.LBB2_1:
0x16: {  	s5 =	rddreg [dreg:$0x5]  }
0x17: {  	[tilespmem:s17], [sflag:$0x3] =	stream.linear.gather [hbm4b:s5+s4], $0x280, $0x38;
	[tilespmem:$0x1EC00] =	vst v63  }
0x18: {  	_ =	swait.ge [sflag:s18], $0x280  }
0x19: {  	[sflag:s18] =	ssyncset.done $0x0  }
0x1a: {  	s7 =	rddreg [dreg:$0x4];
	[sflag:s18] =	ssyncadd.s32 $0xFFFFFD80  }
0x1b: {  	[tilespmem:s19], [sflag:$0x3] =	stream.linear.gather [hbm4b:s7+s4], $0x4000, $0x38;
	[tilespmem:$0x1EC00] =	vst v63  }
0x1c: {  	_ =	swait.ge [sflag:s18], $0x4000  }
0x1d: {  	[sflag:s18] =	ssyncset.done $0x0  }
0x1e: {  	[sflag:s18] =	ssyncadd.s32 $0xFFFFC000  }
0x1f: {  	[spmem:s2] =	stream.indirect.scatter [tilespmem:s19], [sflag:$0x3], $0x80, s17, s20, $0xb8;
	[tilespmem:$0x1EC00] =	vst v63  }
0x20: {  	_ =	swait.ge [sflag:s18], $0x4000  }
0x21: {  	[sflag:s18] =	ssyncset.done $0x0  }
0x22: {  	[sflag:s18] =	ssyncadd.s32 $0xFFFFC000  }
0x23: {  	[spmem:s2] =	stream.indirect.scatter [tilespmem:s19], [sflag:$0x3], $0x80, s21, s20, $0xb8;
	[tilespmem:$0x1EC00] =	vst v63  }
0x24: {  	_ =	swait.ge [sflag:s18], $0x4000  }
0x25: {  	[sflag:s18] =	ssyncset.done $0x0  }
0x26: {  	[sflag:s18] =	ssyncadd.s32 $0xFFFFC000  }
0x27: {  	[spmem:s2] =	stream.indirect.scatter [tilespmem:s19], [sflag:$0x3], $0x80, s22, s20, $0xb8;
	[tilespmem:$0x1EC00] =	vst v63  }
0x28: {  	_ =	swait.ge [sflag:s18], $0x4000  }
0x29: {  	[sflag:s18] =	ssyncset.done $0x0  }
0x2a: {  	[sflag:s18] =	ssyncadd.s32 $0xFFFFC000  }
0x2b: {  	[spmem:s2] =	stream.indirect.scatter [tilespmem:s19], [sflag:$0x3], $0x80, s23, s20, $0xb8;
	[tilespmem:$0x1EC00] =	vst v63  }
0x2c: {  	_ =	swait.ge [sflag:s18], $0x4000  }
0x2d: {  	[sflag:s18] =	ssyncset.done $0x0  }
0x2e: {  	[sflag:s18] =	ssyncadd.s32 $0xFFFFC000  }
0x2f: {  	[spmem:s2] =	stream.indirect.scatter [tilespmem:s19], [sflag:$0x3], $0x80, s24, s20, $0xb8;
	[tilespmem:$0x1EC00] =	vst v63  }
0x30: {  	_ =	swait.ge [sflag:s18], $0x4000  }
0x31: {  	[sflag:s18] =	ssyncset.done $0x0  }
0x32: {  	[sflag:s18] =	ssyncadd.s32 $0xFFFFC000  }
0x33: {  	[bflag:$0x0] =	sbarrier.arrive $0xFFFF  }
0x34: {  	s8 =	rddreg [dreg:$0x6]  }
0x35: {  	[tilespmem:s4], [sflag:$0x3] =	stream.linear.gather [hbm4b:s8+s4], $0x1400, $0x38;
	[tilespmem:$0x1EC00] =	vst v63  }
0x36: {  	_ =	swait.ge [sflag:s18], $0x1400  }
0x37: {  	[sflag:s18] =	ssyncset.done $0x0  }
0x38: {  	s9 =	rddreg [dreg:$0x7];
	[sflag:s18] =	ssyncadd.s32 $0xFFFFEC00  }
0x39: {  	[tilespmem:s25], [sflag:$0x3] =	stream.linear.gather [hbm4b:s9+s4], $0x1400, $0x38;
	[tilespmem:$0x1EC00] =	vst v63  }
0x3a: {  	_ =	swait.ge [sflag:s18], $0x1400  }
0x3b: {  	[sflag:s18] =	ssyncset.done $0x0  }
0x3c: {  	[sflag:s18] =	ssyncadd.s32 $0xFFFFEC00  }
0x3d: {  	[tilespmem:s19], [sflag:$0x1] =	stream.indirect.gather [hbm4b:s1+s20], $0x80, s4, s20, $0xb8;
	[tilespmem:$0x1EC00] =	vst v63  }
0x3e: {  	s6 =	simm.s32 $0x80  }
0x3f: {  	[tilespmem:s26], [sflag:$0x2] =	stream.indirect.gather [hbm4b:s1+s20], $0x80, s6, s20, $0xb8;
	[tilespmem:$0x1EC00] =	vst v63  }
0x40: {  	_ =	swait.ge [sflag:s28], $0x4000  }
0x41: {  	[sflag:s28] =	ssyncset.done $0x0  }
0x42: {  	s7 =	simm.s32 $0x1400;
	[sflag:s28] =	ssyncadd.s32 $0xFFFFC000  }
0x43: {  	[spmem:s2] =	stream.indirect.scatter.add.f32 [tilespmem:s19], [sflag:$0x3], $0x80, s7, s20, $0xb8;
	[tilespmem:$0x1EC00] =	vst v63  }
0x44: {  	_ =	swait.ge [sflag:s18], $0x4000  }
0x45: {  	[sflag:s18] =	ssyncset.done $0x0  }
0x46: {  	s8 =	simm.s32 $0x100;
	[sflag:s18] =	ssyncadd.s32 $0xFFFFC000  }
0x47: {  	[tilespmem:s19], [sflag:$0x1] =	stream.indirect.gather [hbm4b:s1+s20], $0x80, s8, s20, $0xb8;
	[tilespmem:$0x1EC00] =	vst v63  }
0x48: {  	_ =	swait.ge [sflag:s29], $0x4000  }
0x49: {  	[sflag:s29] =	ssyncset.done $0x0  }
0x4a: {  	s9 =	simm.s32 $0x1480;
	[sflag:s29] =	ssyncadd.s32 $0xFFFFC000  }
0x4b: {  	[spmem:s2] =	stream.indirect.scatter.add.f32 [tilespmem:s26], [sflag:$0x3], $0x80, s9, s20, $0xb8;
	[tilespmem:$0x1EC00] =	vst v63  }
0x4c: {  	_ =	swait.ge [sflag:s18], $0x4000  }
0x4d: {  	s5 =	simm.s32 $0x100;
	s6 =	simm.s32 $0x800;
	[sflag:s18] =	ssyncset.done $0x0  }
.LBB2_2:
0x4e: {  	s7 =	sadd.s32 $0x80, s5  }
0x4f: {  	[sflag:s18] =	ssyncadd.s32 $0xFFFFC000;
	s8 =	smov.u32 s6;
	s9 =	sadd.s32 $0x400, s6  }
0x50: {  	[tilespmem:s26], [sflag:$0x2] =	stream.indirect.gather [hbm4b:s1+s20], $0x80, s7, s20, $0xb8;
	[tilespmem:$0x1EC00] =	vst v63  }
0x51: {  	p0 =	sne.s32 s6, $0x4800;
	_ =	swait.ge [sflag:s28], $0x4000  }
0x52: {  	[sflag:s28] =	ssyncset.done $0x0  }
0x53: {  	s6 =	sadd.s32 $0x1400, s5;
	[sflag:s28] =	ssyncadd.s32 $0xFFFFC000  }
0x54: {  	[spmem:s2] =	stream.indirect.scatter.add.f32 [tilespmem:s19], [sflag:$0x3], $0x80, s6, s20, $0xb8;
	[tilespmem:$0x1EC00] =	vst v63  }
0x55: {  	_ =	swait.ge [sflag:s18], $0x4000  }
0x56: {  	[sflag:s18] =	ssyncset.done $0x0  }
0x57: {  	s6 =	sadd.s32 $0x100, s5;
	[sflag:s18] =	ssyncadd.s32 $0xFFFFC000  }
0x58: {  	[tilespmem:s19], [sflag:$0x1] =	stream.indirect.gather [hbm4b:s1+s20], $0x80, s6, s20, $0xb8;
	[tilespmem:$0x1EC00] =	vst v63  }
0x59: {  	_ =	swait.ge [sflag:s29], $0x4000  }
.Ltmp0:
0x5a: {  	[sflag:s29] =	ssyncset.done $0x0;
	(pc) =	sbr.rel @p0 .LBB2_2-.Ltmp0, $4  }
0x5b: {  	s5 =	sadd.s32 $0x1480, s5;
	[sflag:s29] =	ssyncadd.s32 $0xFFFFC000  }
0x5c: {  	[spmem:s2] =	stream.indirect.scatter.add.f32 [tilespmem:s26], [sflag:$0x3], $0x80, s5, s20, $0xb8;
	[tilespmem:$0x1EC00] =	vst v63  }
0x5d: {  	_ =	swait.ge [sflag:s18], $0x4000  }
0x5e: {  	s6 =	smov.u32 s9;
	s5 =	sshra.s32 s8, $0x2;
	[sflag:s18] =	ssyncset.done $0x0  }
0x5f: {  	s6 =	sadd.s32 $0x80, s5;
	[sflag:s18] =	ssyncadd.s32 $0xFFFFC000  }
0x60: {  	[tilespmem:s26], [sflag:$0x2] =	stream.indirect.gather [hbm4b:s1+s20], $0x80, s6, s20, $0xb8;
	[tilespmem:$0x1EC00] =	vst v63  }
0x61: {  	_ =	swait.ge [sflag:s28], $0x4000  }
0x62: {  	[sflag:s28] =	ssyncset.done $0x0  }
0x63: {  	s8 =	sadd.s32 $0x1400, s5;
	[sflag:s28] =	ssyncadd.s32 $0xFFFFC000  }
0x64: {  	[spmem:s2] =	stream.indirect.scatter.add.f32 [tilespmem:s19], [sflag:$0x3], $0x80, s8, s20, $0xb8;
	[tilespmem:$0x1EC00] =	vst v63  }
0x65: {  	_ =	swait.ge [sflag:s18], $0x4000  }
0x66: {  	[sflag:s18] =	ssyncset.done $0x0  }
0x67: {  	s9 =	sadd.s32 $0x100, s5;
	[sflag:s18] =	ssyncadd.s32 $0xFFFFC000  }
0x68: {  	[tilespmem:s19], [sflag:$0x1] =	stream.indirect.gather [hbm4b:s1+s20], $0x80, s9, s20, $0xb8;
	[tilespmem:$0x1EC00] =	vst v63  }
0x69: {  	_ =	swait.ge [sflag:s29], $0x4000  }
0x6a: {  	[sflag:s29] =	ssyncset.done $0x0  }
0x6b: {  	s7 =	sadd.s32 $0x1480, s5;
	[sflag:s29] =	ssyncadd.s32 $0xFFFFC000  }
0x6c: {  	[spmem:s2] =	stream.indirect.scatter.add.f32 [tilespmem:s26], [sflag:$0x3], $0x80, s7, s20, $0xb8;
	[tilespmem:$0x1EC00] =	vst v63  }
0x6d: {  	_ =	swait.ge [sflag:s18], $0x4000  }
0x6e: {  	[sflag:s18] =	ssyncset.done $0x0  }
0x6f: {  	[sflag:s18] =	ssyncadd.s32 $0xFFFFC000  }
0x70: {  	[tilespmem:s26], [sflag:$0x2] =	stream.indirect.gather [hbm4b:s1+s20], $0x80, s30, s20, $0xb8;
	[tilespmem:$0x1EC00] =	vst v63  }
0x71: {  	_ =	swait.ge [sflag:s28], $0x4000  }
0x72: {  	[sflag:s28] =	ssyncset.done $0x0  }
0x73: {  	[sflag:s28] =	ssyncadd.s32 $0xFFFFC000  }
0x74: {  	[spmem:s2] =	stream.indirect.scatter.add.f32 [tilespmem:s19], [sflag:$0x3], $0x80, s31, s20, $0xb8;
	[tilespmem:$0x1EC00] =	vst v63  }
0x75: {  	_ =	swait.ge [sflag:s18], $0x4000  }
0x76: {  	[sflag:s18] =	ssyncset.done $0x0  }
0x77: {  	[sflag:s18] =	ssyncadd.s32 $0xFFFFC000  }
0x78: {  	_ =	swait.ge [sflag:s29], $0x4000  }
0x79: {  	[sflag:s29] =	ssyncset.done $0x0  }
0x7a: {  	[sflag:s29] =	ssyncadd.s32 $0xFFFFC000  }
0x7b: {  	[spmem:s2] =	stream.indirect.scatter.add.f32 [tilespmem:s26], [sflag:$0x3], $0x80, s0, s20, $0xb8;
	[tilespmem:$0x1EC00] =	vst v63  }
0x7c: {  	_ =	swait.ge [sflag:s18], $0x4000  }
0x7d: {  	[sflag:s18] =	ssyncset.done $0x0  }
0x7e: {  	s8 =	simm.s32 $0x0;
	s9 =	rddreg [dreg:$0x8];
	[sflag:s18] =	ssyncadd.s32 $0xFFFFC000  }
0x7f: {  	[tilespmem:s8], [sflag:$0x3] =	stream.linear.gather [hbm4b:s9+s8], $0x1400, $0x38;
	[tilespmem:$0x1EC00] =	vst v63  }
0x80: {  	_ =	swait.ge [sflag:s18], $0x1400  }
0x81: {  	[sflag:s18] =	ssyncset.done $0x0  }
0x82: {  	[sflag:s18] =	ssyncadd.s32 $0xFFFFEC00  }
0x83: {  	[tilespmem:s25], [sflag:$0x3] =	stream.linear.gather [hbm4b:s10+s8], $0x1400, $0x38;
	[tilespmem:$0x1EC00] =	vst v63  }
0x84: {  	_ =	swait.ge [sflag:s18], $0x1400  }
0x85: {  	[sflag:s18] =	ssyncset.done $0x0  }
0x86: {  	[sflag:s18] =	ssyncadd.s32 $0xFFFFEC00  }
0x87: {  	[tilespmem:s19], [sflag:$0x1] =	stream.indirect.gather [hbm4b:s1+s20], $0x80, s8, s20, $0xb8;
	[tilespmem:$0x1EC00] =	vst v63  }
0x88: {  	s6 =	simm.s32 $0x80  }
0x89: {  	[tilespmem:s26], [sflag:$0x2] =	stream.indirect.gather [hbm4b:s1+s20], $0x80, s6, s20, $0xb8;
	[tilespmem:$0x1EC00] =	vst v63  }
0x8a: {  	_ =	swait.ge [sflag:s28], $0x4000  }
0x8b: {  	[sflag:s28] =	ssyncset.done $0x0  }
0x8c: {  	s7 =	simm.s32 $0x1400;
	[sflag:s28] =	ssyncadd.s32 $0xFFFFC000  }
0x8d: {  	[spmem:s2] =	stream.indirect.scatter.add.f32 [tilespmem:s19], [sflag:$0x3], $0x80, s7, s20, $0xb8;
	[tilespmem:$0x1EC00] =	vst v63  }
0x8e: {  	_ =	swait.ge [sflag:s18], $0x4000  }
0x8f: {  	[sflag:s18] =	ssyncset.done $0x0  }
0x90: {  	s8 =	simm.s32 $0x100;
	[sflag:s18] =	ssyncadd.s32 $0xFFFFC000  }
0x91: {  	[tilespmem:s19], [sflag:$0x1] =	stream.indirect.gather [hbm4b:s1+s20], $0x80, s8, s20, $0xb8;
	[tilespmem:$0x1EC00] =	vst v63  }
0x92: {  	_ =	swait.ge [sflag:s29], $0x4000  }
0x93: {  	[sflag:s29] =	ssyncset.done $0x0  }
0x94: {  	s9 =	simm.s32 $0x1480;
	[sflag:s29] =	ssyncadd.s32 $0xFFFFC000  }
0x95: {  	[spmem:s2] =	stream.indirect.scatter.add.f32 [tilespmem:s26], [sflag:$0x3], $0x80, s9, s20, $0xb8;
	[tilespmem:$0x1EC00] =	vst v63  }
0x96: {  	_ =	swait.ge [sflag:s18], $0x4000  }
0x97: {  	s5 =	simm.s32 $0x100;
	s6 =	simm.s32 $0x800;
	[sflag:s18] =	ssyncset.done $0x0  }
.LBB2_4:
0x98: {  	s7 =	sadd.s32 $0x80, s5  }
0x99: {  	[sflag:s18] =	ssyncadd.s32 $0xFFFFC000;
	s8 =	smov.u32 s6;
	s9 =	sadd.s32 $0x400, s6  }
0x9a: {  	[tilespmem:s26], [sflag:$0x2] =	stream.indirect.gather [hbm4b:s1+s20], $0x80, s7, s20, $0xb8;
	[tilespmem:$0x1EC00] =	vst v63  }
0x9b: {  	p0 =	sne.s32 s6, $0x4800;
	_ =	swait.ge [sflag:s28], $0x4000  }
0x9c: {  	[sflag:s28] =	ssyncset.done $0x0  }
0x9d: {  	s6 =	sadd.s32 $0x1400, s5;
	[sflag:s28] =	ssyncadd.s32 $0xFFFFC000  }
0x9e: {  	[spmem:s2] =	stream.indirect.scatter.add.f32 [tilespmem:s19], [sflag:$0x3], $0x80, s6, s20, $0xb8;
	[tilespmem:$0x1EC00] =	vst v63  }
0x9f: {  	_ =	swait.ge [sflag:s18], $0x4000  }
0xa0: {  	[sflag:s18] =	ssyncset.done $0x0  }
0xa1: {  	s6 =	sadd.s32 $0x100, s5;
	[sflag:s18] =	ssyncadd.s32 $0xFFFFC000  }
0xa2: {  	[tilespmem:s19], [sflag:$0x1] =	stream.indirect.gather [hbm4b:s1+s20], $0x80, s6, s20, $0xb8;
	[tilespmem:$0x1EC00] =	vst v63  }
0xa3: {  	_ =	swait.ge [sflag:s29], $0x4000  }
.Ltmp1:
0xa4: {  	[sflag:s29] =	ssyncset.done $0x0;
	(pc) =	sbr.rel @p0 .LBB2_4-.Ltmp1, $4  }
0xa5: {  	s5 =	sadd.s32 $0x1480, s5;
	[sflag:s29] =	ssyncadd.s32 $0xFFFFC000  }
0xa6: {  	[spmem:s2] =	stream.indirect.scatter.add.f32 [tilespmem:s26], [sflag:$0x3], $0x80, s5, s20, $0xb8;
	[tilespmem:$0x1EC00] =	vst v63  }
0xa7: {  	_ =	swait.ge [sflag:s18], $0x4000  }
0xa8: {  	s6 =	smov.u32 s9;
	s5 =	sshra.s32 s8, $0x2;
	[sflag:s18] =	ssyncset.done $0x0  }
0xa9: {  	s6 =	sadd.s32 $0x80, s5;
	[sflag:s18] =	ssyncadd.s32 $0xFFFFC000  }
0xaa: {  	[tilespmem:s26], [sflag:$0x2] =	stream.indirect.gather [hbm4b:s1+s20], $0x80, s6, s20, $0xb8;
	[tilespmem:$0x1EC00] =	vst v63  }
0xab: {  	_ =	swait.ge [sflag:s28], $0x4000  }
0xac: {  	[sflag:s28] =	ssyncset.done $0x0  }
0xad: {  	s7 =	sadd.s32 $0x1400, s5;
	[sflag:s28] =	ssyncadd.s32 $0xFFFFC000  }
0xae: {  	[spmem:s2] =	stream.indirect.scatter.add.f32 [tilespmem:s19], [sflag:$0x3], $0x80, s7, s20, $0xb8;
	[tilespmem:$0x1EC00] =	vst v63  }
0xaf: {  	_ =	swait.ge [sflag:s18], $0x4000  }
0xb0: {  	[sflag:s18] =	ssyncset.done $0x0  }
0xb1: {  	s8 =	sadd.s32 $0x100, s5;
	[sflag:s18] =	ssyncadd.s32 $0xFFFFC000  }
0xb2: {  	[tilespmem:s19], [sflag:$0x1] =	stream.indirect.gather [hbm4b:s1+s20], $0x80, s8, s20, $0xb8;
	[tilespmem:$0x1EC00] =	vst v63  }
0xb3: {  	_ =	swait.ge [sflag:s29], $0x4000  }
0xb4: {  	[sflag:s29] =	ssyncset.done $0x0  }
0xb5: {  	s9 =	sadd.s32 $0x1480, s5;
	[sflag:s29] =	ssyncadd.s32 $0xFFFFC000  }
0xb6: {  	[spmem:s2] =	stream.indirect.scatter.add.f32 [tilespmem:s26], [sflag:$0x3], $0x80, s9, s20, $0xb8;
	[tilespmem:$0x1EC00] =	vst v63  }
0xb7: {  	_ =	swait.ge [sflag:s18], $0x4000  }
0xb8: {  	[sflag:s18] =	ssyncset.done $0x0  }
0xb9: {  	[sflag:s18] =	ssyncadd.s32 $0xFFFFC000  }
0xba: {  	[tilespmem:s26], [sflag:$0x2] =	stream.indirect.gather [hbm4b:s1+s20], $0x80, s30, s20, $0xb8;
	[tilespmem:$0x1EC00] =	vst v63  }
0xbb: {  	_ =	swait.ge [sflag:s28], $0x4000  }
0xbc: {  	[sflag:s28] =	ssyncset.done $0x0  }
0xbd: {  	[sflag:s28] =	ssyncadd.s32 $0xFFFFC000  }
0xbe: {  	[spmem:s2] =	stream.indirect.scatter.add.f32 [tilespmem:s19], [sflag:$0x3], $0x80, s31, s20, $0xb8;
	[tilespmem:$0x1EC00] =	vst v63  }
0xbf: {  	_ =	swait.ge [sflag:s18], $0x4000  }
0xc0: {  	[sflag:s18] =	ssyncset.done $0x0  }
0xc1: {  	[sflag:s18] =	ssyncadd.s32 $0xFFFFC000  }
0xc2: {  	_ =	swait.ge [sflag:s29], $0x4000  }
0xc3: {  	[sflag:s29] =	ssyncset.done $0x0  }
0xc4: {  	[sflag:s29] =	ssyncadd.s32 $0xFFFFC000  }
0xc5: {  	[spmem:s2] =	stream.indirect.scatter.add.f32 [tilespmem:s26], [sflag:$0x3], $0x80, s0, s20, $0xb8;
	[tilespmem:$0x1EC00] =	vst v63  }
0xc6: {  	_ =	swait.ge [sflag:s18], $0x4000  }
0xc7: {  	[sflag:s18] =	ssyncset.done $0x0  }
0xc8: {  	[sflag:s18] =	ssyncadd.s32 $0xFFFFC000  }
0xc9: {  	[bflag:$0x0] =	sbarrier.arrive $0xFFFF  }
0xca: {  	[tilespmem:s19], [sflag:$0x1] =	stream.indirect.gather [spmem:s2], $0x80, s17, s20, $0xb8;
	[tilespmem:$0x1EC00] =	vst v63  }
0xcb: {  	_ =	swait.ge [sflag:s28], $0x4000  }
0xcc: {  	[sflag:s28] =	ssyncset.done $0x0  }
0xcd: {  	[sflag:s28] =	ssyncadd.s32 $0xFFFFC000  }
0xce: {  	[hbm4b:s11+s4] =	stream.linear.scatter [tilespmem:s19], [sflag:$0x3], $0x4000, $0x38;
	[tilespmem:$0x1EC00] =	vst v63  }
0xcf: {  	_ =	swait.ge [sflag:s18], $0x4000  }
0xd0: {  	[sflag:s18] =	ssyncset.done $0x0  }
0xd1: {  	[sflag:s18] =	ssyncadd.s32 $0xFFFFC000  }
0xd2: {  	[tilespmem:s26], [sflag:$0x2] =	stream.indirect.gather [spmem:s2], $0x80, s21, s20, $0xb8;
	[tilespmem:$0x1EC00] =	vst v63  }
0xd3: {  	_ =	swait.ge [sflag:s29], $0x4000  }
0xd4: {  	[sflag:s29] =	ssyncset.done $0x0  }
0xd5: {  	[sflag:s29] =	ssyncadd.s32 $0xFFFFC000  }
0xd6: {  	[hbm4b:s12+s4] =	stream.linear.scatter [tilespmem:s26], [sflag:$0x3], $0x4000, $0x38;
	[tilespmem:$0x1EC00] =	vst v63  }
0xd7: {  	_ =	swait.ge [sflag:s18], $0x4000  }
0xd8: {  	[sflag:s18] =	ssyncset.done $0x0  }
0xd9: {  	[sflag:s18] =	ssyncadd.s32 $0xFFFFC000  }
0xda: {  	[tilespmem:s19], [sflag:$0x1] =	stream.indirect.gather [spmem:s2], $0x80, s22, s20, $0xb8;
	[tilespmem:$0x1EC00] =	vst v63  }
0xdb: {  	_ =	swait.ge [sflag:s28], $0x4000  }
0xdc: {  	[sflag:s28] =	ssyncset.done $0x0  }
0xdd: {  	[sflag:s28] =	ssyncadd.s32 $0xFFFFC000  }
0xde: {  	[hbm4b:s13+s4] =	stream.linear.scatter [tilespmem:s19], [sflag:$0x3], $0x4000, $0x38;
	[tilespmem:$0x1EC00] =	vst v63  }
0xdf: {  	_ =	swait.ge [sflag:s18], $0x4000  }
0xe0: {  	[sflag:s18] =	ssyncset.done $0x0  }
0xe1: {  	[sflag:s18] =	ssyncadd.s32 $0xFFFFC000  }
0xe2: {  	[tilespmem:s26], [sflag:$0x2] =	stream.indirect.gather [spmem:s2], $0x80, s23, s20, $0xb8;
	[tilespmem:$0x1EC00] =	vst v63  }
0xe3: {  	_ =	swait.ge [sflag:s29], $0x4000  }
0xe4: {  	[sflag:s29] =	ssyncset.done $0x0  }
0xe5: {  	[sflag:s29] =	ssyncadd.s32 $0xFFFFC000  }
0xe6: {  	[hbm4b:s14+s4] =	stream.linear.scatter [tilespmem:s26], [sflag:$0x3], $0x4000, $0x38;
	[tilespmem:$0x1EC00] =	vst v63  }
0xe7: {  	_ =	swait.ge [sflag:s18], $0x4000  }
0xe8: {  	[sflag:s18] =	ssyncset.done $0x0  }
0xe9: {  	[sflag:s18] =	ssyncadd.s32 $0xFFFFC000  }
0xea: {  	[tilespmem:s19], [sflag:$0x1] =	stream.indirect.gather [spmem:s2], $0x80, s24, s20, $0xb8;
	[tilespmem:$0x1EC00] =	vst v63  }
0xeb: {  	s3 =	sadd.s32 $0x1, s3;
	_ =	swait.ge [sflag:s28], $0x4000  }
0xec: {  	p0 =	sne.s32 s3, s16;
	[sflag:s28] =	ssyncset.done $0x0  }
.Ltmp2:
0xed: {  	[sflag:s28] =	ssyncadd.s32 $0xFFFFC000;
	(pc) =	sbr.rel @p0 .LBB2_1-.Ltmp2, $4  }
0xee: {  	[hbm4b:s15+s4] =	stream.linear.scatter [tilespmem:s19], [sflag:$0x3], $0x4000, $0x38;
	[tilespmem:$0x1EC00] =	vst v63  }
0xef: {  	_ =	swait.ge [sflag:s18], $0x4000  }
0xf0: {  	[sflag:s18] =	ssyncset.done $0x0  }
0xf1: {  	[sflag:s18] =	ssyncadd.s32 $0xFFFFC000  }
0xf2: {  	_ =	sfence.sel $0x180000  }
0xf3: {  	[bflag:$0x0] =	sbarrier.arrive $0xFFFF  }
0xf4: {  	_ =	strace $0x9000004A  }
0xf5: {  	s0 =	stileid.u32;
	[bflag:$0x2] =	sbarrier.arrive $0xFFFF  }
0xf6: {  	p0 =	sne.s32 s0, $0x0;
	s0 =	rddreg [dreg:$0x3]  }
0xf7: {  	s0 =	sadd.s32 @!p0 $0x100000, s0  }
0xf8: {  	[sflag:s0] =	ssyncadd.tile.s32 @!p0 $0x1;
	_ =	shalt  }
.Lfunc_end2:
_tile_overlayer_lowered:
.L_overlay_start_2:
0xf9: {  	(tag) =	ssettag $0x2  }
0xfa: {  	s0 =	rddreg [dreg:$0x0];
	s2 =	stileid.u32  }
0xfb: {  	s1 =	rddreg [dreg:$0x1];
	p0 =	sne.s32 s2, $0x0  }
0xfc: {  	s3 =	rddreg [dreg:$0x2];
	[bflag:$0x3] =	sbarrier.arrive $0xFFFF;
	s2 =	simm.s32 @!p0 $0x1C03  }
0xfd: {  	[timem:s3], [sflag:s2] =	dma.local @!p0 [hbm:s0], s1  }
0xfe: {  	s0 =	simm.s32 @!p0 $0x3  }
0xff: {  	_ =	swait.ge @!p0 [sflag:s0], s1  }
0x100: {  	s1 =	ssub.s32 @!p0 $0x0, s1;
	[sflag:s0] =	ssyncset.done @!p0 $0x0  }
0x101: {  	[sflag:s0] =	ssyncadd.s32 @!p0 s1  }
0x102: {  	[bflag:$0x3] =	sbarrier.arrive $0xFFFF  }
0x103: {  	_ =	shalt  }

// kernel: kernel.14.cloned.1.call-start
scs
__scs_entry_jumppad:
0x0: {  	(pc) =	sbr.rel $0x88, $3  }
0x1: {  	(tag) =	ssettag $0x0;
	lr =	simm.s32 $0x1  }
0x2: {  	[smem:$0x3F9B] =	sst lr;
	_ =	strace $0xD0000000  }
0x3: {  	_ = 	snop  }
0x4: {  	_ = 	snop  }
0x5: {  	_ = 	snop  }
0x6: {  	_ = 	snop  }
0x7: {  	_ = 	snop  }
__scs_overlays_trampoline_lowered:
0x8: {  	[smem:$0x3FAA] =	sst s0  }
0x9: {  	[smem:$0x3FAB] =	sst s1  }
0xa: {  	[smem:$0x3FAC] =	sst s2  }
0xb: {  	[smem:$0x3FAD] =	sst s3  }
0xc: {  	[smem:$0x3FAE] =	sst s4  }
0xd: {  	[smem:$0x3FAF] =	sst s5  }
0xe: {  	[smem:$0x3FB0] =	sst s6  }
0xf: {  	[smem:$0x3FB1] =	sst s7  }
0x10: {  	[smem:$0x3FB2] =	sst s8  }
0x11: {  	[smem:$0x3FB3] =	sst s9;
	s0 =	simm.s32 @!p0 $0x0  }
0x12: {  	s1 =	sld [smem:$0x3F99];
	s0 =	simm.s32 @p0 $0x1  }
0x13: {  	[smem:$0x3FB4] =	sst s0;
	s0 =	simm.s32 @!p1 $0x0  }
0x14: {  	s2 =	sld [smem:$0x3F98];
	s0 =	simm.s32 @p1 $0x1  }
0x15: {  	[smem:$0x3FB5] =	sst s0;
	s0 =	simm.s32 @!p2 $0x0  }
0x16: {  	s3 =	sld [smem:$0x3FDB];
	s0 =	simm.s32 @p2 $0x1  }
0x17: {  	s4 =	simm.s32 $0x1BF5;
	[smem:$0x3FB7] =	sst s0  }
0x18: {  	s0 =	sld [smem:$0x3F9A];
	_ =	swait.ge [sflag:s4], $0x0  }
0x19: {  	s7 =	sld [smem:$0x3F9B]  }
0x1a: {  	s8 =	sadd.s32 $0xFFFFE003, lr  }
0x1b: {  	s9 =	sadd.s32 $0xFFFFFEF7, lr;
	s5 =	simm.s32 $0xFFFFFFFF;
	p2 =	slt.u32 s8, $0xFFFFF086  }
0x1c: {  	p1 =	slt.u32 s9, $0xF7A;
	s5 =	simm.s32 @!p2 $0x0  }
0x1d: {  	s5 =	simm.s32 @p1 $0x1;
	p0 =	seq.s32 s7, s2  }
0x1e: {  	s7 =	smul.u32 @!p0 $0xF7A, s2;
	p2 =	seq.s32 @!p0 s5, $0x0  }
0x1f: {  	s9 =	smul.u32 $0xF7A, s1;
	s8 =	simm.s32 @!p0 $0x1BF5;
	p2 =	por !p2, p0  }
0x20: {  	[sflag:s8] =	ssyncset.s32 @!p0 $0xFFFFF086;
	s6 =	sadd.s32 @!p0 s3, s7;
	s7 =	simm.s32 @!p0 $0x108  }
0x21: {  	s3 =	sadd.s32 s3, s9;
	s6 =	sadd.s32 @!p0 $0x88, s6;
	s7 =	simm.s32 @p2 $0x1082  }
0x22: {  	[simem:s7], [sflag:s8] =	dma.local @!p0 [hbm:s6], $0xF7A  }
0x23: {  	s9 =	sor.u32 $0xD0000000, s2;
	s6 =	simm.s32 $0x108;
	_ =	swait.ge @!p0 [sflag:s8], $0x0  }
0x24: {  	s3 =	sadd.s32 $0x88, s3;
	s6 =	simm.s32 @!p1 $0x1082;
	[sflag:s4] =	ssyncset.s32 $0xFFFFF086  }
0x25: {  	[simem:s6], [sflag:s4] =	dma.local [hbm:s3], $0xF7A  }
0x26: {  	[smem:$0x3F9B] =	sst s1;
	(tag) =	ssettag s2;
	_ =	strace s9  }
0x27: {  	s1 =	sld [smem:$0x3FAB]  }
0x28: {  	s2 =	sld [smem:$0x3FAC]  }
0x29: {  	s4 =	sld [smem:$0x3FAE]  }
0x2a: {  	p0 =	seq.s32 s5, $0x0;
	s5 =	sld [smem:$0x3FAF]  }
0x2b: {  	s6 =	sld [smem:$0x3FB0]  }
0x2c: {  	s7 =	sld [smem:$0x3FB1]  }
0x2d: {  	s3 =	simm.s32 $0x108;
	s8 =	sld [smem:$0x3FB2]  }
0x2e: {  	s3 =	simm.s32 @!p0 $0x1082;
	s9 =	sld [smem:$0x3FB3]  }
0x2f: {  	lr =	sadd.s32 s0, s3;
	s0 =	sld [smem:$0x3FAA]  }
0x30: {  	s3 =	sld [smem:$0x3FAD]  }
0x31: {  	[smem:$0x3FB6] =	sst s10  }
0x32: {  	s10 =	sld [smem:$0x3FB4];
	_ =	sdelay $0x3  }
0x33: {  	p0 =	seq.s32 s10, $0x1;
	s10 =	sld [smem:$0x3FB6];
	_ =	sdelay $0x3  }
0x34: {  	[smem:$0x3FB6] =	sst s10  }
0x35: {  	s10 =	sld [smem:$0x3FB5];
	_ =	sdelay $0x3  }
0x36: {  	p1 =	seq.s32 s10, $0x1;
	s10 =	sld [smem:$0x3FB6];
	_ =	sdelay $0x3  }
0x37: {  	[smem:$0x3FB6] =	sst s10  }
0x38: {  	s10 =	sld [smem:$0x3FB7]  }
0x39: {  	_ = 	snop;
	(pc) =	sbr.ind lr, $3  }
0x3a: {  	_ = 	snop  }
0x3b: {  	_ = 	snop  }
0x3c: {  	p2 =	seq.s32 s10, $0x1;
	s10 =	sld [smem:$0x3FB6]  }
0x3d: {  	_ =	shalt  }
0x3e: {  	_ =	shalt  }
0x3f: {  	_ =	shalt  }
0x40: {  	_ =	shalt  }
0x41: {  	_ =	shalt  }
0x42: {  	_ =	shalt  }
0x43: {  	_ =	shalt  }
0x44: {  	_ =	shalt  }
0x45: {  	_ =	shalt  }
0x46: {  	_ =	shalt  }
0x47: {  	_ =	shalt  }
0x48: {  	_ =	shalt  }
0x49: {  	_ =	shalt  }
0x4a: {  	_ =	shalt  }
0x4b: {  	_ =	shalt  }
0x4c: {  	_ =	shalt  }
0x4d: {  	_ =	shalt  }
0x4e: {  	_ =	shalt  }
0x4f: {  	_ =	shalt  }
0x50: {  	_ =	shalt  }
0x51: {  	_ =	shalt  }
0x52: {  	_ =	shalt  }
0x53: {  	_ =	shalt  }
0x54: {  	_ =	shalt  }
0x55: {  	_ =	shalt  }
0x56: {  	_ =	shalt  }
0x57: {  	_ =	shalt  }
0x58: {  	_ =	shalt  }
0x59: {  	_ =	shalt  }
0x5a: {  	_ =	shalt  }
0x5b: {  	_ =	shalt  }
0x5c: {  	_ =	shalt  }
0x5d: {  	_ =	shalt  }
0x5e: {  	_ =	shalt  }
0x5f: {  	_ =	shalt  }
0x60: {  	_ =	shalt  }
0x61: {  	_ =	shalt  }
0x62: {  	_ =	shalt  }
0x63: {  	_ =	shalt  }
0x64: {  	_ =	shalt  }
0x65: {  	_ =	shalt  }
0x66: {  	_ =	shalt  }
0x67: {  	_ =	shalt  }
0x68: {  	_ =	shalt  }
0x69: {  	_ =	shalt  }
0x6a: {  	_ =	shalt  }
0x6b: {  	_ =	shalt  }
0x6c: {  	_ =	shalt  }
0x6d: {  	_ =	shalt  }
0x6e: {  	_ =	shalt  }
0x6f: {  	_ =	shalt  }
0x70: {  	_ =	shalt  }
0x71: {  	_ =	shalt  }
0x72: {  	_ =	shalt  }
0x73: {  	_ =	shalt  }
0x74: {  	_ =	shalt  }
0x75: {  	_ =	shalt  }
0x76: {  	_ =	shalt  }
0x77: {  	_ =	shalt  }
0x78: {  	_ =	shalt  }
0x79: {  	_ =	shalt  }
0x7a: {  	_ =	shalt  }
0x7b: {  	_ =	shalt  }
0x7c: {  	_ =	shalt  }
0x7d: {  	_ =	shalt  }
0x7e: {  	_ =	shalt  }
0x7f: {  	_ =	shalt  }
0x80: {  	_ =	shalt  }
0x81: {  	_ =	shalt  }
0x82: {  	_ =	shalt  }
0x83: {  	_ =	shalt  }
0x84: {  	_ =	shalt  }
0x85: {  	_ =	shalt  }
0x86: {  	_ =	shalt  }
0x87: {  	_ =	shalt  }
.Lfunc_end0:
.L_simem_size_0:
called_computation.2_lowered:
.L_overlay_start_0:
0x88: {  	s2 =	sld [smem:$0x3FD9]  }
0x89: {  	s3 =	sld [smem:$0x3FFE];
	_ =	sdelay $0x1  }
0x8a: {  	s1 =	srdreg.scid  }
0x8b: {  	s0 =	sand.u32 $0x1, s1  }
0x8c: {  	s17 =	sshll.u32 s0, $0xA;
	s2 =	sadd.s32 s3, s2  }
0x8d: {  	s2 =	sadd.s32 s2, s17  }
0x8e: {  	[smem:$0x3FC2] =	sst s2  }
0x8f: {  	_ = 	snop  }
0x90: {  	s2 =	sld [smem:$0x3FD0];
	(tm) =	ssettm $0x1  }
0x91: {  	s18 =	sld [smem:$0x3FFB];
	_ =	sdelay $0x3  }
0x92: {  	_ =	strace s18  }
0x93: {  	s3 =	sld [smem:$0x3FFC];
	_ =	sdelay $0x3  }
0x94: {  	_ =	strace s3  }
0x95: {  	s3 =	sld [smem:$0x3FFD];
	_ =	sdelay $0x3  }
0x96: {  	_ =	strace s3  }
0x97: {  	_ =	strace $0x8FFFFFFF  }
0x98: {  	s19 =	sld [smem:$0x3FDB];
	_ =	sdelay $0x1  }
0x99: {  	s4 =	simm.s32 $_scs_section_size  }
0x9a: {  	s5 =	simm.s32 $_size__tile_overlayer_lowered;
	s6 =	simm.s32 $_tile_overlayer_lowered  }
0x9b: {  	s22 =	simm.s32 $0x1BFF;
	s21 =	sshll.u32 s6, $0x1;
	s3 =	sadd.s32 s4, s19  }
0x9c: {  	s7 =	simm.s32 $0x0;
	s20 =	sshll.u32 s5, $0x1;
	s5 =	sadd.s32 s21, s3  }
0x9d: {  	[timem:s7], [sflag:s22] =	dma.local [hbm:s5], s20  }
0x9e: {  	_ =	swait.ge [sflag:s22], s20  }
0x9f: {  	s4 =	ssub.s32 $0x0, s20;
	[sflag:s22] =	ssyncset.done $0x0  }
0xa0: {  	[sflag:s22] =	ssyncadd.s32 s4;
	_ =	sdelay $0x1  }
0xa1: {  	s23 =	simm.s32 $0x1B8B  }
0xa2: {  	_ =	swait.ge [sflag:s23], $0x1  }
0xa3: {  	[sflag:s23] =	ssyncset.done $0x0  }
0xa4: {  	s25 =	simm.s32 $0x1B8E;
	s24 =	sld [smem:$0x3FFE];
	[sflag:s23] =	ssyncadd.s32 $0xFFFFFFFF  }
0xa5: {  	s26 =	simm.s32 $execute0_lowered;
	[smem:$0x3FD2] =	sst s25  }
0xa6: {  	s5 =	sshll.u32 s26, $0x1;
	_ =	strace $0x8000004C;
	[dreg:$0x1] =	wrdreg $0xFFFFFFFF  }
0xa7: {  	s28 =	simm.s32 $_size_execute0_lowered;
	s3 =	sadd.s32 s3, s5;
	[dreg:$0x0] =	wrdreg $0x0  }
0xa8: {  	s5 =	sshll.u32 s28, $0x1;
	[dreg:$0x2] =	wrdreg s3  }
0xa9: {  	[dreg:$0x3] =	wrdreg s5  }
0xaa: {  	[dreg:$0x4] =	wrdreg $0xC0  }
0xab: {  	_ =	task [dreg:s7], $0x5FFFF  }
0xac: {  	[dreg:$0x1] =	wrdreg $0xFFFFFFFF  }
0xad: {  	[dreg:$0x0] =	wrdreg $0x60  }
0xae: {  	[dreg:$0x2] =	wrdreg s24  }
0xaf: {  	[dreg:$0x3] =	wrdreg s2  }
0xb0: {  	[dreg:$0x4] =	wrdreg $0xAC000  }
0xb1: {  	[dreg:$0x5] =	wrdreg $0x9  }
0xb2: {  	_ =	task.clear_ibuf [dreg:s7], $0x6FFFF;
	_ =	strace $0x9000004C  }
0xb3: {  	s29 =	simm.s32 $0x9;
	_ =	strace $0x8000004E  }
0xb4: {  	_ =	swait.ge [sflag:s29], $0x1  }
0xb5: {  	[sflag:s29] =	ssyncadd.s32 $0xFFFFFFFF  }
0xb6: {  	_ =	strace $0x9000004E  }
0xb7: {  	_ =	sfence  }
0xb8: {  	s30 =	sld [smem:$0x0];
	_ =	sdelay $0x2  }
0xb9: {  	s31 =	sshll.u32 s1, $0xD;
	s1 =	sshrl.u32 s1, $0x2  }
0xba: {  	s3 =	sand.u32 $0x4000, s31;
	s1 =	sadd.s32 s1, s30  }
0xbb: {  	s0 =	sor.u32 s3, s0;
	s1 =	sshll.u32 s1, $0x11  }
0xbc: {  	s0 =	sor.u32 s1, s0  }
0xbd: {  	s0 =	sadd.s32 $0x8F2B, s0  }
0xbe: {  	[sflag:s0] =	ssyncadd.remote.s32 $0x1  }
0xbf: {  	_ =	sfence.sel $0xFFFF  }
0xc0: {  	[dreg:$0x0] =	wrdreg $0xFFFFFFFF;
	(pc) =	sbr.abs _section_cstart, $3  }
0xc1: {  	[dreg:$0x1] =	wrdreg $0xFFFFFFFF  }
0xc2: {  	_ =	task.clear_ibuf [dreg:s7], $0x2FFFF;
	_ =	strace $0x9FFFFFFF  }
0xc3: {  	(tm) =	ssettm $0x7FFFFFFF  }
tec
execute0_lowered:
.L_overlay_start_1:
0x0: {  	(tag) =	ssettag $0x1  }
0x1: {  	s0 =	rddreg [dreg:$0x0]  }
0x2: {  	s1 =	rddreg [dreg:$0x1]  }
0x3: {  	s2 =	rddreg [dreg:$0x2];
	s4 =	simm.s32 $0x0;
	s3 =	srdreg.scid  }
0x4: {  	s9 =	stileid.u32;
	s17 =	simm.s32 $0x2800;
	s18 =	simm.s32 $0x3  }
0x5: {  	s19 =	simm.s32 $0x2C00;
	s28 =	simm.s32 $0x1;
	s29 =	simm.s32 $0x2  }
0x6: {  	s30 =	simm.s32 $0x1380;
	s31 =	simm.s32 $0x2700;
	[smem:$0x7FF] =	sst s4  }
0x7: {  	s3 =	sand.u32 $0x1, s3;
	s6 =	sadd.s32 $0x2600, s0;
	s7 =	smul.u32 $0x14000, s9  }
0x8: {  	s10 =	sadd.s32 $0xC600, s0;
	s8 =	sadd.s32 $0x17600, s0;
	s20 =	sshll.u32 s9, $0x1  }
0x9: {  	s9 =	sshll.u32 s9, $0x7;
	s5 =	smul.u32 $0x140000, s3;
	_ =	strace $0x8000004D  }
0xa: {  	[dreg:$0x4] =	wrdreg s8;
	s21 =	sor.u32 s3, s20;
	s3 =	ssub.s32 $0x2, s3  }
0xb: {  	s22 =	sadd.s32 s9, s0;
	s20 =	simm.s32 $0x80;
	s23 =	sshrl.u32 s3, $0x1  }
0xc: {  	s24 =	sadd.s32 $0x16E00, s22;
	s22 =	simm.s32 $0x2900;
	s5 =	sadd.s32 s7, s5  }
0xd: {  	s7 =	smul.u32 $0x2800, s21;
	s3 =	ssub.s32 s3, s23;
	[dreg:$0x5] =	wrdreg s24  }
0xe: {  	s21 =	simm.s32 $0x2880;
	s23 =	simm.s32 $0x2980;
	s24 =	simm.s32 $0x2A00  }
0xf: {  	s5 =	sshrl.u32 s5, $0x3;
	s16 =	smax.u32 s3, $0x1;
	s25 =	sshrl.u32 s7, $0x3  }
0x10: {  	s3 =	simm.s32 $0x0;
	s0 =	sadd.s32 s5, s0;
	s7 =	sadd.s32 s6, s25  }
0x11: {  	s26 =	sadd.s32 s10, s25;
	s5 =	sadd.s32 $0x280, s25;
	s11 =	sadd.s32 $0x17E00, s0  }
0x12: {  	s12 =	sadd.s32 $0x18600, s0;
	s13 =	sadd.s32 $0x18E00, s0;
	s14 =	sadd.s32 $0x19600, s0  }
0x13: {  	s15 =	sadd.s32 $0x19E00, s0;
	s25 =	simm.s32 $0x1400;
	[dreg:$0x6] =	wrdreg s7  }
0x14: {  	s0 =	simm.s32 $0x2780;
	[dreg:$0x7] =	wrdreg s26;
	s6 =	sadd.s32 s6, s5  }
0x15: {  	s10 =	sadd.s32 s10, s5;
	s26 =	simm.s32 $0x6C00;
	[dreg:$0x8] =	wrdreg s6  }
.LBB2_1:
0x16: {  	s5 =	rddreg [dreg:$0x5]  }
0x17: {  	[tilespmem:s17], [sflag:$0x3] =	stream.linear.gather [hbm4b:s5+s4], $0x280, $0x38;
	[tilespmem:$0x1EC00] =	vst v63  }
0x18: {  	_ =	swait.ge [sflag:s18], $0x280  }
0x19: {  	[sflag:s18] =	ssyncset.done $0x0  }
0x1a: {  	s7 =	rddreg [dreg:$0x4];
	[sflag:s18] =	ssyncadd.s32 $0xFFFFFD80  }
0x1b: {  	[tilespmem:s19], [sflag:$0x3] =	stream.linear.gather [hbm4b:s7+s4], $0x4000, $0x38;
	[tilespmem:$0x1EC00] =	vst v63  }
0x1c: {  	_ =	swait.ge [sflag:s18], $0x4000  }
0x1d: {  	[sflag:s18] =	ssyncset.done $0x0  }
0x1e: {  	[sflag:s18] =	ssyncadd.s32 $0xFFFFC000  }
0x1f: {  	[spmem:s2] =	stream.indirect.scatter [tilespmem:s19], [sflag:$0x3], $0x80, s17, s20, $0xb8;
	[tilespmem:$0x1EC00] =	vst v63  }
0x20: {  	_ =	swait.ge [sflag:s18], $0x4000  }
0x21: {  	[sflag:s18] =	ssyncset.done $0x0  }
0x22: {  	[sflag:s18] =	ssyncadd.s32 $0xFFFFC000  }
0x23: {  	[spmem:s2] =	stream.indirect.scatter [tilespmem:s19], [sflag:$0x3], $0x80, s21, s20, $0xb8;
	[tilespmem:$0x1EC00] =	vst v63  }
0x24: {  	_ =	swait.ge [sflag:s18], $0x4000  }
0x25: {  	[sflag:s18] =	ssyncset.done $0x0  }
0x26: {  	[sflag:s18] =	ssyncadd.s32 $0xFFFFC000  }
0x27: {  	[spmem:s2] =	stream.indirect.scatter [tilespmem:s19], [sflag:$0x3], $0x80, s22, s20, $0xb8;
	[tilespmem:$0x1EC00] =	vst v63  }
0x28: {  	_ =	swait.ge [sflag:s18], $0x4000  }
0x29: {  	[sflag:s18] =	ssyncset.done $0x0  }
0x2a: {  	[sflag:s18] =	ssyncadd.s32 $0xFFFFC000  }
0x2b: {  	[spmem:s2] =	stream.indirect.scatter [tilespmem:s19], [sflag:$0x3], $0x80, s23, s20, $0xb8;
	[tilespmem:$0x1EC00] =	vst v63  }
0x2c: {  	_ =	swait.ge [sflag:s18], $0x4000  }
0x2d: {  	[sflag:s18] =	ssyncset.done $0x0  }
0x2e: {  	[sflag:s18] =	ssyncadd.s32 $0xFFFFC000  }
0x2f: {  	[spmem:s2] =	stream.indirect.scatter [tilespmem:s19], [sflag:$0x3], $0x80, s24, s20, $0xb8;
	[tilespmem:$0x1EC00] =	vst v63  }
0x30: {  	_ =	swait.ge [sflag:s18], $0x4000  }
0x31: {  	[sflag:s18] =	ssyncset.done $0x0  }
0x32: {  	[sflag:s18] =	ssyncadd.s32 $0xFFFFC000  }
0x33: {  	[bflag:$0x0] =	sbarrier.arrive $0xFFFF  }
0x34: {  	s8 =	rddreg [dreg:$0x6]  }
0x35: {  	[tilespmem:s4], [sflag:$0x3] =	stream.linear.gather [hbm4b:s8+s4], $0x1400, $0x38;
	[tilespmem:$0x1EC00] =	vst v63  }
0x36: {  	_ =	swait.ge [sflag:s18], $0x1400  }
0x37: {  	[sflag:s18] =	ssyncset.done $0x0  }
0x38: {  	s9 =	rddreg [dreg:$0x7];
	[sflag:s18] =	ssyncadd.s32 $0xFFFFEC00  }
0x39: {  	[tilespmem:s25], [sflag:$0x3] =	stream.linear.gather [hbm4b:s9+s4], $0x1400, $0x38;
	[tilespmem:$0x1EC00] =	vst v63  }
0x3a: {  	_ =	swait.ge [sflag:s18], $0x1400  }
0x3b: {  	[sflag:s18] =	ssyncset.done $0x0  }
0x3c: {  	[sflag:s18] =	ssyncadd.s32 $0xFFFFEC00  }
0x3d: {  	[tilespmem:s19], [sflag:$0x1] =	stream.indirect.gather [hbm4b:s1+s20], $0x80, s4, s20, $0xb8;
	[tilespmem:$0x1EC00] =	vst v63  }
0x3e: {  	s6 =	simm.s32 $0x80  }
0x3f: {  	[tilespmem:s26], [sflag:$0x2] =	stream.indirect.gather [hbm4b:s1+s20], $0x80, s6, s20, $0xb8;
	[tilespmem:$0x1EC00] =	vst v63  }
0x40: {  	_ =	swait.ge [sflag:s28], $0x4000  }
0x41: {  	[sflag:s28] =	ssyncset.done $0x0  }
0x42: {  	s7 =	simm.s32 $0x1400;
	[sflag:s28] =	ssyncadd.s32 $0xFFFFC000  }
0x43: {  	[spmem:s2] =	stream.indirect.scatter.add.f32 [tilespmem:s19], [sflag:$0x3], $0x80, s7, s20, $0xb8;
	[tilespmem:$0x1EC00] =	vst v63  }
0x44: {  	_ =	swait.ge [sflag:s18], $0x4000  }
0x45: {  	[sflag:s18] =	ssyncset.done $0x0  }
0x46: {  	s8 =	simm.s32 $0x100;
	[sflag:s18] =	ssyncadd.s32 $0xFFFFC000  }
0x47: {  	[tilespmem:s19], [sflag:$0x1] =	stream.indirect.gather [hbm4b:s1+s20], $0x80, s8, s20, $0xb8;
	[tilespmem:$0x1EC00] =	vst v63  }
0x48: {  	_ =	swait.ge [sflag:s29], $0x4000  }
0x49: {  	[sflag:s29] =	ssyncset.done $0x0  }
0x4a: {  	s9 =	simm.s32 $0x1480;
	[sflag:s29] =	ssyncadd.s32 $0xFFFFC000  }
0x4b: {  	[spmem:s2] =	stream.indirect.scatter.add.f32 [tilespmem:s26], [sflag:$0x3], $0x80, s9, s20, $0xb8;
	[tilespmem:$0x1EC00] =	vst v63  }
0x4c: {  	_ =	swait.ge [sflag:s18], $0x4000  }
0x4d: {  	s5 =	simm.s32 $0x100;
	s6 =	simm.s32 $0x800;
	[sflag:s18] =	ssyncset.done $0x0  }
.LBB2_2:
0x4e: {  	s7 =	sadd.s32 $0x80, s5  }
0x4f: {  	[sflag:s18] =	ssyncadd.s32 $0xFFFFC000;
	s8 =	smov.u32 s6;
	s9 =	sadd.s32 $0x400, s6  }
0x50: {  	[tilespmem:s26], [sflag:$0x2] =	stream.indirect.gather [hbm4b:s1+s20], $0x80, s7, s20, $0xb8;
	[tilespmem:$0x1EC00] =	vst v63  }
0x51: {  	p0 =	sne.s32 s6, $0x4800;
	_ =	swait.ge [sflag:s28], $0x4000  }
0x52: {  	[sflag:s28] =	ssyncset.done $0x0  }
0x53: {  	s6 =	sadd.s32 $0x1400, s5;
	[sflag:s28] =	ssyncadd.s32 $0xFFFFC000  }
0x54: {  	[spmem:s2] =	stream.indirect.scatter.add.f32 [tilespmem:s19], [sflag:$0x3], $0x80, s6, s20, $0xb8;
	[tilespmem:$0x1EC00] =	vst v63  }
0x55: {  	_ =	swait.ge [sflag:s18], $0x4000  }
0x56: {  	[sflag:s18] =	ssyncset.done $0x0  }
0x57: {  	s6 =	sadd.s32 $0x100, s5;
	[sflag:s18] =	ssyncadd.s32 $0xFFFFC000  }
0x58: {  	[tilespmem:s19], [sflag:$0x1] =	stream.indirect.gather [hbm4b:s1+s20], $0x80, s6, s20, $0xb8;
	[tilespmem:$0x1EC00] =	vst v63  }
0x59: {  	_ =	swait.ge [sflag:s29], $0x4000  }
.Ltmp0:
0x5a: {  	[sflag:s29] =	ssyncset.done $0x0;
	(pc) =	sbr.rel @p0 .LBB2_2-.Ltmp0, $4  }
0x5b: {  	s5 =	sadd.s32 $0x1480, s5;
	[sflag:s29] =	ssyncadd.s32 $0xFFFFC000  }
0x5c: {  	[spmem:s2] =	stream.indirect.scatter.add.f32 [tilespmem:s26], [sflag:$0x3], $0x80, s5, s20, $0xb8;
	[tilespmem:$0x1EC00] =	vst v63  }
0x5d: {  	_ =	swait.ge [sflag:s18], $0x4000  }
0x5e: {  	s6 =	smov.u32 s9;
	s5 =	sshra.s32 s8, $0x2;
	[sflag:s18] =	ssyncset.done $0x0  }
0x5f: {  	s6 =	sadd.s32 $0x80, s5;
	[sflag:s18] =	ssyncadd.s32 $0xFFFFC000  }
0x60: {  	[tilespmem:s26], [sflag:$0x2] =	stream.indirect.gather [hbm4b:s1+s20], $0x80, s6, s20, $0xb8;
	[tilespmem:$0x1EC00] =	vst v63  }
0x61: {  	_ =	swait.ge [sflag:s28], $0x4000  }
0x62: {  	[sflag:s28] =	ssyncset.done $0x0  }
0x63: {  	s8 =	sadd.s32 $0x1400, s5;
	[sflag:s28] =	ssyncadd.s32 $0xFFFFC000  }
0x64: {  	[spmem:s2] =	stream.indirect.scatter.add.f32 [tilespmem:s19], [sflag:$0x3], $0x80, s8, s20, $0xb8;
	[tilespmem:$0x1EC00] =	vst v63  }
0x65: {  	_ =	swait.ge [sflag:s18], $0x4000  }
0x66: {  	[sflag:s18] =	ssyncset.done $0x0  }
0x67: {  	s9 =	sadd.s32 $0x100, s5;
	[sflag:s18] =	ssyncadd.s32 $0xFFFFC000  }
0x68: {  	[tilespmem:s19], [sflag:$0x1] =	stream.indirect.gather [hbm4b:s1+s20], $0x80, s9, s20, $0xb8;
	[tilespmem:$0x1EC00] =	vst v63  }
0x69: {  	_ =	swait.ge [sflag:s29], $0x4000  }
0x6a: {  	[sflag:s29] =	ssyncset.done $0x0  }
0x6b: {  	s7 =	sadd.s32 $0x1480, s5;
	[sflag:s29] =	ssyncadd.s32 $0xFFFFC000  }
0x6c: {  	[spmem:s2] =	stream.indirect.scatter.add.f32 [tilespmem:s26], [sflag:$0x3], $0x80, s7, s20, $0xb8;
	[tilespmem:$0x1EC00] =	vst v63  }
0x6d: {  	_ =	swait.ge [sflag:s18], $0x4000  }
0x6e: {  	[sflag:s18] =	ssyncset.done $0x0  }
0x6f: {  	[sflag:s18] =	ssyncadd.s32 $0xFFFFC000  }
0x70: {  	[tilespmem:s26], [sflag:$0x2] =	stream.indirect.gather [hbm4b:s1+s20], $0x80, s30, s20, $0xb8;
	[tilespmem:$0x1EC00] =	vst v63  }
0x71: {  	_ =	swait.ge [sflag:s28], $0x4000  }
0x72: {  	[sflag:s28] =	ssyncset.done $0x0  }
0x73: {  	[sflag:s28] =	ssyncadd.s32 $0xFFFFC000  }
0x74: {  	[spmem:s2] =	stream.indirect.scatter.add.f32 [tilespmem:s19], [sflag:$0x3], $0x80, s31, s20, $0xb8;
	[tilespmem:$0x1EC00] =	vst v63  }
0x75: {  	_ =	swait.ge [sflag:s18], $0x4000  }
0x76: {  	[sflag:s18] =	ssyncset.done $0x0  }
0x77: {  	[sflag:s18] =	ssyncadd.s32 $0xFFFFC000  }
0x78: {  	_ =	swait.ge [sflag:s29], $0x4000  }
0x79: {  	[sflag:s29] =	ssyncset.done $0x0  }
0x7a: {  	[sflag:s29] =	ssyncadd.s32 $0xFFFFC000  }
0x7b: {  	[spmem:s2] =	stream.indirect.scatter.add.f32 [tilespmem:s26], [sflag:$0x3], $0x80, s0, s20, $0xb8;
	[tilespmem:$0x1EC00] =	vst v63  }
0x7c: {  	_ =	swait.ge [sflag:s18], $0x4000  }
0x7d: {  	[sflag:s18] =	ssyncset.done $0x0  }
0x7e: {  	s8 =	simm.s32 $0x0;
	s9 =	rddreg [dreg:$0x8];
	[sflag:s18] =	ssyncadd.s32 $0xFFFFC000  }
0x7f: {  	[tilespmem:s8], [sflag:$0x3] =	stream.linear.gather [hbm4b:s9+s8], $0x1400, $0x38;
	[tilespmem:$0x1EC00] =	vst v63  }
0x80: {  	_ =	swait.ge [sflag:s18], $0x1400  }
0x81: {  	[sflag:s18] =	ssyncset.done $0x0  }
0x82: {  	[sflag:s18] =	ssyncadd.s32 $0xFFFFEC00  }
0x83: {  	[tilespmem:s25], [sflag:$0x3] =	stream.linear.gather [hbm4b:s10+s8], $0x1400, $0x38;
	[tilespmem:$0x1EC00] =	vst v63  }
0x84: {  	_ =	swait.ge [sflag:s18], $0x1400  }
0x85: {  	[sflag:s18] =	ssyncset.done $0x0  }
0x86: {  	[sflag:s18] =	ssyncadd.s32 $0xFFFFEC00  }
0x87: {  	[tilespmem:s19], [sflag:$0x1] =	stream.indirect.gather [hbm4b:s1+s20], $0x80, s8, s20, $0xb8;
	[tilespmem:$0x1EC00] =	vst v63  }
0x88: {  	s6 =	simm.s32 $0x80  }
0x89: {  	[tilespmem:s26], [sflag:$0x2] =	stream.indirect.gather [hbm4b:s1+s20], $0x80, s6, s20, $0xb8;
	[tilespmem:$0x1EC00] =	vst v63  }
0x8a: {  	_ =	swait.ge [sflag:s28], $0x4000  }
0x8b: {  	[sflag:s28] =	ssyncset.done $0x0  }
0x8c: {  	s7 =	simm.s32 $0x1400;
	[sflag:s28] =	ssyncadd.s32 $0xFFFFC000  }
0x8d: {  	[spmem:s2] =	stream.indirect.scatter.add.f32 [tilespmem:s19], [sflag:$0x3], $0x80, s7, s20, $0xb8;
	[tilespmem:$0x1EC00] =	vst v63  }
0x8e: {  	_ =	swait.ge [sflag:s18], $0x4000  }
0x8f: {  	[sflag:s18] =	ssyncset.done $0x0  }
0x90: {  	s8 =	simm.s32 $0x100;
	[sflag:s18] =	ssyncadd.s32 $0xFFFFC000  }
0x91: {  	[tilespmem:s19], [sflag:$0x1] =	stream.indirect.gather [hbm4b:s1+s20], $0x80, s8, s20, $0xb8;
	[tilespmem:$0x1EC00] =	vst v63  }
0x92: {  	_ =	swait.ge [sflag:s29], $0x4000  }
0x93: {  	[sflag:s29] =	ssyncset.done $0x0  }
0x94: {  	s9 =	simm.s32 $0x1480;
	[sflag:s29] =	ssyncadd.s32 $0xFFFFC000  }
0x95: {  	[spmem:s2] =	stream.indirect.scatter.add.f32 [tilespmem:s26], [sflag:$0x3], $0x80, s9, s20, $0xb8;
	[tilespmem:$0x1EC00] =	vst v63  }
0x96: {  	_ =	swait.ge [sflag:s18], $0x4000  }
0x97: {  	s5 =	simm.s32 $0x100;
	s6 =	simm.s32 $0x800;
	[sflag:s18] =	ssyncset.done $0x0  }
.LBB2_4:
0x98: {  	s7 =	sadd.s32 $0x80, s5  }
0x99: {  	[sflag:s18] =	ssyncadd.s32 $0xFFFFC000;
	s8 =	smov.u32 s6;
	s9 =	sadd.s32 $0x400, s6  }
0x9a: {  	[tilespmem:s26], [sflag:$0x2] =	stream.indirect.gather [hbm4b:s1+s20], $0x80, s7, s20, $0xb8;
	[tilespmem:$0x1EC00] =	vst v63  }
0x9b: {  	p0 =	sne.s32 s6, $0x4800;
	_ =	swait.ge [sflag:s28], $0x4000  }
0x9c: {  	[sflag:s28] =	ssyncset.done $0x0  }
0x9d: {  	s6 =	sadd.s32 $0x1400, s5;
	[sflag:s28] =	ssyncadd.s32 $0xFFFFC000  }
0x9e: {  	[spmem:s2] =	stream.indirect.scatter.add.f32 [tilespmem:s19], [sflag:$0x3], $0x80, s6, s20, $0xb8;
	[tilespmem:$0x1EC00] =	vst v63  }
0x9f: {  	_ =	swait.ge [sflag:s18], $0x4000  }
0xa0: {  	[sflag:s18] =	ssyncset.done $0x0  }
0xa1: {  	s6 =	sadd.s32 $0x100, s5;
	[sflag:s18] =	ssyncadd.s32 $0xFFFFC000  }
0xa2: {  	[tilespmem:s19], [sflag:$0x1] =	stream.indirect.gather [hbm4b:s1+s20], $0x80, s6, s20, $0xb8;
	[tilespmem:$0x1EC00] =	vst v63  }
0xa3: {  	_ =	swait.ge [sflag:s29], $0x4000  }
.Ltmp1:
0xa4: {  	[sflag:s29] =	ssyncset.done $0x0;
	(pc) =	sbr.rel @p0 .LBB2_4-.Ltmp1, $4  }
0xa5: {  	s5 =	sadd.s32 $0x1480, s5;
	[sflag:s29] =	ssyncadd.s32 $0xFFFFC000  }
0xa6: {  	[spmem:s2] =	stream.indirect.scatter.add.f32 [tilespmem:s26], [sflag:$0x3], $0x80, s5, s20, $0xb8;
	[tilespmem:$0x1EC00] =	vst v63  }
0xa7: {  	_ =	swait.ge [sflag:s18], $0x4000  }
0xa8: {  	s6 =	smov.u32 s9;
	s5 =	sshra.s32 s8, $0x2;
	[sflag:s18] =	ssyncset.done $0x0  }
0xa9: {  	s6 =	sadd.s32 $0x80, s5;
	[sflag:s18] =	ssyncadd.s32 $0xFFFFC000  }
0xaa: {  	[tilespmem:s26], [sflag:$0x2] =	stream.indirect.gather [hbm4b:s1+s20], $0x80, s6, s20, $0xb8;
	[tilespmem:$0x1EC00] =	vst v63  }
0xab: {  	_ =	swait.ge [sflag:s28], $0x4000  }
0xac: {  	[sflag:s28] =	ssyncset.done $0x0  }
0xad: {  	s7 =	sadd.s32 $0x1400, s5;
	[sflag:s28] =	ssyncadd.s32 $0xFFFFC000  }
0xae: {  	[spmem:s2] =	stream.indirect.scatter.add.f32 [tilespmem:s19], [sflag:$0x3], $0x80, s7, s20, $0xb8;
	[tilespmem:$0x1EC00] =	vst v63  }
0xaf: {  	_ =	swait.ge [sflag:s18], $0x4000  }
0xb0: {  	[sflag:s18] =	ssyncset.done $0x0  }
0xb1: {  	s8 =	sadd.s32 $0x100, s5;
	[sflag:s18] =	ssyncadd.s32 $0xFFFFC000  }
0xb2: {  	[tilespmem:s19], [sflag:$0x1] =	stream.indirect.gather [hbm4b:s1+s20], $0x80, s8, s20, $0xb8;
	[tilespmem:$0x1EC00] =	vst v63  }
0xb3: {  	_ =	swait.ge [sflag:s29], $0x4000  }
0xb4: {  	[sflag:s29] =	ssyncset.done $0x0  }
0xb5: {  	s9 =	sadd.s32 $0x1480, s5;
	[sflag:s29] =	ssyncadd.s32 $0xFFFFC000  }
0xb6: {  	[spmem:s2] =	stream.indirect.scatter.add.f32 [tilespmem:s26], [sflag:$0x3], $0x80, s9, s20, $0xb8;
	[tilespmem:$0x1EC00] =	vst v63  }
0xb7: {  	_ =	swait.ge [sflag:s18], $0x4000  }
0xb8: {  	[sflag:s18] =	ssyncset.done $0x0  }
0xb9: {  	[sflag:s18] =	ssyncadd.s32 $0xFFFFC000  }
0xba: {  	[tilespmem:s26], [sflag:$0x2] =	stream.indirect.gather [hbm4b:s1+s20], $0x80, s30, s20, $0xb8;
	[tilespmem:$0x1EC00] =	vst v63  }
0xbb: {  	_ =	swait.ge [sflag:s28], $0x4000  }
0xbc: {  	[sflag:s28] =	ssyncset.done $0x0  }
0xbd: {  	[sflag:s28] =	ssyncadd.s32 $0xFFFFC000  }
0xbe: {  	[spmem:s2] =	stream.indirect.scatter.add.f32 [tilespmem:s19], [sflag:$0x3], $0x80, s31, s20, $0xb8;
	[tilespmem:$0x1EC00] =	vst v63  }
0xbf: {  	_ =	swait.ge [sflag:s18], $0x4000  }
0xc0: {  	[sflag:s18] =	ssyncset.done $0x0  }
0xc1: {  	[sflag:s18] =	ssyncadd.s32 $0xFFFFC000  }
0xc2: {  	_ =	swait.ge [sflag:s29], $0x4000  }
0xc3: {  	[sflag:s29] =	ssyncset.done $0x0  }
0xc4: {  	[sflag:s29] =	ssyncadd.s32 $0xFFFFC000  }
0xc5: {  	[spmem:s2] =	stream.indirect.scatter.add.f32 [tilespmem:s26], [sflag:$0x3], $0x80, s0, s20, $0xb8;
	[tilespmem:$0x1EC00] =	vst v63  }
0xc6: {  	_ =	swait.ge [sflag:s18], $0x4000  }
0xc7: {  	[sflag:s18] =	ssyncset.done $0x0  }
0xc8: {  	[sflag:s18] =	ssyncadd.s32 $0xFFFFC000  }
0xc9: {  	[bflag:$0x0] =	sbarrier.arrive $0xFFFF  }
0xca: {  	[tilespmem:s19], [sflag:$0x1] =	stream.indirect.gather [spmem:s2], $0x80, s17, s20, $0xb8;
	[tilespmem:$0x1EC00] =	vst v63  }
0xcb: {  	_ =	swait.ge [sflag:s28], $0x4000  }
0xcc: {  	[sflag:s28] =	ssyncset.done $0x0  }
0xcd: {  	[sflag:s28] =	ssyncadd.s32 $0xFFFFC000  }
0xce: {  	[hbm4b:s11+s4] =	stream.linear.scatter [tilespmem:s19], [sflag:$0x3], $0x4000, $0x38;
	[tilespmem:$0x1EC00] =	vst v63  }
0xcf: {  	_ =	swait.ge [sflag:s18], $0x4000  }
0xd0: {  	[sflag:s18] =	ssyncset.done $0x0  }
0xd1: {  	[sflag:s18] =	ssyncadd.s32 $0xFFFFC000  }
0xd2: {  	[tilespmem:s26], [sflag:$0x2] =	stream.indirect.gather [spmem:s2], $0x80, s21, s20, $0xb8;
	[tilespmem:$0x1EC00] =	vst v63  }
0xd3: {  	_ =	swait.ge [sflag:s29], $0x4000  }
0xd4: {  	[sflag:s29] =	ssyncset.done $0x0  }
0xd5: {  	[sflag:s29] =	ssyncadd.s32 $0xFFFFC000  }
0xd6: {  	[hbm4b:s12+s4] =	stream.linear.scatter [tilespmem:s26], [sflag:$0x3], $0x4000, $0x38;
	[tilespmem:$0x1EC00] =	vst v63  }
0xd7: {  	_ =	swait.ge [sflag:s18], $0x4000  }
0xd8: {  	[sflag:s18] =	ssyncset.done $0x0  }
0xd9: {  	[sflag:s18] =	ssyncadd.s32 $0xFFFFC000  }
0xda: {  	[tilespmem:s19], [sflag:$0x1] =	stream.indirect.gather [spmem:s2], $0x80, s22, s20, $0xb8;
	[tilespmem:$0x1EC00] =	vst v63  }
0xdb: {  	_ =	swait.ge [sflag:s28], $0x4000  }
0xdc: {  	[sflag:s28] =	ssyncset.done $0x0  }
0xdd: {  	[sflag:s28] =	ssyncadd.s32 $0xFFFFC000  }
0xde: {  	[hbm4b:s13+s4] =	stream.linear.scatter [tilespmem:s19], [sflag:$0x3], $0x4000, $0x38;
	[tilespmem:$0x1EC00] =	vst v63  }
0xdf: {  	_ =	swait.ge [sflag:s18], $0x4000  }
0xe0: {  	[sflag:s18] =	ssyncset.done $0x0  }
0xe1: {  	[sflag:s18] =	ssyncadd.s32 $0xFFFFC000  }
0xe2: {  	[tilespmem:s26], [sflag:$0x2] =	stream.indirect.gather [spmem:s2], $0x80, s23, s20, $0xb8;
	[tilespmem:$0x1EC00] =	vst v63  }
0xe3: {  	_ =	swait.ge [sflag:s29], $0x4000  }
0xe4: {  	[sflag:s29] =	ssyncset.done $0x0  }
0xe5: {  	[sflag:s29] =	ssyncadd.s32 $0xFFFFC000  }
0xe6: {  	[hbm4b:s14+s4] =	stream.linear.scatter [tilespmem:s26], [sflag:$0x3], $0x4000, $0x38;
	[tilespmem:$0x1EC00] =	vst v63  }
0xe7: {  	_ =	swait.ge [sflag:s18], $0x4000  }
0xe8: {  	[sflag:s18] =	ssyncset.done $0x0  }
0xe9: {  	[sflag:s18] =	ssyncadd.s32 $0xFFFFC000  }
0xea: {  	[tilespmem:s19], [sflag:$0x1] =	stream.indirect.gather [spmem:s2], $0x80, s24, s20, $0xb8;
	[tilespmem:$0x1EC00] =	vst v63  }
0xeb: {  	s3 =	sadd.s32 $0x1, s3;
	_ =	swait.ge [sflag:s28], $0x4000  }
0xec: {  	p0 =	sne.s32 s3, s16;
	[sflag:s28] =	ssyncset.done $0x0  }
.Ltmp2:
0xed: {  	[sflag:s28] =	ssyncadd.s32 $0xFFFFC000;
	(pc) =	sbr.rel @p0 .LBB2_1-.Ltmp2, $4  }
0xee: {  	[hbm4b:s15+s4] =	stream.linear.scatter [tilespmem:s19], [sflag:$0x3], $0x4000, $0x38;
	[tilespmem:$0x1EC00] =	vst v63  }
0xef: {  	_ =	swait.ge [sflag:s18], $0x4000  }
0xf0: {  	[sflag:s18] =	ssyncset.done $0x0  }
0xf1: {  	[sflag:s18] =	ssyncadd.s32 $0xFFFFC000  }
0xf2: {  	_ =	sfence.sel $0x180000  }
0xf3: {  	[bflag:$0x0] =	sbarrier.arrive $0xFFFF  }
0xf4: {  	_ =	strace $0x9000004D  }
0xf5: {  	s0 =	stileid.u32;
	[bflag:$0x2] =	sbarrier.arrive $0xFFFF  }
0xf6: {  	p0 =	sne.s32 s0, $0x0;
	s0 =	rddreg [dreg:$0x3]  }
0xf7: {  	s0 =	sadd.s32 @!p0 $0x100000, s0  }
0xf8: {  	[sflag:s0] =	ssyncadd.tile.s32 @!p0 $0x1;
	_ =	shalt  }
.Lfunc_end2:
_tile_overlayer_lowered:
.L_overlay_start_2:
0xf9: {  	(tag) =	ssettag $0x2  }
0xfa: {  	s0 =	rddreg [dreg:$0x0];
	s2 =	stileid.u32  }
0xfb: {  	s1 =	rddreg [dreg:$0x1];
	p0 =	sne.s32 s2, $0x0  }
0xfc: {  	s3 =	rddreg [dreg:$0x2];
	[bflag:$0x3] =	sbarrier.arrive $0xFFFF;
	s2 =	simm.s32 @!p0 $0x1C03  }
0xfd: {  	[timem:s3], [sflag:s2] =	dma.local @!p0 [hbm:s0], s1  }
0xfe: {  	s0 =	simm.s32 @!p0 $0x3  }
0xff: {  	_ =	swait.ge @!p0 [sflag:s0], s1  }
0x100: {  	s1 =	ssub.s32 @!p0 $0x0, s1;
	[sflag:s0] =	ssyncset.done @!p0 $0x0  }
0x101: {  	[sflag:s0] =	ssyncadd.s32 @!p0 s1  }
0x102: {  	[bflag:$0x3] =	sbarrier.arrive $0xFFFF  }
0x103: {  	_ =	shalt  }

// kernel: kernel.8.cloned.1.call-start
scs
__scs_entry_jumppad:
0x0: {  	(pc) =	sbr.rel $0x88, $3  }
0x1: {  	(tag) =	ssettag $0x0;
	lr =	simm.s32 $0x1  }
0x2: {  	[smem:$0x3F9B] =	sst lr;
	_ =	strace $0xD0000000  }
0x3: {  	_ = 	snop  }
0x4: {  	_ = 	snop  }
0x5: {  	_ = 	snop  }
0x6: {  	_ = 	snop  }
0x7: {  	_ = 	snop  }
__scs_overlays_trampoline_lowered:
0x8: {  	[smem:$0x3FAA] =	sst s0  }
0x9: {  	[smem:$0x3FAB] =	sst s1  }
0xa: {  	[smem:$0x3FAC] =	sst s2  }
0xb: {  	[smem:$0x3FAD] =	sst s3  }
0xc: {  	[smem:$0x3FAE] =	sst s4  }
0xd: {  	[smem:$0x3FAF] =	sst s5  }
0xe: {  	[smem:$0x3FB0] =	sst s6  }
0xf: {  	[smem:$0x3FB1] =	sst s7  }
0x10: {  	[smem:$0x3FB2] =	sst s8  }
0x11: {  	[smem:$0x3FB3] =	sst s9;
	s0 =	simm.s32 @!p0 $0x0  }
0x12: {  	s1 =	sld [smem:$0x3F99];
	s0 =	simm.s32 @p0 $0x1  }
0x13: {  	[smem:$0x3FB4] =	sst s0;
	s0 =	simm.s32 @!p1 $0x0  }
0x14: {  	s2 =	sld [smem:$0x3F98];
	s0 =	simm.s32 @p1 $0x1  }
0x15: {  	[smem:$0x3FB5] =	sst s0;
	s0 =	simm.s32 @!p2 $0x0  }
0x16: {  	s3 =	sld [smem:$0x3FDB];
	s0 =	simm.s32 @p2 $0x1  }
0x17: {  	s4 =	simm.s32 $0x1BF5;
	[smem:$0x3FB7] =	sst s0  }
0x18: {  	s0 =	sld [smem:$0x3F9A];
	_ =	swait.ge [sflag:s4], $0x0  }
0x19: {  	s7 =	sld [smem:$0x3F9B]  }
0x1a: {  	s8 =	sadd.s32 $0xFFFFE003, lr  }
0x1b: {  	s9 =	sadd.s32 $0xFFFFFEF7, lr;
	s5 =	simm.s32 $0xFFFFFFFF;
	p2 =	slt.u32 s8, $0xFFFFF086  }
0x1c: {  	p1 =	slt.u32 s9, $0xF7A;
	s5 =	simm.s32 @!p2 $0x0  }
0x1d: {  	s5 =	simm.s32 @p1 $0x1;
	p0 =	seq.s32 s7, s2  }
0x1e: {  	s7 =	smul.u32 @!p0 $0xF7A, s2;
	p2 =	seq.s32 @!p0 s5, $0x0  }
0x1f: {  	s9 =	smul.u32 $0xF7A, s1;
	s8 =	simm.s32 @!p0 $0x1BF5;
	p2 =	por !p2, p0  }
0x20: {  	[sflag:s8] =	ssyncset.s32 @!p0 $0xFFFFF086;
	s6 =	sadd.s32 @!p0 s3, s7;
	s7 =	simm.s32 @!p0 $0x108  }
0x21: {  	s3 =	sadd.s32 s3, s9;
	s6 =	sadd.s32 @!p0 $0x88, s6;
	s7 =	simm.s32 @p2 $0x1082  }
0x22: {  	[simem:s7], [sflag:s8] =	dma.local @!p0 [hbm:s6], $0xF7A  }
0x23: {  	s9 =	sor.u32 $0xD0000000, s2;
	s6 =	simm.s32 $0x108;
	_ =	swait.ge @!p0 [sflag:s8], $0x0  }
0x24: {  	s3 =	sadd.s32 $0x88, s3;
	s6 =	simm.s32 @!p1 $0x1082;
	[sflag:s4] =	ssyncset.s32 $0xFFFFF086  }
0x25: {  	[simem:s6], [sflag:s4] =	dma.local [hbm:s3], $0xF7A  }
0x26: {  	[smem:$0x3F9B] =	sst s1;
	(tag) =	ssettag s2;
	_ =	strace s9  }
0x27: {  	s1 =	sld [smem:$0x3FAB]  }
0x28: {  	s2 =	sld [smem:$0x3FAC]  }
0x29: {  	s4 =	sld [smem:$0x3FAE]  }
0x2a: {  	p0 =	seq.s32 s5, $0x0;
	s5 =	sld [smem:$0x3FAF]  }
0x2b: {  	s6 =	sld [smem:$0x3FB0]  }
0x2c: {  	s7 =	sld [smem:$0x3FB1]  }
0x2d: {  	s3 =	simm.s32 $0x108;
	s8 =	sld [smem:$0x3FB2]  }
0x2e: {  	s3 =	simm.s32 @!p0 $0x1082;
	s9 =	sld [smem:$0x3FB3]  }
0x2f: {  	lr =	sadd.s32 s0, s3;
	s0 =	sld [smem:$0x3FAA]  }
0x30: {  	s3 =	sld [smem:$0x3FAD]  }
0x31: {  	[smem:$0x3FB6] =	sst s10  }
0x32: {  	s10 =	sld [smem:$0x3FB4];
	_ =	sdelay $0x3  }
0x33: {  	p0 =	seq.s32 s10, $0x1;
	s10 =	sld [smem:$0x3FB6];
	_ =	sdelay $0x3  }
0x34: {  	[smem:$0x3FB6] =	sst s10  }
0x35: {  	s10 =	sld [smem:$0x3FB5];
	_ =	sdelay $0x3  }
0x36: {  	p1 =	seq.s32 s10, $0x1;
	s10 =	sld [smem:$0x3FB6];
	_ =	sdelay $0x3  }
0x37: {  	[smem:$0x3FB6] =	sst s10  }
0x38: {  	s10 =	sld [smem:$0x3FB7]  }
0x39: {  	_ = 	snop;
	(pc) =	sbr.ind lr, $3  }
0x3a: {  	_ = 	snop  }
0x3b: {  	_ = 	snop  }
0x3c: {  	p2 =	seq.s32 s10, $0x1;
	s10 =	sld [smem:$0x3FB6]  }
0x3d: {  	_ =	shalt  }
0x3e: {  	_ =	shalt  }
0x3f: {  	_ =	shalt  }
0x40: {  	_ =	shalt  }
0x41: {  	_ =	shalt  }
0x42: {  	_ =	shalt  }
0x43: {  	_ =	shalt  }
0x44: {  	_ =	shalt  }
0x45: {  	_ =	shalt  }
0x46: {  	_ =	shalt  }
0x47: {  	_ =	shalt  }
0x48: {  	_ =	shalt  }
0x49: {  	_ =	shalt  }
0x4a: {  	_ =	shalt  }
0x4b: {  	_ =	shalt  }
0x4c: {  	_ =	shalt  }
0x4d: {  	_ =	shalt  }
0x4e: {  	_ =	shalt  }
0x4f: {  	_ =	shalt  }
0x50: {  	_ =	shalt  }
0x51: {  	_ =	shalt  }
0x52: {  	_ =	shalt  }
0x53: {  	_ =	shalt  }
0x54: {  	_ =	shalt  }
0x55: {  	_ =	shalt  }
0x56: {  	_ =	shalt  }
0x57: {  	_ =	shalt  }
0x58: {  	_ =	shalt  }
0x59: {  	_ =	shalt  }
0x5a: {  	_ =	shalt  }
0x5b: {  	_ =	shalt  }
0x5c: {  	_ =	shalt  }
0x5d: {  	_ =	shalt  }
0x5e: {  	_ =	shalt  }
0x5f: {  	_ =	shalt  }
0x60: {  	_ =	shalt  }
0x61: {  	_ =	shalt  }
0x62: {  	_ =	shalt  }
0x63: {  	_ =	shalt  }
0x64: {  	_ =	shalt  }
0x65: {  	_ =	shalt  }
0x66: {  	_ =	shalt  }
0x67: {  	_ =	shalt  }
0x68: {  	_ =	shalt  }
0x69: {  	_ =	shalt  }
0x6a: {  	_ =	shalt  }
0x6b: {  	_ =	shalt  }
0x6c: {  	_ =	shalt  }
0x6d: {  	_ =	shalt  }
0x6e: {  	_ =	shalt  }
0x6f: {  	_ =	shalt  }
0x70: {  	_ =	shalt  }
0x71: {  	_ =	shalt  }
0x72: {  	_ =	shalt  }
0x73: {  	_ =	shalt  }
0x74: {  	_ =	shalt  }
0x75: {  	_ =	shalt  }
0x76: {  	_ =	shalt  }
0x77: {  	_ =	shalt  }
0x78: {  	_ =	shalt  }
0x79: {  	_ =	shalt  }
0x7a: {  	_ =	shalt  }
0x7b: {  	_ =	shalt  }
0x7c: {  	_ =	shalt  }
0x7d: {  	_ =	shalt  }
0x7e: {  	_ =	shalt  }
0x7f: {  	_ =	shalt  }
0x80: {  	_ =	shalt  }
0x81: {  	_ =	shalt  }
0x82: {  	_ =	shalt  }
0x83: {  	_ =	shalt  }
0x84: {  	_ =	shalt  }
0x85: {  	_ =	shalt  }
0x86: {  	_ =	shalt  }
0x87: {  	_ =	shalt  }
.Lfunc_end0:
.L_simem_size_0:
called_computation_lowered:
.L_overlay_start_0:
0x88: {  	s2 =	sld [smem:$0x3FD9]  }
0x89: {  	s3 =	sld [smem:$0x3FFE];
	_ =	sdelay $0x1  }
0x8a: {  	s1 =	srdreg.scid  }
0x8b: {  	s0 =	sand.u32 $0x1, s1  }
0x8c: {  	s17 =	sshll.u32 s0, $0xA;
	s2 =	sadd.s32 s3, s2  }
0x8d: {  	s2 =	sadd.s32 s2, s17  }
0x8e: {  	[smem:$0x3FC2] =	sst s2  }
0x8f: {  	_ = 	snop  }
0x90: {  	s2 =	sld [smem:$0x3FD0];
	(tm) =	ssettm $0x1  }
0x91: {  	s18 =	sld [smem:$0x3FFB];
	_ =	sdelay $0x3  }
0x92: {  	_ =	strace s18  }
0x93: {  	s3 =	sld [smem:$0x3FFC];
	_ =	sdelay $0x3  }
0x94: {  	_ =	strace s3  }
0x95: {  	s3 =	sld [smem:$0x3FFD];
	_ =	sdelay $0x3  }
0x96: {  	_ =	strace s3  }
0x97: {  	_ =	strace $0x8FFFFFFF  }
0x98: {  	s19 =	sld [smem:$0x3FDB];
	_ =	sdelay $0x1  }
0x99: {  	s4 =	simm.s32 $_scs_section_size  }
0x9a: {  	s5 =	simm.s32 $_size__tile_overlayer_lowered;
	s6 =	simm.s32 $_tile_overlayer_lowered  }
0x9b: {  	s22 =	simm.s32 $0x1BFF;
	s21 =	sshll.u32 s6, $0x1;
	s3 =	sadd.s32 s4, s19  }
0x9c: {  	s7 =	simm.s32 $0x0;
	s20 =	sshll.u32 s5, $0x1;
	s5 =	sadd.s32 s21, s3  }
0x9d: {  	[timem:s7], [sflag:s22] =	dma.local [hbm:s5], s20  }
0x9e: {  	_ =	swait.ge [sflag:s22], s20  }
0x9f: {  	s4 =	ssub.s32 $0x0, s20;
	[sflag:s22] =	ssyncset.done $0x0  }
0xa0: {  	[sflag:s22] =	ssyncadd.s32 s4;
	_ =	sdelay $0x1  }
0xa1: {  	s23 =	simm.s32 $0x1B8B  }
0xa2: {  	_ =	swait.ge [sflag:s23], $0x1  }
0xa3: {  	[sflag:s23] =	ssyncset.done $0x0  }
0xa4: {  	s25 =	simm.s32 $0x1B8E;
	s24 =	sld [smem:$0x3FFE];
	[sflag:s23] =	ssyncadd.s32 $0xFFFFFFFF  }
0xa5: {  	s26 =	simm.s32 $execute0_lowered;
	[smem:$0x3FD2] =	sst s25  }
0xa6: {  	s5 =	sshll.u32 s26, $0x1;
	_ =	strace $0x80000046;
	[dreg:$0x1] =	wrdreg $0xFFFFFFFF  }
0xa7: {  	s28 =	simm.s32 $_size_execute0_lowered;
	s3 =	sadd.s32 s3, s5;
	[dreg:$0x0] =	wrdreg $0x0  }
0xa8: {  	s5 =	sshll.u32 s28, $0x1;
	[dreg:$0x2] =	wrdreg s3  }
0xa9: {  	[dreg:$0x3] =	wrdreg s5  }
0xaa: {  	[dreg:$0x4] =	wrdreg $0xC0  }
0xab: {  	_ =	task [dreg:s7], $0x5FFFF  }
0xac: {  	[dreg:$0x1] =	wrdreg $0xFFFFFFFF  }
0xad: {  	[dreg:$0x0] =	wrdreg $0x60  }
0xae: {  	[dreg:$0x2] =	wrdreg s24  }
0xaf: {  	[dreg:$0x3] =	wrdreg s2  }
0xb0: {  	[dreg:$0x4] =	wrdreg $0x28800  }
0xb1: {  	[dreg:$0x5] =	wrdreg $0x9  }
0xb2: {  	_ =	task.clear_ibuf [dreg:s7], $0x6FFFF;
	_ =	strace $0x90000046  }
0xb3: {  	s29 =	simm.s32 $0x9;
	_ =	strace $0x80000048  }
0xb4: {  	_ =	swait.ge [sflag:s29], $0x1  }
0xb5: {  	[sflag:s29] =	ssyncadd.s32 $0xFFFFFFFF  }
0xb6: {  	_ =	strace $0x90000048  }
0xb7: {  	_ =	sfence  }
0xb8: {  	s30 =	sld [smem:$0x0];
	_ =	sdelay $0x2  }
0xb9: {  	s31 =	sshll.u32 s1, $0xD;
	s1 =	sshrl.u32 s1, $0x2  }
0xba: {  	s3 =	sand.u32 $0x4000, s31;
	s1 =	sadd.s32 s1, s30  }
0xbb: {  	s0 =	sor.u32 s3, s0;
	s1 =	sshll.u32 s1, $0x11  }
0xbc: {  	s0 =	sor.u32 s1, s0  }
0xbd: {  	s0 =	sadd.s32 $0x8F2B, s0  }
0xbe: {  	[sflag:s0] =	ssyncadd.remote.s32 $0x1  }
0xbf: {  	_ =	sfence.sel $0xFFFF  }
0xc0: {  	[dreg:$0x0] =	wrdreg $0xFFFFFFFF;
	(pc) =	sbr.abs _section_cstart, $3  }
0xc1: {  	[dreg:$0x1] =	wrdreg $0xFFFFFFFF  }
0xc2: {  	_ =	task.clear_ibuf [dreg:s7], $0x2FFFF;
	_ =	strace $0x9FFFFFFF  }
0xc3: {  	(tm) =	ssettm $0x7FFFFFFF  }
tec
execute0_lowered:
.L_overlay_start_1:
0x0: {  	(tag) =	ssettag $0x1  }
0x1: {  	s4 =	rddreg [dreg:$0x0]  }
0x2: {  	s6 =	rddreg [dreg:$0x1];
	s0 =	srdreg.scid  }
0x3: {  	s8 =	stileid.u32;
	s1 =	rddreg [dreg:$0x2]  }
0x4: {  	s2 =	simm.s32 $0x0;
	s11 =	simm.s32 $0x80;
	s12 =	simm.s32 $0x0  }
0x5: {  	s5 =	sand.u32 $0x1, s0;
	s3 =	sshll.u32 s8, $0x1;
	s0 =	rddreg [dreg:$0x3]  }
0x6: {  	[smem:$0x7FF] =	sst s2;
	p0 =	sne.s32 s8, $0x0;
	s8 =	simm.s32 $0x1  }
0x7: {  	s3 =	sor.u32 s5, s3;
	_ =	strace $0x80000047;
	s7 =	ssub.s32 $0x2, s5  }
0x8: {  	s31 =	sshll.u32 s5, $0x4;
	s3 =	smul.u32 $0x500, s3;
	s10 =	sshrl.u32 s7, $0x1  }
0x9: {  	s6 =	sadd.s32 s6, s31;
	s7 =	ssub.s32 s7, s10;
	s10 =	sshrl.u32 @!p0 s1, $0x3  }
0xa: {  	s9 =	sadd.s32 s3, s4;
	s3 =	sadd.s32 $0x16600, s4;
	s4 =	sadd.s32 $0x16800, s4  }
0xb: {  	s7 =	smax.u32 s7, $0x1;
	s5 =	sadd.s32 $0xC600, s9;
	s9 =	simm.s32 $0x2800  }
.LBB2_1:
0xc: {  	[tilespmem:s2], [sflag:$0x1] =	stream.linear.gather [hbm4b:s5+s2], $0x2800, $0x38;
	[tilespmem:$0x2B00] =	vst v63  }
0xd: {  	_ =	swait.ge [sflag:s8], $0x2800  }
0xe: {  	[sflag:s8] =	ssyncset.done $0x0  }
0xf: {  	[sflag:s8] =	ssyncadd.s32 $0xFFFFD800  }
0x10: {  	[tilespmem:s9], [sflag:$0x1] =	stream.linear.gather [hbm4b:s3+s2], $0x80, $0x38;
	[tilespmem:$0x2B00] =	vst v63  }
0x11: {  	_ =	swait.ge [sflag:s8], $0x80  }
0x12: {  	[sflag:s8] =	ssyncset.done $0x0  }
0x13: {  	s13 =	simm.s32 @!p0 $0x1C01;
	[sflag:s8] =	ssyncadd.s32 $0xFFFFFF80  }
0x14: {  	[spmem:s10], [sflag:s13] =	dma.local @!p0 [hbm:s4], $0x500  }
0x15: {  	s13 =	simm.s32 @!p0 $0x1  }
0x16: {  	_ =	swait.ge @!p0 [sflag:s13], $0x500  }
0x17: {  	[sflag:s13] =	ssyncset.done @!p0 $0x0  }
0x18: {  	[sflag:s13] =	ssyncadd.s32 @!p0 $0xFFFFFB00  }
0x19: {  	s31 =	simm.s32 $0x0;
	[bflag:$0x0] =	sbarrier.arrive $0xFFFF  }
0x1a: {  	[spmem:s1] =	stream.indirect.scatter.add.f32 [tilespmem:s9], [sflag:$0x1], $0x1, s31, s11, $0xb8;
	[tilespmem:$0x2B00] =	vst v63  }
0x1b: {  	_ =	swait.ge [sflag:s8], $0x80  }
0x1c: {  	s13 =	simm.s32 $0x200;
	[sflag:s8] =	ssyncset.done $0x0  }
.LBB2_2:
0x1d: {  	s14 =	sshra.s32 s13, $0x2;
	[sflag:s8] =	ssyncadd.s32 $0xFFFFFF80;
	p1 =	sne.s32 s13, $0x9E00  }
0x1e: {  	[spmem:s1] =	stream.indirect.scatter.add.f32 [tilespmem:s9], [sflag:$0x1], $0x1, s14, s11, $0xb8;
	[tilespmem:$0x2B00] =	vst v63  }
.Ltmp0:
0x1f: {  	_ = 	snop;
	(pc) =	sbr.rel @p1 .LBB2_2-.Ltmp0, $4  }
0x20: {  	_ = 	snop  }
0x21: {  	s13 =	sadd.s32 $0x200, s13  }
0x22: {  	_ =	swait.ge [sflag:s8], $0x80  }
0x23: {  	[sflag:s8] =	ssyncset.done $0x0  }
0x24: {  	[sflag:s8] =	ssyncadd.s32 $0xFFFFFF80;
	s13 =	simm.s32 @!p0 $0x1;
	s12 =	sadd.s32 $0x1, s12  }
0x25: {  	s14 =	simm.s32 @!p0 $0x20;
	s15 =	simm.s32 @!p0 $0x10;
	p1 =	sne.s32 s12, s7  }
.Ltmp1:
0x26: {  	s16 =	simm.s32 @!p0 $0x1C01;
	[bflag:$0x0] =	sbarrier.arrive $0xFFFF;
	(pc) =	sbr.rel @p1 .LBB2_1-.Ltmp1, $4  }
0x27: {  	[hbm:s6@s14], [sflag:s16] =	dma.strided @!p0 [spmem:s10@s15], $0x500, s13, $0x10   }
0x28: {  	_ =	swait.ge @!p0 [sflag:s13], $0x500  }
0x29: {  	[sflag:s13] =	ssyncset.done @!p0 $0x0  }
0x2a: {  	[sflag:s13] =	ssyncadd.s32 @!p0 $0xFFFFFB00  }
0x2b: {  	_ =	sfence.sel $0x180000  }
0x2c: {  	[bflag:$0x0] =	sbarrier.arrive $0xFFFF  }
0x2d: {  	_ =	strace $0x90000047  }
0x2e: {  	s0 =	sadd.s32 @!p0 $0x100000, s0;
	[bflag:$0x2] =	sbarrier.arrive $0xFFFF  }
0x2f: {  	[sflag:s0] =	ssyncadd.tile.s32 @!p0 $0x1;
	_ =	shalt  }
.Lfunc_end2:
_tile_overlayer_lowered:
.L_overlay_start_2:
0x30: {  	(tag) =	ssettag $0x2  }
0x31: {  	s0 =	rddreg [dreg:$0x0];
	s2 =	stileid.u32  }
0x32: {  	s1 =	rddreg [dreg:$0x1];
	p0 =	sne.s32 s2, $0x0  }
0x33: {  	s3 =	rddreg [dreg:$0x2];
	[bflag:$0x3] =	sbarrier.arrive $0xFFFF;
	s2 =	simm.s32 @!p0 $0x1C01  }
0x34: {  	[timem:s3], [sflag:s2] =	dma.local @!p0 [hbm:s0], s1  }
0x35: {  	s0 =	simm.s32 @!p0 $0x1  }
0x36: {  	_ =	swait.ge @!p0 [sflag:s0], s1  }
0x37: {  	s1 =	ssub.s32 @!p0 $0x0, s1;
	[sflag:s0] =	ssyncset.done @!p0 $0x0  }
0x38: {  	[sflag:s0] =	ssyncadd.s32 @!p0 s1  }
0x39: {  	[bflag:$0x3] =	sbarrier.arrive $0xFFFF  }
0x3a: {  	_ =	shalt  }

</sc_bundles>
